<compile_context>
chip_gen: v7x
topology: tpu7x:2x2x1
jax: 0.10.2.dev20260603
libtpu: 0.0.44.dev20260713+nightly
codegen_flags: <defaults>
</compile_context>

<pallas_src>
import functools

import jax
import jax.numpy as jnp
from jax import lax
from jax.experimental import pallas as pl
from jax.experimental.pallas import tpu as pltpu
from jax.experimental.pallas import tpu_sc as plsc

N = 50000
E = 800000
EL = 100000
D2 = 32
H = 64
OUT = 128

NC = 2
NS = 16
NPAD = 50176
TECROWS = NPAD // NS
NPROWS = NPAD // 4
EROWS = 6272
EPAD = EROWS * 128
RPC = 2
TEC_EROWS = EROWS // NS
CHUNKS = TEC_EROWS // RPC
ELPAD = 100352
ELTEC = ELPAD // (NC * NS)
NP8 = NPAD


def _mesh():
  return plsc.VectorSubcoreMesh(core_axis_name="c", subcore_axis_name="s",
                                num_cores=NC, num_subcores=NS)


def _perm(i):
  b = i // 1024
  w = i % 1024
  return b * 1024 + (w % 256) * 4 + w // 256




def _tc_embed(xt, xa, wt, bt, wa, ba):
  B = 1024

  def body(xt_ref, xa_ref, wt_ref, bt_ref, wa_ref, ba_ref, lo_ref, hi_ref):
    ylo = jnp.dot(xt_ref[...], wt_ref[...],
                  preferred_element_type=jnp.float32) + bt_ref[...]
    yhi = jnp.dot(xa_ref[...], wa_ref[...],
                  preferred_element_type=jnp.float32) + ba_ref[...]
    for a in range(4):
      lo_ref[:, 32 * a:32 * (a + 1)] = ylo[256 * a:256 * (a + 1), :]
      hi_ref[:, 32 * a:32 * (a + 1)] = yhi[256 * a:256 * (a + 1), :]

  return pl.pallas_call(
      body,
      grid=(NPAD // B,),
      in_specs=[
          pl.BlockSpec((B, 768), lambda i: (i, 0)),
          pl.BlockSpec((B, 768), lambda i: (i, 0)),
          pl.BlockSpec((768, D2), lambda i: (0, 0)),
          pl.BlockSpec((1, D2), lambda i: (0, 0)),
          pl.BlockSpec((768, D2), lambda i: (0, 0)),
          pl.BlockSpec((1, D2), lambda i: (0, 0)),
      ],
      out_specs=[pl.BlockSpec((256, 128), lambda i: (i, 0))] * 2,
      out_shape=[jax.ShapeDtypeStruct((NPROWS, 128), jnp.float32)] * 2,
  )(xt, xa, wt, bt.reshape(1, D2), wa, ba.reshape(1, D2))


def _tc_sage(agglo, agghi, cntp, slo, shi, w_mats, b_lo, b_hi, relu):
  B = 256

  def body(al, ah, ct, xl, xh, m0, m1, m2, m3, m4, m5, m6, m7, bl, bh,
           ol, oh):
    inv = 1.0 / jnp.maximum(ct[...], 1.0)
    ml = al[...] * inv
    mh = ah[...] * inv
    dot = lambda x, w: jnp.dot(x, w[...], preferred_element_type=jnp.float32)
    hl = dot(ml, m0) + dot(mh, m1) + dot(xl[...], m2) + dot(xh[...], m3) + bl[...]
    hh = dot(ml, m4) + dot(mh, m5) + dot(xl[...], m6) + dot(xh[...], m7) + bh[...]
    if relu:
      hl = jnp.maximum(hl, 0.0)
      hh = jnp.maximum(hh, 0.0)
    ol[...] = hl
    oh[...] = hh

  row = lambda i: (i, 0)
  fixed = lambda i: (0, 0)
  wspec = pl.BlockSpec((128, 128), fixed)
  return pl.pallas_call(
      body,
      grid=(NPROWS // B,),
      in_specs=[pl.BlockSpec((B, 128), row)] * 5 + [wspec] * 8 +
               [pl.BlockSpec((1, 128), fixed)] * 2,
      out_specs=[pl.BlockSpec((B, 128), row)] * 2,
      out_shape=[jax.ShapeDtypeStruct((NPROWS, 128), jnp.float32)] * 2,
  )(agglo, agghi, cntp, slo, shi, *w_mats, b_lo, b_hi)




def _sc_counts(sd2d):

  @functools.partial(
      pl.kernel,
      out_type=(jax.ShapeDtypeStruct((NPAD, 16), jnp.float32),
                jax.ShapeDtypeStruct((NPAD, 16), jnp.float32)),
      mesh=_mesh(),
      compiler_params=pltpu.CompilerParams(use_tc_tiling_on_sc=False),
      scratch_types=[
          pltpu.VMEM_SHARED((NPAD, 16), jnp.float32),
          pltpu.VMEM((128, 16), jnp.float32),
          pltpu.VMEM((4, 4, 2, 128), jnp.int32),
          pltpu.VMEM((196, 16), jnp.float32),
          pltpu.SemaphoreType.DMA,
          pltpu.SemaphoreType.DMA,
      ],
  )
  def run(dst_hbm, out0, out1, cnt, ones, didx, zbuf, isem, ssem):
    c = lax.axis_index("c")
    s = lax.axis_index("s")
    one = jnp.ones((16,), jnp.float32)
    zero = jnp.zeros((16,), jnp.float32)

    def fill_ones(i, carry):
      ones[i, pl.ds(0, 16)] = one
      return carry

    lax.fori_loop(0, 128, fill_ones, 0)

    def fill_zero(i, carry):
      zbuf[i, pl.ds(0, 16)] = zero
      return carry

    lax.fori_loop(0, 196, fill_zero, 0)

    def zero_acc(t, carry):
      pltpu.sync_copy(zbuf, cnt.at[pl.ds(s * TECROWS + t * 196, 196), :])
      return carry

    lax.fori_loop(0, 16, zero_acc, 0)
    plsc.subcore_barrier()

    base = (c * NS + s) * (EROWS // (NC * NS))

    def fire_idx(k):
      pltpu.async_copy(dst_hbm.at[pl.ds(base + k * 4, 4), :, :],
                       didx.at[lax.rem(k, 4)], isem)

    def wait_idx(k):
      pltpu.make_async_copy(dst_hbm.at[pl.ds(0, 4), :, :],
                            didx.at[lax.rem(k, 4)], isem).wait()

    def fire_scatters(k):
      s4 = lax.rem(k, 4)
      for j in range(4):
        pltpu.async_copy(ones, cnt.at[didx.at[s4, j, 1]], ssem, add=True)

    def drain(k):
      s4 = lax.rem(k, 4)
      for j in range(4):
        pltpu.make_async_copy(ones, cnt.at[didx.at[s4, j, 1]], ssem).wait()

    fire_idx(0)
    fire_idx(1)

    def body(k, carry):
      wait_idx(k)

      @pl.when(k >= 1)
      def _():
        drain(k - 1)

      @pl.when(k + 2 < 49)
      def _():
        fire_idx(k + 2)

      fire_scatters(k)
      return carry

    lax.fori_loop(0, 49, body, 0)
    drain(48)
    plsc.subcore_barrier()

    @pl.when(c == 0)
    def _():
      pltpu.sync_copy(cnt.at[pl.ds(s * TECROWS, TECROWS), :],
                      out0.at[pl.ds(s * TECROWS, TECROWS), :])

    @pl.when(c == 1)
    def _():
      pltpu.sync_copy(cnt.at[pl.ds(s * TECROWS, TECROWS), :],
                      out1.at[pl.ds(s * TECROWS, TECROWS), :])

  return run(sd2d)


def _sc_scatter(sd2d, tlo, thi):

  @functools.partial(
      pl.kernel,
      out_type=(jax.ShapeDtypeStruct((NPAD, D2), jnp.float32),
                jax.ShapeDtypeStruct((NPAD, D2), jnp.float32)),
      mesh=_mesh(),
      compiler_params=pltpu.CompilerParams(use_tc_tiling_on_sc=False),
      scratch_types=[
          pltpu.VMEM_SHARED((NPAD, D2), jnp.float32),
          pltpu.VMEM((4, RPC, 2, 128), jnp.int32),
          pltpu.VMEM((2, RPC * 128, D2), jnp.float32),
          pltpu.SemaphoreType.DMA,
          pltpu.SemaphoreType.DMA,
          pltpu.SemaphoreType.DMA,
      ],
  )
  def run(sd_hbm, tlo_hbm, thi_hbm, out_lo, out_hi,
          acc, idx, rows, isem, gsem, ssem):
    c = lax.axis_index("c")
    s = lax.axis_index("s")
    zero = jnp.zeros((16,), jnp.float32)

    def fill_zero(i, carry):
      rows[0, i, pl.ds(0, 16)] = zero
      rows[0, i, pl.ds(16, 16)] = zero
      rows[1, i, pl.ds(0, 16)] = zero
      rows[1, i, pl.ds(16, 16)] = zero
      return carry

    lax.fori_loop(0, RPC * 128, fill_zero, 0)
    nz = TECROWS // (RPC * 128)

    def zero_acc(t, carry):
      pltpu.sync_copy(rows.at[0],
                      acc.at[pl.ds(s * TECROWS + t * (RPC * 128), RPC * 128), :])
      return carry

    lax.fori_loop(0, nz, zero_acc, 0)
    rem = TECROWS - nz * RPC * 128
    if rem:
      pltpu.sync_copy(rows.at[1, pl.ds(0, rem), :],
                      acc.at[pl.ds(s * TECROWS + nz * RPC * 128, rem), :])
    plsc.subcore_barrier()

    base = s * TEC_EROWS

    def fire_idx(k):
      pltpu.async_copy(sd_hbm.at[pl.ds(base + k * RPC, RPC), :, :],
                       idx.at[lax.rem(k, 4)], isem)

    def wait_idx(k):
      pltpu.make_async_copy(sd_hbm.at[pl.ds(0, RPC), :, :],
                            idx.at[lax.rem(k, 4)], isem).wait()

    def fire_gathers(tbl, k):
      s4 = lax.rem(k, 4)
      s2 = lax.rem(k, 2)
      for j in range(RPC):
        pltpu.async_copy(tbl.at[idx.at[s4, j, 0]],
                         rows.at[s2, pl.ds(j * 128, 128), :], gsem)

    def fire_gathers_c(k):
      @pl.when(c == 0)
      def _():
        fire_gathers(tlo_hbm, k)

      @pl.when(c == 1)
      def _():
        fire_gathers(thi_hbm, k)

    def drain(k, sem):
      s2 = lax.rem(k, 2)
      pltpu.make_async_copy(tlo_hbm.at[pl.ds(0, RPC * 128), :],
                            rows.at[s2], sem).wait()

    def fire_scatters(k):
      s4 = lax.rem(k, 4)
      s2 = lax.rem(k, 2)
      for j in range(RPC):
        pltpu.async_copy(rows.at[s2, pl.ds(j * 128, 128), :],
                         acc.at[idx.at[s4, j, 1]], ssem, add=True)

    fire_idx(0)
    fire_idx(1)
    wait_idx(0)
    fire_gathers_c(0)

    def body(k, carry):
      drain(k, gsem)

      @pl.when(k >= 1)
      def _():
        drain(k - 1, ssem)

      @pl.when(k + 2 < CHUNKS)
      def _():
        fire_idx(k + 2)

      @pl.when(k + 1 < CHUNKS)
      def _():
        wait_idx(k + 1)
        fire_gathers_c(k + 1)

      fire_scatters(k)
      return carry

    lax.fori_loop(0, CHUNKS, body, 0)
    drain(CHUNKS - 1, ssem)
    plsc.subcore_barrier()

    @pl.when(c == 0)
    def _():
      pltpu.sync_copy(acc.at[pl.ds(s * TECROWS, TECROWS), :],
                      out_lo.at[pl.ds(s * TECROWS, TECROWS), :])

    @pl.when(c == 1)
    def _():
      pltpu.sync_copy(acc.at[pl.ds(s * TECROWS, TECROWS), :],
                      out_hi.at[pl.ds(s * TECROWS, TECROWS), :])

  return run(sd2d, tlo, thi)


def _sc_edge_gather(pqc, i0, i1):
  CH = 112
  NCH = ELTEC // CH

  @functools.partial(
      pl.kernel,
      out_type=jax.ShapeDtypeStruct((ELPAD,), jnp.float32),
      mesh=_mesh(),
      compiler_params=pltpu.CompilerParams(use_tc_tiling_on_sc=False,
                                           needs_layout_passes=False),
      scratch_types=[
          pltpu.VMEM((ELTEC,), jnp.int32),
          pltpu.VMEM((ELTEC,), jnp.int32),
          pltpu.VMEM((ELTEC,), jnp.float32),
          pltpu.VMEM((2 * CH, D2), jnp.float32),
          pltpu.VMEM((2 * CH, D2), jnp.float32),
          pltpu.SemaphoreType.DMA,
      ],
  )
  def run(pq_hbm, i0_hbm, i1_hbm, out_hbm, i0b, i1b, ob, r0, r1, gsem):
    c = lax.axis_index("c")
    s = lax.axis_index("s")
    base = (s * NC + c) * ELTEC
    pltpu.sync_copy(i0_hbm.at[pl.ds(base, ELTEC)], i0b)
    pltpu.sync_copy(i1_hbm.at[pl.ds(base, ELTEC)], i1b)

    def fire(k):
      s2 = lax.rem(k, 2)
      pltpu.async_copy(pq_hbm.at[i0b.at[pl.ds(k * CH, CH)]],
                       r0.at[pl.ds(s2 * CH, CH), :], gsem)
      pltpu.async_copy(pq_hbm.at[i1b.at[pl.ds(k * CH, CH)]],
                       r1.at[pl.ds(s2 * CH, CH), :], gsem)

    def drain(k):
      s2 = lax.rem(k, 2)
      pltpu.make_async_copy(pq_hbm.at[pl.ds(0, CH), :],
                            r0.at[pl.ds(s2 * CH, CH), :], gsem).wait()
      pltpu.make_async_copy(pq_hbm.at[pl.ds(0, CH), :],
                            r1.at[pl.ds(s2 * CH, CH), :], gsem).wait()

    fire(0)
    lane = lax.broadcasted_iota(jnp.int32, (16,), 0)
    zeros = lane * 0
    sixteens = zeros + 16

    def body(k, carry):
      s2 = lax.rem(k, 2)
      drain(k)

      @pl.when(k + 1 < NCH)
      def _():
        fire(k + 1)

      for j in range(CH // 16):
        rows = lane + (s2 * CH + j * 16)
        val = (plsc.load_gather(r0, [rows, zeros])
               + plsc.load_gather(r1, [rows, sixteens]))
        ob[pl.ds(k * CH + j * 16, 16)] = val
      return carry

    lax.fori_loop(0, NCH, body, 0)
    pltpu.sync_copy(ob, out_hbm.at[pl.ds(base, ELTEC)])

  return run(pqc, i0, i1)




def _bd(w32):
  return jnp.kron(jnp.eye(4, dtype=jnp.float32), w32)


def kernel(x_titles_inputs, x_abstracts_inputs, edge_index, edge_label_index,
           Wt, bt, Wa, ba, W1l, W1r, b1, W2l, W2r, b2, Wc, bc):
  src = _perm(edge_index[0])
  dst = _perm(edge_index[1])
  padn = EPAD - E
  pad_src = (jnp.arange(padn, dtype=jnp.int32) * 17) % N
  pad_dst = _perm(N + jnp.arange(padn, dtype=jnp.int32) % (NPAD - N))
  src2d = jnp.concatenate([src, pad_src]).reshape(EROWS, 128)
  dst2d = jnp.concatenate([dst, pad_dst]).reshape(EROWS, 128)
  sd2d = jnp.stack([src2d, dst2d], axis=1)

  xlo, xhi = _tc_embed(x_titles_inputs, x_abstracts_inputs, Wt, bt, Wa, ba)

  cnt0, cnt1 = _sc_counts(sd2d)
  cnt1d = cnt0[:, 0] + cnt1[:, 0]
  cntp = jnp.repeat(cnt1d.reshape(NPROWS, 4), D2, axis=1)

  agg1lo, agg1hi = _sc_scatter(sd2d, xlo.reshape(NPAD, D2),
                               xhi.reshape(NPAD, D2))

  w1 = [_bd(W1l[:D2, :D2]), _bd(W1l[D2:, :D2]),
        _bd(W1r[:D2, :D2]), _bd(W1r[D2:, :D2]),
        _bd(W1l[:D2, D2:]), _bd(W1l[D2:, D2:]),
        _bd(W1r[:D2, D2:]), _bd(W1r[D2:, D2:])]
  b1lo = jnp.tile(b1[:D2], 4).reshape(1, 128)
  b1hi = jnp.tile(b1[D2:], 4).reshape(1, 128)
  h1lo, h1hi = _tc_sage(agg1lo.reshape(NPROWS, 128),
                        agg1hi.reshape(NPROWS, 128),
                        cntp, xlo, xhi, w1, b1lo, b1hi, relu=True)

  agg2lo, agg2hi = _sc_scatter(sd2d, h1lo.reshape(NPAD, D2),
                               h1hi.reshape(NPAD, D2))

  wcu = Wc[:OUT]
  wcv = Wc[OUT:]
  u = W2l @ wcu
  v = W2l @ wcv
  r_ = W2r @ wcu
  t_ = W2r @ wcv

  def arrange(col_u, col_v):
    base = jnp.zeros((D2, D2), jnp.float32)
    base = base.at[:, 0].set(col_u[:, 0]).at[:, 16].set(col_v[:, 0])
    return _bd(base)

  zmat = jnp.zeros((128, 128), jnp.float32)
  w2m = [arrange(u[:D2], v[:D2]), arrange(u[D2:], v[D2:]),
         arrange(r_[:D2], t_[:D2]), arrange(r_[D2:], t_[D2:]),
         zmat, zmat, zmat, zmat]
  c_p = (b2 @ wcu + bc)[0]
  c_q = (b2 @ wcv)[0]
  cvec = jnp.zeros((D2,), jnp.float32).at[0].set(c_p).at[16].set(c_q)
  cvec = jnp.tile(cvec, 4).reshape(1, 128)
  pq, _ = _tc_sage(agg2lo.reshape(NPROWS, 128),
                   agg2hi.reshape(NPROWS, 128),
                   cntp, h1lo, h1hi, w2m, cvec,
                   jnp.zeros((1, 128), jnp.float32), relu=False)

  i0 = jnp.pad(_perm(edge_label_index[0]), (0, ELPAD - EL))
  i1 = jnp.pad(_perm(edge_label_index[1]), (0, ELPAD - EL))
  outf = _sc_edge_gather(pq.reshape(NPAD, D2), i0, i1)
  return outf[:EL].reshape(EL, 1)

# --- scband reference (transcript-rebuilt; emitter-appended) ---
"""Pipeline reference for scband-sage-conv-model-84267258347889 (READ-ONLY COPY).

The authoritative reference and input builder live on the scoring server;
editing this copy changes nothing except your own understanding.
"""

import jax, jax.numpy as jnp
import numpy as np

N = 50000
E = 800000
EL = 100000
DT = 32
DA = 32
DIN = DT + DA
H = 64
OUT = 128


def setup_inputs(seed: int = 0) -> dict:
    key = jax.random.key(seed)
    ks = jax.random.split(key, 16)
    inp = {}
    inp["x_titles_inputs"] = jax.random.normal(ks[0], (N, 768), dtype=jnp.float32)
    inp["x_abstracts_inputs"] = jax.random.normal(ks[1], (N, 768), dtype=jnp.float32)
    inp["edge_index"] = jax.random.randint(ks[2], (2, E), 0, N, dtype=jnp.int32)
    inp["edge_label_index"] = jax.random.randint(ks[3], (2, EL), 0, N, dtype=jnp.int32)
    # TextEmbedding projections (768 -> reduced_dim)
    inp["Wt"] = 0.02 * jax.random.normal(ks[4], (768, DT), dtype=jnp.float32)
    inp["bt"] = jnp.zeros((DT,), dtype=jnp.float32)
    inp["Wa"] = 0.02 * jax.random.normal(ks[5], (768, DA), dtype=jnp.float32)
    inp["ba"] = jnp.zeros((DA,), dtype=jnp.float32)
    # SAGEConv 1: (mean-aggr) lin_l on aggregated neighbors, lin_r on self
    inp["W1l"] = 0.05 * jax.random.normal(ks[6], (DIN, H), dtype=jnp.float32)
    inp["W1r"] = 0.05 * jax.random.normal(ks[7], (DIN, H), dtype=jnp.float32)
    inp["b1"] = jnp.zeros((H,), dtype=jnp.float32)
    # SAGEConv 2
    inp["W2l"] = 0.05 * jax.random.normal(ks[8], (H, OUT), dtype=jnp.float32)
    inp["W2r"] = 0.05 * jax.random.normal(ks[9], (H, OUT), dtype=jnp.float32)
    inp["b2"] = jnp.zeros((OUT,), dtype=jnp.float32)
    # classifier
    inp["Wc"] = 0.05 * jax.random.normal(ks[10], (2 * OUT, 1), dtype=jnp.float32)
    inp["bc"] = jnp.zeros((1,), dtype=jnp.float32)
    return inp


def reference(x_titles_inputs, x_abstracts_inputs, edge_index, edge_label_index,
              Wt, bt, Wa, ba, W1l, W1r, b1, W2l, W2r, b2, Wc, bc):
    # text embedders (reduced dim projections)
    t = x_titles_inputs @ Wt + bt
    a = x_abstracts_inputs @ Wa + ba
    x = jnp.concatenate([t, a], axis=1)
    src = edge_index[0]
    dst = edge_index[1]

    def sage(h, Wl, Wr, b):
        msgs = jnp.take(h, src, axis=0)
        agg = jax.ops.segment_sum(msgs, dst, num_segments=N)
        cnt = jax.ops.segment_sum(jnp.ones((E,), dtype=h.dtype), dst, num_segments=N)
        mean = agg / jnp.clip(cnt, 1.0)[:, None]
        return mean @ Wl + h @ Wr + b

    h1 = jax.nn.relu(sage(x, W1l, W1r, b1))
    h2 = sage(h1, W2l, W2r, b2)
    u = jnp.take(h2, edge_label_index[0], axis=0)
    v = jnp.take(h2, edge_label_index[1], axis=0)
    total_x = jnp.concatenate([u, v], axis=1)
    return total_x @ Wc + bc

if __name__ == "__main__":
    import jax
    _d = setup_inputs()
    print(jax.jit(kernel)(*tuple(_d.values())))

</pallas_src>

<mosaic_0001>
#map = affine_map<(d0, d1) -> (0, 0)>
#map1 = affine_map<(d0, d1) -> (0)>
module attributes {stable_mosaic.version = 14 : i64} {
  func.func @run(%arg0: i32, %arg1: i32, %arg2: memref<50176x32xf32, #tpu.memory_space<hbm>>, %arg3: memref<100352xi32, #tpu.memory_space<hbm>>, %arg4: memref<100352xi32, #tpu.memory_space<hbm>>, %arg5: memref<100352xf32, #tpu.memory_space<hbm>>, %arg6: memref<3136xi32, #tpu.memory_space<vmem>>, %arg7: memref<3136xi32, #tpu.memory_space<vmem>>, %arg8: memref<3136xf32, #tpu.memory_space<vmem>>, %arg9: memref<224x32xf32, #tpu.memory_space<vmem>>, %arg10: memref<224x32xf32, #tpu.memory_space<vmem>>, %arg11: memref<!tpu.dma_semaphore, #tpu.memory_space<semaphore_mem>>) attributes {dimension_semantics = [#tpu.dimension_semantics<core_parallel>, #tpu.dimension_semantics<subcore_parallel>], iteration_bounds = array<i64: 2, 16>, scalar_prefetch = 0 : i64, scratch_operands = 6 : i64, tpu.core_type = #tpu.core_type<sc_vector_subcore>, window_params = [{transform_indices = #map}, {transform_indices = #map1}, {transform_indices = #map1}, {transform_indices = #map1}]} {
    %mul3A = arith.constant 2 : i32
    %mul3A_0 = arith.muli %arg1, %mul3A : i32
    %add3A = arith.addi %mul3A_0, %arg0 : i32
    %mul3A_1 = arith.constant 3136 : i32
    %mul3A_2 = arith.muli %add3A, %mul3A_1 : i32
    "tpu.region"() ({
      %run_scoped3A = tpu.sem_alloc : memref<!tpu.dma_semaphore, #tpu.memory_space<semaphore_mem>>
      %dma_start3A_33 = tpu.memref_slice %arg3[%mul3A_2] : memref<100352xi32, #tpu.memory_space<hbm>> -> memref<3136xi32, #tpu.memory_space<hbm>>
      %dma_start3A_34 = tpu.memref_slice %arg3[%mul3A_2] : memref<100352xi32, #tpu.memory_space<hbm>> -> memref<3136xi32, #tpu.memory_space<hbm>>
      tpu.enqueue_dma source(%dma_start3A_34 : memref<3136xi32, #tpu.memory_space<hbm>>) target(%arg6 : memref<3136xi32, #tpu.memory_space<vmem>>) target_semaphore(%run_scoped3A : memref<!tpu.dma_semaphore, #tpu.memory_space<semaphore_mem>>)
      %dma_wait3A = tpu.memref_slice %arg3[%mul3A_2] : memref<100352xi32, #tpu.memory_space<hbm>> -> memref<3136xi32, #tpu.memory_space<hbm>>
      %dma_wait3A_35 = tpu.memref_slice %arg3[%mul3A_2] : memref<100352xi32, #tpu.memory_space<hbm>> -> memref<3136xi32, #tpu.memory_space<hbm>>
      tpu.wait_dma2 semaphore(%run_scoped3A : memref<!tpu.dma_semaphore, #tpu.memory_space<semaphore_mem>>) src(%dma_wait3A_35 : memref<3136xi32, #tpu.memory_space<hbm>>) dst(%arg6 : memref<3136xi32, #tpu.memory_space<vmem>>)
      tpu.yield
    }) : () -> ()
    "tpu.region"() ({
      %run_scoped3A = tpu.sem_alloc : memref<!tpu.dma_semaphore, #tpu.memory_space<semaphore_mem>>
      %dma_start3A_33 = tpu.memref_slice %arg4[%mul3A_2] : memref<100352xi32, #tpu.memory_space<hbm>> -> memref<3136xi32, #tpu.memory_space<hbm>>
      %dma_start3A_34 = tpu.memref_slice %arg4[%mul3A_2] : memref<100352xi32, #tpu.memory_space<hbm>> -> memref<3136xi32, #tpu.memory_space<hbm>>
      tpu.enqueue_dma source(%dma_start3A_34 : memref<3136xi32, #tpu.memory_space<hbm>>) target(%arg7 : memref<3136xi32, #tpu.memory_space<vmem>>) target_semaphore(%run_scoped3A : memref<!tpu.dma_semaphore, #tpu.memory_space<semaphore_mem>>)
      %dma_wait3A = tpu.memref_slice %arg4[%mul3A_2] : memref<100352xi32, #tpu.memory_space<hbm>> -> memref<3136xi32, #tpu.memory_space<hbm>>
      %dma_wait3A_35 = tpu.memref_slice %arg4[%mul3A_2] : memref<100352xi32, #tpu.memory_space<hbm>> -> memref<3136xi32, #tpu.memory_space<hbm>>
      tpu.wait_dma2 semaphore(%run_scoped3A : memref<!tpu.dma_semaphore, #tpu.memory_space<semaphore_mem>>) src(%dma_wait3A_35 : memref<3136xi32, #tpu.memory_space<hbm>>) dst(%arg7 : memref<3136xi32, #tpu.memory_space<vmem>>)
      tpu.yield
    }) : () -> ()
    %rem3A = arith.constant 0 : i32
    %rem3A_3 = arith.constant 2 : i32
    %rem3A_4 = arith.remsi %rem3A, %rem3A_3 : i32
    %mul3A_5 = arith.constant 112 : i32
    %mul3A_6 = arith.muli %rem3A_4, %mul3A_5 : i32
    %dma_start3A = arith.constant 0 : i32
    %dma_start3A_7 = tpu.memref_slice %arg9[%mul3A_6, %dma_start3A] : memref<224x32xf32, #tpu.memory_space<vmem>> -> memref<112x32xf32, #tpu.memory_space<vmem>>
    %dma_start3A_8 = arith.constant 0 : i32
    %dma_start3A_9 = tpu.memref_slice %arg6[%dma_start3A_8] : memref<3136xi32, #tpu.memory_space<vmem>> -> memref<112xi32, #tpu.memory_space<vmem>>
    %dma_start3A_10 = arith.constant 0 : i32
    %dma_start3A_11 = arith.constant 0 : i32
    %dma_start3A_12 = tpu.memref_slice %arg2[%dma_start3A_10, %dma_start3A_11] : memref<50176x32xf32, #tpu.memory_space<hbm>> -> memref<50176x32xf32, #tpu.memory_space<hbm>>
    tpu.enqueue_indirect_dma source(%dma_start3A_12 : memref<50176x32xf32, #tpu.memory_space<hbm>>) target(%dma_start3A_7 : memref<112x32xf32, #tpu.memory_space<vmem>>) offsets(%dma_start3A_9 : memref<112xi32, #tpu.memory_space<vmem>>) semaphore(%arg11 : memref<!tpu.dma_semaphore, #tpu.memory_space<semaphore_mem>>)
    %mul3A_13 = arith.constant 112 : i32
    %mul3A_14 = arith.muli %rem3A_4, %mul3A_13 : i32
    %dma_start3A_15 = arith.constant 0 : i32
    %dma_start3A_16 = tpu.memref_slice %arg10[%mul3A_14, %dma_start3A_15] : memref<224x32xf32, #tpu.memory_space<vmem>> -> memref<112x32xf32, #tpu.memory_space<vmem>>
    %dma_start3A_17 = arith.constant 0 : i32
    %dma_start3A_18 = tpu.memref_slice %arg7[%dma_start3A_17] : memref<3136xi32, #tpu.memory_space<vmem>> -> memref<112xi32, #tpu.memory_space<vmem>>
    %dma_start3A_19 = arith.constant 0 : i32
    %dma_start3A_20 = arith.constant 0 : i32
    %dma_start3A_21 = tpu.memref_slice %arg2[%dma_start3A_19, %dma_start3A_20] : memref<50176x32xf32, #tpu.memory_space<hbm>> -> memref<50176x32xf32, #tpu.memory_space<hbm>>
    tpu.enqueue_indirect_dma source(%dma_start3A_21 : memref<50176x32xf32, #tpu.memory_space<hbm>>) target(%dma_start3A_16 : memref<112x32xf32, #tpu.memory_space<vmem>>) offsets(%dma_start3A_18 : memref<112xi32, #tpu.memory_space<vmem>>) semaphore(%arg11 : memref<!tpu.dma_semaphore, #tpu.memory_space<semaphore_mem>>)
    %iota3A = tpu.iota {dimensions = array<i32: 0>} : vector<16xi32>
    %mul3A_22 = arith.constant 0 : i32
    %mul3A_23 = vector.broadcast %mul3A_22 : i32 to vector<16xi32>
    %mul3A_24 = arith.muli %iota3A, %mul3A_23 : vector<16xi32>
    %add3A_25 = arith.constant 16 : i32
    %add3A_26 = vector.broadcast %add3A_25 : i32 to vector<16xi32>
    %add3A_27 = arith.addi %mul3A_24, %add3A_26 : vector<16xi32>
    %scan3A = arith.constant 0 : i32
    %scan3A_28 = arith.constant 0 : i32
    %scan3A_29 = arith.constant 28 : i32
    %scan3A_30 = arith.addi %scan3A_28, %scan3A_29 : i32
    %scan3A_31 = arith.constant 1 : i32
    scf.for %scan3A_33 = %scan3A_28 to %scan3A_30 step %scan3A_31  : i32 {
      %rem3A_34 = arith.constant 2 : i32
      %rem3A_35 = arith.remsi %scan3A_33, %rem3A_34 : i32
      %rem3A_36 = arith.constant 2 : i32
      %rem3A_37 = arith.remsi %scan3A_33, %rem3A_36 : i32
      %mul3A_38 = arith.constant 112 : i32
      %mul3A_39 = arith.muli %rem3A_37, %mul3A_38 : i32
      %dma_wait3A = arith.constant 0 : i32
      %dma_wait3A_40 = tpu.memref_slice %arg9[%mul3A_39, %dma_wait3A] : memref<224x32xf32, #tpu.memory_space<vmem>> -> memref<112x32xf32, #tpu.memory_space<vmem>>
      %dma_wait3A_41 = arith.constant 0 : i32
      %dma_wait3A_42 = arith.constant 0 : i32
      %dma_wait3A_43 = tpu.memref_slice %arg2[%dma_wait3A_41, %dma_wait3A_42] : memref<50176x32xf32, #tpu.memory_space<hbm>> -> memref<112x32xf32, #tpu.memory_space<hbm>>
      %dma_wait3A_44 = arith.constant 0 : i32
      %dma_wait3A_45 = tpu.memref_slice %arg9[%mul3A_39, %dma_wait3A_44] : memref<224x32xf32, #tpu.memory_space<vmem>> -> memref<112x32xf32, #tpu.memory_space<vmem>>
      %dma_wait3A_46 = arith.constant 0 : i32
      %dma_wait3A_47 = arith.constant 0 : i32
      %dma_wait3A_48 = tpu.memref_slice %arg2[%dma_wait3A_46, %dma_wait3A_47] : memref<50176x32xf32, #tpu.memory_space<hbm>> -> memref<112x32xf32, #tpu.memory_space<hbm>>
      tpu.wait_dma2 semaphore(%arg11 : memref<!tpu.dma_semaphore, #tpu.memory_space<semaphore_mem>>) src(%dma_wait3A_48 : memref<112x32xf32, #tpu.memory_space<hbm>>) dst(%dma_wait3A_45 : memref<112x32xf32, #tpu.memory_space<vmem>>)
      %mul3A_49 = arith.constant 112 : i32
      %mul3A_50 = arith.muli %rem3A_37, %mul3A_49 : i32
      %dma_wait3A_51 = arith.constant 0 : i32
      %dma_wait3A_52 = tpu.memref_slice %arg10[%mul3A_50, %dma_wait3A_51] : memref<224x32xf32, #tpu.memory_space<vmem>> -> memref<112x32xf32, #tpu.memory_space<vmem>>
      %dma_wait3A_53 = arith.constant 0 : i32
      %dma_wait3A_54 = arith.constant 0 : i32
      %dma_wait3A_55 = tpu.memref_slice %arg2[%dma_wait3A_53, %dma_wait3A_54] : memref<50176x32xf32, #tpu.memory_space<hbm>> -> memref<112x32xf32, #tpu.memory_space<hbm>>
      %dma_wait3A_56 = arith.constant 0 : i32
      %dma_wait3A_57 = tpu.memref_slice %arg10[%mul3A_50, %dma_wait3A_56] : memref<224x32xf32, #tpu.memory_space<vmem>> -> memref<112x32xf32, #tpu.memory_space<vmem>>
      %dma_wait3A_58 = arith.constant 0 : i32
      %dma_wait3A_59 = arith.constant 0 : i32
      %dma_wait3A_60 = tpu.memref_slice %arg2[%dma_wait3A_58, %dma_wait3A_59] : memref<50176x32xf32, #tpu.memory_space<hbm>> -> memref<112x32xf32, #tpu.memory_space<hbm>>
      tpu.wait_dma2 semaphore(%arg11 : memref<!tpu.dma_semaphore, #tpu.memory_space<semaphore_mem>>) src(%dma_wait3A_60 : memref<112x32xf32, #tpu.memory_space<hbm>>) dst(%dma_wait3A_57 : memref<112x32xf32, #tpu.memory_space<vmem>>)
      %add3A_61 = arith.constant 1 : i32
      %add3A_62 = arith.addi %scan3A_33, %add3A_61 : i32
      %lt3A = arith.constant 28 : i32
      %lt3A_63 = arith.cmpi slt, %add3A_62, %lt3A : i32
      %convert_element_type3A = arith.extui %lt3A_63 : i1 to i32
      %cond3A = arith.constant 0 : i32
      %cond3A_64 = arith.cmpi ne, %convert_element_type3A, %cond3A : i32
      scf.if %cond3A_64 {
        %add3A_168 = arith.constant 1 : i32
        %add3A_169 = arith.addi %scan3A_33, %add3A_168 : i32
        %rem3A_170 = arith.constant 2 : i32
        %rem3A_171 = arith.remsi %add3A_169, %rem3A_170 : i32
        %mul3A_172 = arith.constant 112 : i32
        %mul3A_173 = arith.muli %add3A_169, %mul3A_172 : i32
        %mul3A_174 = arith.constant 112 : i32
        %mul3A_175 = arith.muli %rem3A_171, %mul3A_174 : i32
        %dma_start3A_176 = arith.constant 0 : i32
        %dma_start3A_177 = tpu.memref_slice %arg9[%mul3A_175, %dma_start3A_176] : memref<224x32xf32, #tpu.memory_space<vmem>> -> memref<112x32xf32, #tpu.memory_space<vmem>>
        %dma_start3A_178 = tpu.memref_slice %arg6[%mul3A_173] : memref<3136xi32, #tpu.memory_space<vmem>> -> memref<112xi32, #tpu.memory_space<vmem>>
        %dma_start3A_179 = arith.constant 0 : i32
        %dma_start3A_180 = arith.constant 0 : i32
        %dma_start3A_181 = tpu.memref_slice %arg2[%dma_start3A_179, %dma_start3A_180] : memref<50176x32xf32, #tpu.memory_space<hbm>> -> memref<50176x32xf32, #tpu.memory_space<hbm>>
        tpu.enqueue_indirect_dma source(%dma_start3A_181 : memref<50176x32xf32, #tpu.memory_space<hbm>>) target(%dma_start3A_177 : memref<112x32xf32, #tpu.memory_space<vmem>>) offsets(%dma_start3A_178 : memref<112xi32, #tpu.memory_space<vmem>>) semaphore(%arg11 : memref<!tpu.dma_semaphore, #tpu.memory_space<semaphore_mem>>)
        %mul3A_182 = arith.constant 112 : i32
        %mul3A_183 = arith.muli %add3A_169, %mul3A_182 : i32
        %mul3A_184 = arith.constant 112 : i32
        %mul3A_185 = arith.muli %rem3A_171, %mul3A_184 : i32
        %dma_start3A_186 = arith.constant 0 : i32
        %dma_start3A_187 = tpu.memref_slice %arg10[%mul3A_185, %dma_start3A_186] : memref<224x32xf32, #tpu.memory_space<vmem>> -> memref<112x32xf32, #tpu.memory_space<vmem>>
        %dma_start3A_188 = tpu.memref_slice %arg7[%mul3A_183] : memref<3136xi32, #tpu.memory_space<vmem>> -> memref<112xi32, #tpu.memory_space<vmem>>
        %dma_start3A_189 = arith.constant 0 : i32
        %dma_start3A_190 = arith.constant 0 : i32
        %dma_start3A_191 = tpu.memref_slice %arg2[%dma_start3A_189, %dma_start3A_190] : memref<50176x32xf32, #tpu.memory_space<hbm>> -> memref<50176x32xf32, #tpu.memory_space<hbm>>
        tpu.enqueue_indirect_dma source(%dma_start3A_191 : memref<50176x32xf32, #tpu.memory_space<hbm>>) target(%dma_start3A_187 : memref<112x32xf32, #tpu.memory_space<vmem>>) offsets(%dma_start3A_188 : memref<112xi32, #tpu.memory_space<vmem>>) semaphore(%arg11 : memref<!tpu.dma_semaphore, #tpu.memory_space<semaphore_mem>>)
      } else {
      }
      %mul3A_65 = arith.constant 112 : i32
      %mul3A_66 = arith.muli %rem3A_35, %mul3A_65 : i32
      %add3A_67 = arith.constant 0 : i32
      %add3A_68 = arith.addi %mul3A_66, %add3A_67 : i32
      %add3A_69 = vector.broadcast %add3A_68 : i32 to vector<16xi32>
      %add3A_70 = arith.addi %iota3A, %add3A_69 : vector<16xi32>
      %gather3A = tpu.vector_load_idx %arg9[%add3A_70, %mul3A_24] : memref<224x32xf32, #tpu.memory_space<vmem>>[vector<16xi32>, vector<16xi32>], vector<16xf32>,
      %gather3A_71 = tpu.vector_load_idx %arg10[%add3A_70, %add3A_27] : memref<224x32xf32, #tpu.memory_space<vmem>>[vector<16xi32>, vector<16xi32>], vector<16xf32>,
      %add3A_72 = arith.addf %gather3A, %gather3A_71 : vector<16xf32>
      %mul3A_73 = arith.constant 112 : i32
      %mul3A_74 = arith.muli %scan3A_33, %mul3A_73 : i32
      %add3A_75 = arith.constant 0 : i32
      %add3A_76 = arith.addi %mul3A_74, %add3A_75 : i32
      %swap3A = arith.index_cast %add3A_76 : i32 to index
      %swap3A_77 = tpu.vector_load %arg8[%swap3A] {strides = array<i32>} : memref<3136xf32, #tpu.memory_space<vmem>>, vector<16xf32>,
      tpu.vector_store %arg8[%swap3A], %add3A_72 {strides = array<i32>} : memref<3136xf32, #tpu.memory_space<vmem>>, vector<16xf32>,
      %mul3A_78 = arith.constant 112 : i32
      %mul3A_79 = arith.muli %rem3A_35, %mul3A_78 : i32
      %add3A_80 = arith.constant 16 : i32
      %add3A_81 = arith.addi %mul3A_79, %add3A_80 : i32
      %add3A_82 = vector.broadcast %add3A_81 : i32 to vector<16xi32>
      %add3A_83 = arith.addi %iota3A, %add3A_82 : vector<16xi32>
      %gather3A_84 = tpu.vector_load_idx %arg9[%add3A_83, %mul3A_24] : memref<224x32xf32, #tpu.memory_space<vmem>>[vector<16xi32>, vector<16xi32>], vector<16xf32>,
      %gather3A_85 = tpu.vector_load_idx %arg10[%add3A_83, %add3A_27] : memref<224x32xf32, #tpu.memory_space<vmem>>[vector<16xi32>, vector<16xi32>], vector<16xf32>,
      %add3A_86 = arith.addf %gather3A_84, %gather3A_85 : vector<16xf32>
      %mul3A_87 = arith.constant 112 : i32
      %mul3A_88 = arith.muli %scan3A_33, %mul3A_87 : i32
      %add3A_89 = arith.constant 16 : i32
      %add3A_90 = arith.addi %mul3A_88, %add3A_89 : i32
      %swap3A_91 = arith.index_cast %add3A_90 : i32 to index
      %swap3A_92 = tpu.vector_load %arg8[%swap3A_91] {strides = array<i32>} : memref<3136xf32, #tpu.memory_space<vmem>>, vector<16xf32>,
      tpu.vector_store %arg8[%swap3A_91], %add3A_86 {strides = array<i32>} : memref<3136xf32, #tpu.memory_space<vmem>>, vector<16xf32>,
      %mul3A_93 = arith.constant 112 : i32
      %mul3A_94 = arith.muli %rem3A_35, %mul3A_93 : i32
      %add3A_95 = arith.constant 32 : i32
      %add3A_96 = arith.addi %mul3A_94, %add3A_95 : i32
      %add3A_97 = vector.broadcast %add3A_96 : i32 to vector<16xi32>
      %add3A_98 = arith.addi %iota3A, %add3A_97 : vector<16xi32>
      %gather3A_99 = tpu.vector_load_idx %arg9[%add3A_98, %mul3A_24] : memref<224x32xf32, #tpu.memory_space<vmem>>[vector<16xi32>, vector<16xi32>], vector<16xf32>,
      %gather3A_100 = tpu.vector_load_idx %arg10[%add3A_98, %add3A_27] : memref<224x32xf32, #tpu.memory_space<vmem>>[vector<16xi32>, vector<16xi32>], vector<16xf32>,
      %add3A_101 = arith.addf %gather3A_99, %gather3A_100 : vector<16xf32>
      %mul3A_102 = arith.constant 112 : i32
      %mul3A_103 = arith.muli %scan3A_33, %mul3A_102 : i32
      %add3A_104 = arith.constant 32 : i32
      %add3A_105 = arith.addi %mul3A_103, %add3A_104 : i32
      %swap3A_106 = arith.index_cast %add3A_105 : i32 to index
      %swap3A_107 = tpu.vector_load %arg8[%swap3A_106] {strides = array<i32>} : memref<3136xf32, #tpu.memory_space<vmem>>, vector<16xf32>,
      tpu.vector_store %arg8[%swap3A_106], %add3A_101 {strides = array<i32>} : memref<3136xf32, #tpu.memory_space<vmem>>, vector<16xf32>,
      %mul3A_108 = arith.constant 112 : i32
      %mul3A_109 = arith.muli %rem3A_35, %mul3A_108 : i32
      %add3A_110 = arith.constant 48 : i32
      %add3A_111 = arith.addi %mul3A_109, %add3A_110 : i32
      %add3A_112 = vector.broadcast %add3A_111 : i32 to vector<16xi32>
      %add3A_113 = arith.addi %iota3A, %add3A_112 : vector<16xi32>
      %gather3A_114 = tpu.vector_load_idx %arg9[%add3A_113, %mul3A_24] : memref<224x32xf32, #tpu.memory_space<vmem>>[vector<16xi32>, vector<16xi32>], vector<16xf32>,
      %gather3A_115 = tpu.vector_load_idx %arg10[%add3A_113, %add3A_27] : memref<224x32xf32, #tpu.memory_space<vmem>>[vector<16xi32>, vector<16xi32>], vector<16xf32>,
      %add3A_116 = arith.addf %gather3A_114, %gather3A_115 : vector<16xf32>
      %mul3A_117 = arith.constant 112 : i32
      %mul3A_118 = arith.muli %scan3A_33, %mul3A_117 : i32
      %add3A_119 = arith.constant 48 : i32
      %add3A_120 = arith.addi %mul3A_118, %add3A_119 : i32
      %swap3A_121 = arith.index_cast %add3A_120 : i32 to index
      %swap3A_122 = tpu.vector_load %arg8[%swap3A_121] {strides = array<i32>} : memref<3136xf32, #tpu.memory_space<vmem>>, vector<16xf32>,
      tpu.vector_store %arg8[%swap3A_121], %add3A_116 {strides = array<i32>} : memref<3136xf32, #tpu.memory_space<vmem>>, vector<16xf32>,
      %mul3A_123 = arith.constant 112 : i32
      %mul3A_124 = arith.muli %rem3A_35, %mul3A_123 : i32
      %add3A_125 = arith.constant 64 : i32
      %add3A_126 = arith.addi %mul3A_124, %add3A_125 : i32
      %add3A_127 = vector.broadcast %add3A_126 : i32 to vector<16xi32>
      %add3A_128 = arith.addi %iota3A, %add3A_127 : vector<16xi32>
      %gather3A_129 = tpu.vector_load_idx %arg9[%add3A_128, %mul3A_24] : memref<224x32xf32, #tpu.memory_space<vmem>>[vector<16xi32>, vector<16xi32>], vector<16xf32>,
      %gather3A_130 = tpu.vector_load_idx %arg10[%add3A_128, %add3A_27] : memref<224x32xf32, #tpu.memory_space<vmem>>[vector<16xi32>, vector<16xi32>], vector<16xf32>,
      %add3A_131 = arith.addf %gather3A_129, %gather3A_130 : vector<16xf32>
      %mul3A_132 = arith.constant 112 : i32
      %mul3A_133 = arith.muli %scan3A_33, %mul3A_132 : i32
      %add3A_134 = arith.constant 64 : i32
      %add3A_135 = arith.addi %mul3A_133, %add3A_134 : i32
      %swap3A_136 = arith.index_cast %add3A_135 : i32 to index
      %swap3A_137 = tpu.vector_load %arg8[%swap3A_136] {strides = array<i32>} : memref<3136xf32, #tpu.memory_space<vmem>>, vector<16xf32>,
      tpu.vector_store %arg8[%swap3A_136], %add3A_131 {strides = array<i32>} : memref<3136xf32, #tpu.memory_space<vmem>>, vector<16xf32>,
      %mul3A_138 = arith.constant 112 : i32
      %mul3A_139 = arith.muli %rem3A_35, %mul3A_138 : i32
      %add3A_140 = arith.constant 80 : i32
      %add3A_141 = arith.addi %mul3A_139, %add3A_140 : i32
      %add3A_142 = vector.broadcast %add3A_141 : i32 to vector<16xi32>
      %add3A_143 = arith.addi %iota3A, %add3A_142 : vector<16xi32>
      %gather3A_144 = tpu.vector_load_idx %arg9[%add3A_143, %mul3A_24] : memref<224x32xf32, #tpu.memory_space<vmem>>[vector<16xi32>, vector<16xi32>], vector<16xf32>,
      %gather3A_145 = tpu.vector_load_idx %arg10[%add3A_143, %add3A_27] : memref<224x32xf32, #tpu.memory_space<vmem>>[vector<16xi32>, vector<16xi32>], vector<16xf32>,
      %add3A_146 = arith.addf %gather3A_144, %gather3A_145 : vector<16xf32>
      %mul3A_147 = arith.constant 112 : i32
      %mul3A_148 = arith.muli %scan3A_33, %mul3A_147 : i32
      %add3A_149 = arith.constant 80 : i32
      %add3A_150 = arith.addi %mul3A_148, %add3A_149 : i32
      %swap3A_151 = arith.index_cast %add3A_150 : i32 to index
      %swap3A_152 = tpu.vector_load %arg8[%swap3A_151] {strides = array<i32>} : memref<3136xf32, #tpu.memory_space<vmem>>, vector<16xf32>,
      tpu.vector_store %arg8[%swap3A_151], %add3A_146 {strides = array<i32>} : memref<3136xf32, #tpu.memory_space<vmem>>, vector<16xf32>,
      %mul3A_153 = arith.constant 112 : i32
      %mul3A_154 = arith.muli %rem3A_35, %mul3A_153 : i32
      %add3A_155 = arith.constant 96 : i32
      %add3A_156 = arith.addi %mul3A_154, %add3A_155 : i32
      %add3A_157 = vector.broadcast %add3A_156 : i32 to vector<16xi32>
      %add3A_158 = arith.addi %iota3A, %add3A_157 : vector<16xi32>
      %gather3A_159 = tpu.vector_load_idx %arg9[%add3A_158, %mul3A_24] : memref<224x32xf32, #tpu.memory_space<vmem>>[vector<16xi32>, vector<16xi32>], vector<16xf32>,
      %gather3A_160 = tpu.vector_load_idx %arg10[%add3A_158, %add3A_27] : memref<224x32xf32, #tpu.memory_space<vmem>>[vector<16xi32>, vector<16xi32>], vector<16xf32>,
      %add3A_161 = arith.addf %gather3A_159, %gather3A_160 : vector<16xf32>
      %mul3A_162 = arith.constant 112 : i32
      %mul3A_163 = arith.muli %scan3A_33, %mul3A_162 : i32
      %add3A_164 = arith.constant 96 : i32
      %add3A_165 = arith.addi %mul3A_163, %add3A_164 : i32
      %swap3A_166 = arith.index_cast %add3A_165 : i32 to index
      %swap3A_167 = tpu.vector_load %arg8[%swap3A_166] {strides = array<i32>} : memref<3136xf32, #tpu.memory_space<vmem>>, vector<16xf32>,
      tpu.vector_store %arg8[%swap3A_166], %add3A_161 {strides = array<i32>} : memref<3136xf32, #tpu.memory_space<vmem>>, vector<16xf32>,
    }
    %scan3A_32 = arith.constant 28 : i32
    "tpu.region"() ({
      %run_scoped3A = tpu.sem_alloc : memref<!tpu.dma_semaphore, #tpu.memory_space<semaphore_mem>>
      %dma_start3A_33 = tpu.memref_slice %arg5[%mul3A_2] : memref<100352xf32, #tpu.memory_space<hbm>> -> memref<3136xf32, #tpu.memory_space<hbm>>
      %dma_start3A_34 = tpu.memref_slice %arg5[%mul3A_2] : memref<100352xf32, #tpu.memory_space<hbm>> -> memref<3136xf32, #tpu.memory_space<hbm>>
      tpu.enqueue_dma source(%arg8 : memref<3136xf32, #tpu.memory_space<vmem>>) target(%dma_start3A_34 : memref<3136xf32, #tpu.memory_space<hbm>>) target_semaphore(%run_scoped3A : memref<!tpu.dma_semaphore, #tpu.memory_space<semaphore_mem>>)
      %dma_wait3A = tpu.memref_slice %arg5[%mul3A_2] : memref<100352xf32, #tpu.memory_space<hbm>> -> memref<3136xf32, #tpu.memory_space<hbm>>
      %dma_wait3A_35 = tpu.memref_slice %arg5[%mul3A_2] : memref<100352xf32, #tpu.memory_space<hbm>> -> memref<3136xf32, #tpu.memory_space<hbm>>
      tpu.wait_dma2 semaphore(%run_scoped3A : memref<!tpu.dma_semaphore, #tpu.memory_space<semaphore_mem>>) src(%arg8 : memref<3136xf32, #tpu.memory_space<vmem>>) dst(%dma_wait3A_35 : memref<3136xf32, #tpu.memory_space<hbm>>)
      tpu.yield
    }) : () -> ()
    return
  }
}

#map = affine_map<(d0, d1) -> (0, 0, 0)>
#map1 = affine_map<(d0, d1) -> (0, 0)>
module attributes {stable_mosaic.version = 14 : i64} {
  func.func @run(%arg0: i32, %arg1: i32, %arg2: memref<6272x2x128xi32, #tpu.memory_space<hbm>>, %arg3: memref<50176x32xf32, #tpu.memory_space<hbm>>, %arg4: memref<50176x32xf32, #tpu.memory_space<hbm>>, %arg5: memref<50176x32xf32, #tpu.memory_space<hbm>>, %arg6: memref<50176x32xf32, #tpu.memory_space<hbm>>, %arg7: memref<50176x32xf32, #tpu.memory_space<vmem_shared>>, %arg8: memref<4x2x2x128xi32, #tpu.memory_space<vmem>>, %arg9: memref<2x256x32xf32, #tpu.memory_space<vmem>>, %arg10: memref<!tpu.dma_semaphore, #tpu.memory_space<semaphore_mem>>, %arg11: memref<!tpu.dma_semaphore, #tpu.memory_space<semaphore_mem>>, %arg12: memref<!tpu.dma_semaphore, #tpu.memory_space<semaphore_mem>>) attributes {dimension_semantics = [#tpu.dimension_semantics<core_parallel>, #tpu.dimension_semantics<subcore_parallel>], iteration_bounds = array<i64: 2, 16>, scalar_prefetch = 0 : i64, scratch_operands = 6 : i64, tpu.core_type = #tpu.core_type<sc_vector_subcore>, window_params = [{transform_indices = #map}, {transform_indices = #map1}, {transform_indices = #map1}, {transform_indices = #map1}, {transform_indices = #map1}]} {
    %broadcast_in_dim3A = arith.constant 0.000000e+00 : f32
    %broadcast_in_dim3A_0 = vector.broadcast %broadcast_in_dim3A : f32 to vector<16xf32>
    %scan3A = arith.constant 0 : i32
    %scan3A_1 = arith.constant 0 : i32
    %scan3A_2 = arith.constant 256 : i32
    %scan3A_3 = arith.addi %scan3A_1, %scan3A_2 : i32
    %scan3A_4 = arith.constant 1 : i32
    scf.for %scan3A_117 = %scan3A_1 to %scan3A_3 step %scan3A_4  : i32 {
      %swap3A = arith.constant 0 : i32
      %swap3A_118 = arith.index_cast %swap3A : i32 to index
      %swap3A_119 = arith.index_cast %scan3A_117 : i32 to index
      %swap3A_120 = arith.constant 0 : index
      %swap3A_121 = tpu.vector_load %arg9[%swap3A_118, %swap3A_119, %swap3A_120] {strides = array<i32>} : memref<2x256x32xf32, #tpu.memory_space<vmem>>, vector<1x1x16xf32>,
      %swap3A_122 = vector.shape_cast %swap3A_121 : vector<1x1x16xf32> to vector<16xf32>
      %swap3A_123 = vector.shape_cast %broadcast_in_dim3A_0 : vector<16xf32> to vector<1x1x16xf32>
      tpu.vector_store %arg9[%swap3A_118, %swap3A_119, %swap3A_120], %swap3A_123 {strides = array<i32>} : memref<2x256x32xf32, #tpu.memory_space<vmem>>, vector<1x1x16xf32>,
      %swap3A_124 = arith.constant 0 : i32
      %swap3A_125 = arith.index_cast %swap3A_124 : i32 to index
      %swap3A_126 = arith.index_cast %scan3A_117 : i32 to index
      %swap3A_127 = arith.constant 16 : index
      %swap3A_128 = tpu.vector_load %arg9[%swap3A_125, %swap3A_126, %swap3A_127] {strides = array<i32>} : memref<2x256x32xf32, #tpu.memory_space<vmem>>, vector<1x1x16xf32>,
      %swap3A_129 = vector.shape_cast %swap3A_128 : vector<1x1x16xf32> to vector<16xf32>
      %swap3A_130 = vector.shape_cast %broadcast_in_dim3A_0 : vector<16xf32> to vector<1x1x16xf32>
      tpu.vector_store %arg9[%swap3A_125, %swap3A_126, %swap3A_127], %swap3A_130 {strides = array<i32>} : memref<2x256x32xf32, #tpu.memory_space<vmem>>, vector<1x1x16xf32>,
      %swap3A_131 = arith.constant 1 : i32
      %swap3A_132 = arith.index_cast %swap3A_131 : i32 to index
      %swap3A_133 = arith.index_cast %scan3A_117 : i32 to index
      %swap3A_134 = arith.constant 0 : index
      %swap3A_135 = tpu.vector_load %arg9[%swap3A_132, %swap3A_133, %swap3A_134] {strides = array<i32>} : memref<2x256x32xf32, #tpu.memory_space<vmem>>, vector<1x1x16xf32>,
      %swap3A_136 = vector.shape_cast %swap3A_135 : vector<1x1x16xf32> to vector<16xf32>
      %swap3A_137 = vector.shape_cast %broadcast_in_dim3A_0 : vector<16xf32> to vector<1x1x16xf32>
      tpu.vector_store %arg9[%swap3A_132, %swap3A_133, %swap3A_134], %swap3A_137 {strides = array<i32>} : memref<2x256x32xf32, #tpu.memory_space<vmem>>, vector<1x1x16xf32>,
      %swap3A_138 = arith.constant 1 : i32
      %swap3A_139 = arith.index_cast %swap3A_138 : i32 to index
      %swap3A_140 = arith.index_cast %scan3A_117 : i32 to index
      %swap3A_141 = arith.constant 16 : index
      %swap3A_142 = tpu.vector_load %arg9[%swap3A_139, %swap3A_140, %swap3A_141] {strides = array<i32>} : memref<2x256x32xf32, #tpu.memory_space<vmem>>, vector<1x1x16xf32>,
      %swap3A_143 = vector.shape_cast %swap3A_142 : vector<1x1x16xf32> to vector<16xf32>
      %swap3A_144 = vector.shape_cast %broadcast_in_dim3A_0 : vector<16xf32> to vector<1x1x16xf32>
      tpu.vector_store %arg9[%swap3A_139, %swap3A_140, %swap3A_141], %swap3A_144 {strides = array<i32>} : memref<2x256x32xf32, #tpu.memory_space<vmem>>, vector<1x1x16xf32>,
    }
    %scan3A_5 = arith.constant 256 : i32
    %scan3A_6 = arith.constant 0 : i32
    %scan3A_7 = arith.constant 0 : i32
    %scan3A_8 = arith.constant 12 : i32
    %scan3A_9 = arith.addi %scan3A_7, %scan3A_8 : i32
    %scan3A_10 = arith.constant 1 : i32
    scf.for %scan3A_117 = %scan3A_7 to %scan3A_9 step %scan3A_10  : i32 {
      %mul3A_118 = arith.constant 3136 : i32
      %mul3A_119 = arith.muli %arg1, %mul3A_118 : i32
      %mul3A_120 = arith.constant 256 : i32
      %mul3A_121 = arith.muli %scan3A_117, %mul3A_120 : i32
      %add3A_122 = arith.addi %mul3A_119, %mul3A_121 : i32
      %run_scoped3A_123 = arith.constant 0 : i32
      "tpu.region"() ({
        %run_scoped3A_124 = tpu.sem_alloc : memref<!tpu.dma_semaphore, #tpu.memory_space<semaphore_mem>>
        %dma_start3A_125 = arith.constant 0 : i32
        %dma_start3A_126 = arith.constant 0 : i32
        %dma_start3A_127 = tpu.memref_slice %arg9[%run_scoped3A_123, %dma_start3A_125, %dma_start3A_126] : memref<2x256x32xf32, #tpu.memory_space<vmem>> -> memref<1x256x32xf32, #tpu.memory_space<vmem>>
        %dma_start3A_128 = tpu.memref_squeeze %dma_start3A_127 : memref<1x256x32xf32, #tpu.memory_space<vmem>> -> memref<256x32xf32, #tpu.memory_space<vmem>>
        %dma_start3A_129 = arith.constant 0 : i32
        %dma_start3A_130 = tpu.memref_slice %arg7[%add3A_122, %dma_start3A_129] : memref<50176x32xf32, #tpu.memory_space<vmem_shared>> -> memref<256x32xf32, #tpu.memory_space<vmem_shared>>
        %dma_start3A_131 = arith.constant 0 : i32
        %dma_start3A_132 = tpu.memref_slice %arg7[%add3A_122, %dma_start3A_131] : memref<50176x32xf32, #tpu.memory_space<vmem_shared>> -> memref<256x32xf32, #tpu.memory_space<vmem_shared>>
        %dma_start3A_133 = arith.constant 0 : i32
        %dma_start3A_134 = arith.constant 0 : i32
        %dma_start3A_135 = tpu.memref_slice %arg9[%run_scoped3A_123, %dma_start3A_133, %dma_start3A_134] : memref<2x256x32xf32, #tpu.memory_space<vmem>> -> memref<1x256x32xf32, #tpu.memory_space<vmem>>
        %dma_start3A_136 = tpu.memref_squeeze %dma_start3A_135 : memref<1x256x32xf32, #tpu.memory_space<vmem>> -> memref<256x32xf32, #tpu.memory_space<vmem>>
        tpu.enqueue_dma source(%dma_start3A_136 : memref<256x32xf32, #tpu.memory_space<vmem>>) target(%dma_start3A_132 : memref<256x32xf32, #tpu.memory_space<vmem_shared>>) target_semaphore(%run_scoped3A_124 : memref<!tpu.dma_semaphore, #tpu.memory_space<semaphore_mem>>)
        %dma_wait3A_137 = arith.constant 0 : i32
        %dma_wait3A_138 = arith.constant 0 : i32
        %dma_wait3A_139 = tpu.memref_slice %arg9[%run_scoped3A_123, %dma_wait3A_137, %dma_wait3A_138] : memref<2x256x32xf32, #tpu.memory_space<vmem>> -> memref<1x256x32xf32, #tpu.memory_space<vmem>>
        %dma_wait3A_140 = tpu.memref_squeeze %dma_wait3A_139 : memref<1x256x32xf32, #tpu.memory_space<vmem>> -> memref<256x32xf32, #tpu.memory_space<vmem>>
        %dma_wait3A_141 = arith.constant 0 : i32
        %dma_wait3A_142 = tpu.memref_slice %arg7[%add3A_122, %dma_wait3A_141] : memref<50176x32xf32, #tpu.memory_space<vmem_shared>> -> memref<256x32xf32, #tpu.memory_space<vmem_shared>>
        %dma_wait3A_143 = arith.constant 0 : i32
        %dma_wait3A_144 = tpu.memref_slice %arg7[%add3A_122, %dma_wait3A_143] : memref<50176x32xf32, #tpu.memory_space<vmem_shared>> -> memref<256x32xf32, #tpu.memory_space<vmem_shared>>
        %dma_wait3A_145 = arith.constant 0 : i32
        %dma_wait3A_146 = arith.constant 0 : i32
        %dma_wait3A_147 = tpu.memref_slice %arg9[%run_scoped3A_123, %dma_wait3A_145, %dma_wait3A_146] : memref<2x256x32xf32, #tpu.memory_space<vmem>> -> memref<1x256x32xf32, #tpu.memory_space<vmem>>
        %dma_wait3A_148 = tpu.memref_squeeze %dma_wait3A_147 : memref<1x256x32xf32, #tpu.memory_space<vmem>> -> memref<256x32xf32, #tpu.memory_space<vmem>>
        tpu.wait_dma2 semaphore(%run_scoped3A_124 : memref<!tpu.dma_semaphore, #tpu.memory_space<semaphore_mem>>) src(%dma_wait3A_148 : memref<256x32xf32, #tpu.memory_space<vmem>>) dst(%dma_wait3A_144 : memref<256x32xf32, #tpu.memory_space<vmem_shared>>)
        tpu.yield
      }) : () -> ()
    }
    %scan3A_11 = arith.constant 12 : i32
    %mul3A = arith.constant 3136 : i32
    %mul3A_12 = arith.muli %arg1, %mul3A : i32
    %add3A = arith.constant 3072 : i32
    %add3A_13 = arith.addi %mul3A_12, %add3A : i32
    %run_scoped3A = arith.constant 1 : i32
    "tpu.region"() ({
      %run_scoped3A_117 = tpu.sem_alloc : memref<!tpu.dma_semaphore, #tpu.memory_space<semaphore_mem>>
      %dma_start3A_118 = arith.constant 0 : i32
      %dma_start3A_119 = arith.constant 0 : i32
      %dma_start3A_120 = tpu.memref_slice %arg9[%run_scoped3A, %dma_start3A_118, %dma_start3A_119] : memref<2x256x32xf32, #tpu.memory_space<vmem>> -> memref<1x64x32xf32, #tpu.memory_space<vmem>>
      %dma_start3A_121 = tpu.memref_squeeze %dma_start3A_120 : memref<1x64x32xf32, #tpu.memory_space<vmem>> -> memref<64x32xf32, #tpu.memory_space<vmem>>
      %dma_start3A_122 = arith.constant 0 : i32
      %dma_start3A_123 = tpu.memref_slice %arg7[%add3A_13, %dma_start3A_122] : memref<50176x32xf32, #tpu.memory_space<vmem_shared>> -> memref<64x32xf32, #tpu.memory_space<vmem_shared>>
      %dma_start3A_124 = arith.constant 0 : i32
      %dma_start3A_125 = tpu.memref_slice %arg7[%add3A_13, %dma_start3A_124] : memref<50176x32xf32, #tpu.memory_space<vmem_shared>> -> memref<64x32xf32, #tpu.memory_space<vmem_shared>>
      %dma_start3A_126 = arith.constant 0 : i32
      %dma_start3A_127 = arith.constant 0 : i32
      %dma_start3A_128 = tpu.memref_slice %arg9[%run_scoped3A, %dma_start3A_126, %dma_start3A_127] : memref<2x256x32xf32, #tpu.memory_space<vmem>> -> memref<1x64x32xf32, #tpu.memory_space<vmem>>
      %dma_start3A_129 = tpu.memref_squeeze %dma_start3A_128 : memref<1x64x32xf32, #tpu.memory_space<vmem>> -> memref<64x32xf32, #tpu.memory_space<vmem>>
      tpu.enqueue_dma source(%dma_start3A_129 : memref<64x32xf32, #tpu.memory_space<vmem>>) target(%dma_start3A_125 : memref<64x32xf32, #tpu.memory_space<vmem_shared>>) target_semaphore(%run_scoped3A_117 : memref<!tpu.dma_semaphore, #tpu.memory_space<semaphore_mem>>)
      %dma_wait3A_130 = arith.constant 0 : i32
      %dma_wait3A_131 = arith.constant 0 : i32
      %dma_wait3A_132 = tpu.memref_slice %arg9[%run_scoped3A, %dma_wait3A_130, %dma_wait3A_131] : memref<2x256x32xf32, #tpu.memory_space<vmem>> -> memref<1x64x32xf32, #tpu.memory_space<vmem>>
      %dma_wait3A_133 = tpu.memref_squeeze %dma_wait3A_132 : memref<1x64x32xf32, #tpu.memory_space<vmem>> -> memref<64x32xf32, #tpu.memory_space<vmem>>
      %dma_wait3A_134 = arith.constant 0 : i32
      %dma_wait3A_135 = tpu.memref_slice %arg7[%add3A_13, %dma_wait3A_134] : memref<50176x32xf32, #tpu.memory_space<vmem_shared>> -> memref<64x32xf32, #tpu.memory_space<vmem_shared>>
      %dma_wait3A_136 = arith.constant 0 : i32
      %dma_wait3A_137 = tpu.memref_slice %arg7[%add3A_13, %dma_wait3A_136] : memref<50176x32xf32, #tpu.memory_space<vmem_shared>> -> memref<64x32xf32, #tpu.memory_space<vmem_shared>>
      %dma_wait3A_138 = arith.constant 0 : i32
      %dma_wait3A_139 = arith.constant 0 : i32
      %dma_wait3A_140 = tpu.memref_slice %arg9[%run_scoped3A, %dma_wait3A_138, %dma_wait3A_139] : memref<2x256x32xf32, #tpu.memory_space<vmem>> -> memref<1x64x32xf32, #tpu.memory_space<vmem>>
      %dma_wait3A_141 = tpu.memref_squeeze %dma_wait3A_140 : memref<1x64x32xf32, #tpu.memory_space<vmem>> -> memref<64x32xf32, #tpu.memory_space<vmem>>
      tpu.wait_dma2 semaphore(%run_scoped3A_117 : memref<!tpu.dma_semaphore, #tpu.memory_space<semaphore_mem>>) src(%dma_wait3A_141 : memref<64x32xf32, #tpu.memory_space<vmem>>) dst(%dma_wait3A_137 : memref<64x32xf32, #tpu.memory_space<vmem_shared>>)
      tpu.yield
    }) : () -> ()
    %barrier3A = arith.constant 0 : index
    tpu.barrier barrier_id(%barrier3A)
    %mul3A_14 = arith.constant 392 : i32
    %mul3A_15 = arith.muli %arg1, %mul3A_14 : i32
    %add3A_16 = arith.constant 0 : i32
    %add3A_17 = arith.addi %mul3A_15, %add3A_16 : i32
    %rem3A = arith.constant 0 : i32
    %rem3A_18 = arith.constant 4 : i32
    %rem3A_19 = arith.remsi %rem3A, %rem3A_18 : i32
    %dma_start3A = arith.constant 0 : i32
    %dma_start3A_20 = arith.constant 0 : i32
    %dma_start3A_21 = arith.constant 0 : i32
    %dma_start3A_22 = tpu.memref_slice %arg8[%rem3A_19, %dma_start3A, %dma_start3A_20, %dma_start3A_21] : memref<4x2x2x128xi32, #tpu.memory_space<vmem>> -> memref<1x2x2x128xi32, #tpu.memory_space<vmem>>
    %dma_start3A_23 = tpu.memref_squeeze %dma_start3A_22 : memref<1x2x2x128xi32, #tpu.memory_space<vmem>> -> memref<2x2x128xi32, #tpu.memory_space<vmem>>
    %dma_start3A_24 = arith.constant 0 : i32
    %dma_start3A_25 = arith.constant 0 : i32
    %dma_start3A_26 = tpu.memref_slice %arg2[%add3A_17, %dma_start3A_24, %dma_start3A_25] : memref<6272x2x128xi32, #tpu.memory_space<hbm>> -> memref<2x2x128xi32, #tpu.memory_space<hbm>>
    %dma_start3A_27 = arith.constant 0 : i32
    %dma_start3A_28 = arith.constant 0 : i32
    %dma_start3A_29 = arith.constant 0 : i32
    %dma_start3A_30 = tpu.memref_slice %arg8[%rem3A_19, %dma_start3A_27, %dma_start3A_28, %dma_start3A_29] : memref<4x2x2x128xi32, #tpu.memory_space<vmem>> -> memref<1x2x2x128xi32, #tpu.memory_space<vmem>>
    %dma_start3A_31 = tpu.memref_squeeze %dma_start3A_30 : memref<1x2x2x128xi32, #tpu.memory_space<vmem>> -> memref<2x2x128xi32, #tpu.memory_space<vmem>>
    %dma_start3A_32 = arith.constant 0 : i32
    %dma_start3A_33 = arith.constant 0 : i32
    %dma_start3A_34 = tpu.memref_slice %arg2[%add3A_17, %dma_start3A_32, %dma_start3A_33] : memref<6272x2x128xi32, #tpu.memory_space<hbm>> -> memref<2x2x128xi32, #tpu.memory_space<hbm>>
    tpu.enqueue_dma source(%dma_start3A_34 : memref<2x2x128xi32, #tpu.memory_space<hbm>>) target(%dma_start3A_31 : memref<2x2x128xi32, #tpu.memory_space<vmem>>) target_semaphore(%arg10 : memref<!tpu.dma_semaphore, #tpu.memory_space<semaphore_mem>>)
    %add3A_35 = arith.constant 2 : i32
    %add3A_36 = arith.addi %mul3A_15, %add3A_35 : i32
    %rem3A_37 = arith.constant 1 : i32
    %rem3A_38 = arith.constant 4 : i32
    %rem3A_39 = arith.remsi %rem3A_37, %rem3A_38 : i32
    %dma_start3A_40 = arith.constant 0 : i32
    %dma_start3A_41 = arith.constant 0 : i32
    %dma_start3A_42 = arith.constant 0 : i32
    %dma_start3A_43 = tpu.memref_slice %arg8[%rem3A_39, %dma_start3A_40, %dma_start3A_41, %dma_start3A_42] : memref<4x2x2x128xi32, #tpu.memory_space<vmem>> -> memref<1x2x2x128xi32, #tpu.memory_space<vmem>>
    %dma_start3A_44 = tpu.memref_squeeze %dma_start3A_43 : memref<1x2x2x128xi32, #tpu.memory_space<vmem>> -> memref<2x2x128xi32, #tpu.memory_space<vmem>>
    %dma_start3A_45 = arith.constant 0 : i32
    %dma_start3A_46 = arith.constant 0 : i32
    %dma_start3A_47 = tpu.memref_slice %arg2[%add3A_36, %dma_start3A_45, %dma_start3A_46] : memref<6272x2x128xi32, #tpu.memory_space<hbm>> -> memref<2x2x128xi32, #tpu.memory_space<hbm>>
    %dma_start3A_48 = arith.constant 0 : i32
    %dma_start3A_49 = arith.constant 0 : i32
    %dma_start3A_50 = arith.constant 0 : i32
    %dma_start3A_51 = tpu.memref_slice %arg8[%rem3A_39, %dma_start3A_48, %dma_start3A_49, %dma_start3A_50] : memref<4x2x2x128xi32, #tpu.memory_space<vmem>> -> memref<1x2x2x128xi32, #tpu.memory_space<vmem>>
    %dma_start3A_52 = tpu.memref_squeeze %dma_start3A_51 : memref<1x2x2x128xi32, #tpu.memory_space<vmem>> -> memref<2x2x128xi32, #tpu.memory_space<vmem>>
    %dma_start3A_53 = arith.constant 0 : i32
    %dma_start3A_54 = arith.constant 0 : i32
    %dma_start3A_55 = tpu.memref_slice %arg2[%add3A_36, %dma_start3A_53, %dma_start3A_54] : memref<6272x2x128xi32, #tpu.memory_space<hbm>> -> memref<2x2x128xi32, #tpu.memory_space<hbm>>
    tpu.enqueue_dma source(%dma_start3A_55 : memref<2x2x128xi32, #tpu.memory_space<hbm>>) target(%dma_start3A_52 : memref<2x2x128xi32, #tpu.memory_space<vmem>>) target_semaphore(%arg10 : memref<!tpu.dma_semaphore, #tpu.memory_space<semaphore_mem>>)
    %rem3A_56 = arith.constant 0 : i32
    %rem3A_57 = arith.constant 4 : i32
    %rem3A_58 = arith.remsi %rem3A_56, %rem3A_57 : i32
    %dma_wait3A = arith.constant 0 : i32
    %dma_wait3A_59 = arith.constant 0 : i32
    %dma_wait3A_60 = arith.constant 0 : i32
    %dma_wait3A_61 = tpu.memref_slice %arg8[%rem3A_58, %dma_wait3A, %dma_wait3A_59, %dma_wait3A_60] : memref<4x2x2x128xi32, #tpu.memory_space<vmem>> -> memref<1x2x2x128xi32, #tpu.memory_space<vmem>>
    %dma_wait3A_62 = tpu.memref_squeeze %dma_wait3A_61 : memref<1x2x2x128xi32, #tpu.memory_space<vmem>> -> memref<2x2x128xi32, #tpu.memory_space<vmem>>
    %dma_wait3A_63 = arith.constant 0 : i32
    %dma_wait3A_64 = arith.constant 0 : i32
    %dma_wait3A_65 = arith.constant 0 : i32
    %dma_wait3A_66 = tpu.memref_slice %arg2[%dma_wait3A_63, %dma_wait3A_64, %dma_wait3A_65] : memref<6272x2x128xi32, #tpu.memory_space<hbm>> -> memref<2x2x128xi32, #tpu.memory_space<hbm>>
    %dma_wait3A_67 = arith.constant 0 : i32
    %dma_wait3A_68 = arith.constant 0 : i32
    %dma_wait3A_69 = arith.constant 0 : i32
    %dma_wait3A_70 = tpu.memref_slice %arg8[%rem3A_58, %dma_wait3A_67, %dma_wait3A_68, %dma_wait3A_69] : memref<4x2x2x128xi32, #tpu.memory_space<vmem>> -> memref<1x2x2x128xi32, #tpu.memory_space<vmem>>
    %dma_wait3A_71 = tpu.memref_squeeze %dma_wait3A_70 : memref<1x2x2x128xi32, #tpu.memory_space<vmem>> -> memref<2x2x128xi32, #tpu.memory_space<vmem>>
    %dma_wait3A_72 = arith.constant 0 : i32
    %dma_wait3A_73 = arith.constant 0 : i32
    %dma_wait3A_74 = arith.constant 0 : i32
    %dma_wait3A_75 = tpu.memref_slice %arg2[%dma_wait3A_72, %dma_wait3A_73, %dma_wait3A_74] : memref<6272x2x128xi32, #tpu.memory_space<hbm>> -> memref<2x2x128xi32, #tpu.memory_space<hbm>>
    tpu.wait_dma2 semaphore(%arg10 : memref<!tpu.dma_semaphore, #tpu.memory_space<semaphore_mem>>) src(%dma_wait3A_75 : memref<2x2x128xi32, #tpu.memory_space<hbm>>) dst(%dma_wait3A_71 : memref<2x2x128xi32, #tpu.memory_space<vmem>>)
    %eq3A = arith.constant 0 : i32
    %eq3A_76 = arith.cmpi eq, %arg0, %eq3A : i32
    %convert_element_type3A = arith.extui %eq3A_76 : i1 to i32
    %cond3A = arith.constant 0 : i32
    %cond3A_77 = arith.cmpi ne, %convert_element_type3A, %cond3A : i32
    scf.if %cond3A_77 {
      %rem3A_117 = arith.constant 0 : i32
      %rem3A_118 = arith.constant 4 : i32
      %rem3A_119 = arith.remsi %rem3A_117, %rem3A_118 : i32
      %rem3A_120 = arith.constant 0 : i32
      %rem3A_121 = arith.constant 2 : i32
      %rem3A_122 = arith.remsi %rem3A_120, %rem3A_121 : i32
      %dma_start3A_123 = arith.constant 0 : i32
      %dma_start3A_124 = arith.constant 0 : i32
      %dma_start3A_125 = arith.constant 0 : i32
      %dma_start3A_126 = arith.constant 0 : i32
      %dma_start3A_127 = tpu.memref_slice %arg9[%rem3A_122, %dma_start3A_125, %dma_start3A_126] : memref<2x256x32xf32, #tpu.memory_space<vmem>> -> memref<1x128x32xf32, #tpu.memory_space<vmem>>
      %dma_start3A_128 = tpu.memref_squeeze %dma_start3A_127 : memref<1x128x32xf32, #tpu.memory_space<vmem>> -> memref<128x32xf32, #tpu.memory_space<vmem>>
      %dma_start3A_129 = arith.constant 0 : i32
      %dma_start3A_130 = tpu.memref_slice %arg8[%rem3A_119, %dma_start3A_123, %dma_start3A_124, %dma_start3A_129] : memref<4x2x2x128xi32, #tpu.memory_space<vmem>> -> memref<1x1x1x128xi32, #tpu.memory_space<vmem>>
      %dma_start3A_131 = tpu.memref_squeeze %dma_start3A_130 : memref<1x1x1x128xi32, #tpu.memory_space<vmem>> -> memref<128xi32, #tpu.memory_space<vmem>>
      %dma_start3A_132 = arith.constant 0 : i32
      %dma_start3A_133 = arith.constant 0 : i32
      %dma_start3A_134 = tpu.memref_slice %arg3[%dma_start3A_132, %dma_start3A_133] : memref<50176x32xf32, #tpu.memory_space<hbm>> -> memref<50176x32xf32, #tpu.memory_space<hbm>>
      tpu.enqueue_indirect_dma source(%dma_start3A_134 : memref<50176x32xf32, #tpu.memory_space<hbm>>) target(%dma_start3A_128 : memref<128x32xf32, #tpu.memory_space<vmem>>) offsets(%dma_start3A_131 : memref<128xi32, #tpu.memory_space<vmem>>) semaphore(%arg11 : memref<!tpu.dma_semaphore, #tpu.memory_space<semaphore_mem>>)
      %dma_start3A_135 = arith.constant 1 : i32
      %dma_start3A_136 = arith.constant 0 : i32
      %dma_start3A_137 = arith.constant 128 : i32
      %dma_start3A_138 = arith.constant 0 : i32
      %dma_start3A_139 = tpu.memref_slice %arg9[%rem3A_122, %dma_start3A_137, %dma_start3A_138] : memref<2x256x32xf32, #tpu.memory_space<vmem>> -> memref<1x128x32xf32, #tpu.memory_space<vmem>>
      %dma_start3A_140 = tpu.memref_squeeze %dma_start3A_139 : memref<1x128x32xf32, #tpu.memory_space<vmem>> -> memref<128x32xf32, #tpu.memory_space<vmem>>
      %dma_start3A_141 = arith.constant 0 : i32
      %dma_start3A_142 = tpu.memref_slice %arg8[%rem3A_119, %dma_start3A_135, %dma_start3A_136, %dma_start3A_141] : memref<4x2x2x128xi32, #tpu.memory_space<vmem>> -> memref<1x1x1x128xi32, #tpu.memory_space<vmem>>
      %dma_start3A_143 = tpu.memref_squeeze %dma_start3A_142 : memref<1x1x1x128xi32, #tpu.memory_space<vmem>> -> memref<128xi32, #tpu.memory_space<vmem>>
      %dma_start3A_144 = arith.constant 0 : i32
      %dma_start3A_145 = arith.constant 0 : i32
      %dma_start3A_146 = tpu.memref_slice %arg3[%dma_start3A_144, %dma_start3A_145] : memref<50176x32xf32, #tpu.memory_space<hbm>> -> memref<50176x32xf32, #tpu.memory_space<hbm>>
      tpu.enqueue_indirect_dma source(%dma_start3A_146 : memref<50176x32xf32, #tpu.memory_space<hbm>>) target(%dma_start3A_140 : memref<128x32xf32, #tpu.memory_space<vmem>>) offsets(%dma_start3A_143 : memref<128xi32, #tpu.memory_space<vmem>>) semaphore(%arg11 : memref<!tpu.dma_semaphore, #tpu.memory_space<semaphore_mem>>)
    } else {
    }
    %eq3A_78 = arith.constant 1 : i32
    %eq3A_79 = arith.cmpi eq, %arg0, %eq3A_78 : i32
    %convert_element_type3A_80 = arith.extui %eq3A_79 : i1 to i32
    %cond3A_81 = arith.constant 0 : i32
    %cond3A_82 = arith.cmpi ne, %convert_element_type3A_80, %cond3A_81 : i32
    scf.if %cond3A_82 {
      %rem3A_117 = arith.constant 0 : i32
      %rem3A_118 = arith.constant 4 : i32
      %rem3A_119 = arith.remsi %rem3A_117, %rem3A_118 : i32
      %rem3A_120 = arith.constant 0 : i32
      %rem3A_121 = arith.constant 2 : i32
      %rem3A_122 = arith.remsi %rem3A_120, %rem3A_121 : i32
      %dma_start3A_123 = arith.constant 0 : i32
      %dma_start3A_124 = arith.constant 0 : i32
      %dma_start3A_125 = arith.constant 0 : i32
      %dma_start3A_126 = arith.constant 0 : i32
      %dma_start3A_127 = tpu.memref_slice %arg9[%rem3A_122, %dma_start3A_125, %dma_start3A_126] : memref<2x256x32xf32, #tpu.memory_space<vmem>> -> memref<1x128x32xf32, #tpu.memory_space<vmem>>
      %dma_start3A_128 = tpu.memref_squeeze %dma_start3A_127 : memref<1x128x32xf32, #tpu.memory_space<vmem>> -> memref<128x32xf32, #tpu.memory_space<vmem>>
      %dma_start3A_129 = arith.constant 0 : i32
      %dma_start3A_130 = tpu.memref_slice %arg8[%rem3A_119, %dma_start3A_123, %dma_start3A_124, %dma_start3A_129] : memref<4x2x2x128xi32, #tpu.memory_space<vmem>> -> memref<1x1x1x128xi32, #tpu.memory_space<vmem>>
      %dma_start3A_131 = tpu.memref_squeeze %dma_start3A_130 : memref<1x1x1x128xi32, #tpu.memory_space<vmem>> -> memref<128xi32, #tpu.memory_space<vmem>>
      %dma_start3A_132 = arith.constant 0 : i32
      %dma_start3A_133 = arith.constant 0 : i32
      %dma_start3A_134 = tpu.memref_slice %arg4[%dma_start3A_132, %dma_start3A_133] : memref<50176x32xf32, #tpu.memory_space<hbm>> -> memref<50176x32xf32, #tpu.memory_space<hbm>>
      tpu.enqueue_indirect_dma source(%dma_start3A_134 : memref<50176x32xf32, #tpu.memory_space<hbm>>) target(%dma_start3A_128 : memref<128x32xf32, #tpu.memory_space<vmem>>) offsets(%dma_start3A_131 : memref<128xi32, #tpu.memory_space<vmem>>) semaphore(%arg11 : memref<!tpu.dma_semaphore, #tpu.memory_space<semaphore_mem>>)
      %dma_start3A_135 = arith.constant 1 : i32
      %dma_start3A_136 = arith.constant 0 : i32
      %dma_start3A_137 = arith.constant 128 : i32
      %dma_start3A_138 = arith.constant 0 : i32
      %dma_start3A_139 = tpu.memref_slice %arg9[%rem3A_122, %dma_start3A_137, %dma_start3A_138] : memref<2x256x32xf32, #tpu.memory_space<vmem>> -> memref<1x128x32xf32, #tpu.memory_space<vmem>>
      %dma_start3A_140 = tpu.memref_squeeze %dma_start3A_139 : memref<1x128x32xf32, #tpu.memory_space<vmem>> -> memref<128x32xf32, #tpu.memory_space<vmem>>
      %dma_start3A_141 = arith.constant 0 : i32
      %dma_start3A_142 = tpu.memref_slice %arg8[%rem3A_119, %dma_start3A_135, %dma_start3A_136, %dma_start3A_141] : memref<4x2x2x128xi32, #tpu.memory_space<vmem>> -> memref<1x1x1x128xi32, #tpu.memory_space<vmem>>
      %dma_start3A_143 = tpu.memref_squeeze %dma_start3A_142 : memref<1x1x1x128xi32, #tpu.memory_space<vmem>> -> memref<128xi32, #tpu.memory_space<vmem>>
      %dma_start3A_144 = arith.constant 0 : i32
      %dma_start3A_145 = arith.constant 0 : i32
      %dma_start3A_146 = tpu.memref_slice %arg4[%dma_start3A_144, %dma_start3A_145] : memref<50176x32xf32, #tpu.memory_space<hbm>> -> memref<50176x32xf32, #tpu.memory_space<hbm>>
      tpu.enqueue_indirect_dma source(%dma_start3A_146 : memref<50176x32xf32, #tpu.memory_space<hbm>>) target(%dma_start3A_140 : memref<128x32xf32, #tpu.memory_space<vmem>>) offsets(%dma_start3A_143 : memref<128xi32, #tpu.memory_space<vmem>>) semaphore(%arg11 : memref<!tpu.dma_semaphore, #tpu.memory_space<semaphore_mem>>)
    } else {
    }
    %scan3A_83 = arith.constant 0 : i32
    %scan3A_84 = arith.constant 0 : i32
    %scan3A_85 = arith.constant 196 : i32
    %scan3A_86 = arith.addi %scan3A_84, %scan3A_85 : i32
    %scan3A_87 = arith.constant 1 : i32
    scf.for %scan3A_117 = %scan3A_84 to %scan3A_86 step %scan3A_87  : i32 {
      %rem3A_118 = arith.constant 2 : i32
      %rem3A_119 = arith.remsi %scan3A_117, %rem3A_118 : i32
      %dma_wait3A_120 = arith.constant 0 : i32
      %dma_wait3A_121 = arith.constant 0 : i32
      %dma_wait3A_122 = tpu.memref_slice %arg9[%rem3A_119, %dma_wait3A_120, %dma_wait3A_121] : memref<2x256x32xf32, #tpu.memory_space<vmem>> -> memref<1x256x32xf32, #tpu.memory_space<vmem>>
      %dma_wait3A_123 = tpu.memref_squeeze %dma_wait3A_122 : memref<1x256x32xf32, #tpu.memory_space<vmem>> -> memref<256x32xf32, #tpu.memory_space<vmem>>
      %dma_wait3A_124 = arith.constant 0 : i32
      %dma_wait3A_125 = arith.constant 0 : i32
      %dma_wait3A_126 = tpu.memref_slice %arg3[%dma_wait3A_124, %dma_wait3A_125] : memref<50176x32xf32, #tpu.memory_space<hbm>> -> memref<256x32xf32, #tpu.memory_space<hbm>>
      %dma_wait3A_127 = arith.constant 0 : i32
      %dma_wait3A_128 = arith.constant 0 : i32
      %dma_wait3A_129 = tpu.memref_slice %arg9[%rem3A_119, %dma_wait3A_127, %dma_wait3A_128] : memref<2x256x32xf32, #tpu.memory_space<vmem>> -> memref<1x256x32xf32, #tpu.memory_space<vmem>>
      %dma_wait3A_130 = tpu.memref_squeeze %dma_wait3A_129 : memref<1x256x32xf32, #tpu.memory_space<vmem>> -> memref<256x32xf32, #tpu.memory_space<vmem>>
      %dma_wait3A_131 = arith.constant 0 : i32
      %dma_wait3A_132 = arith.constant 0 : i32
      %dma_wait3A_133 = tpu.memref_slice %arg3[%dma_wait3A_131, %dma_wait3A_132] : memref<50176x32xf32, #tpu.memory_space<hbm>> -> memref<256x32xf32, #tpu.memory_space<hbm>>
      tpu.wait_dma2 semaphore(%arg11 : memref<!tpu.dma_semaphore, #tpu.memory_space<semaphore_mem>>) src(%dma_wait3A_133 : memref<256x32xf32, #tpu.memory_space<hbm>>) dst(%dma_wait3A_130 : memref<256x32xf32, #tpu.memory_space<vmem>>)
      %ge3A = arith.constant 1 : i32
      %ge3A_134 = arith.cmpi sge, %scan3A_117, %ge3A : i32
      %convert_element_type3A_135 = arith.extui %ge3A_134 : i1 to i32
      %cond3A_136 = arith.constant 0 : i32
      %cond3A_137 = arith.cmpi ne, %convert_element_type3A_135, %cond3A_136 : i32
      scf.if %cond3A_137 {
        %sub3A = arith.constant 1 : i32
        %sub3A_179 = arith.subi %scan3A_117, %sub3A : i32
        %rem3A_180 = arith.constant 2 : i32
        %rem3A_181 = arith.remsi %sub3A_179, %rem3A_180 : i32
        %dma_wait3A_182 = arith.constant 0 : i32
        %dma_wait3A_183 = arith.constant 0 : i32
        %dma_wait3A_184 = tpu.memref_slice %arg9[%rem3A_181, %dma_wait3A_182, %dma_wait3A_183] : memref<2x256x32xf32, #tpu.memory_space<vmem>> -> memref<1x256x32xf32, #tpu.memory_space<vmem>>
        %dma_wait3A_185 = tpu.memref_squeeze %dma_wait3A_184 : memref<1x256x32xf32, #tpu.memory_space<vmem>> -> memref<256x32xf32, #tpu.memory_space<vmem>>
        %dma_wait3A_186 = arith.constant 0 : i32
        %dma_wait3A_187 = arith.constant 0 : i32
        %dma_wait3A_188 = tpu.memref_slice %arg3[%dma_wait3A_186, %dma_wait3A_187] : memref<50176x32xf32, #tpu.memory_space<hbm>> -> memref<256x32xf32, #tpu.memory_space<hbm>>
        %dma_wait3A_189 = arith.constant 0 : i32
        %dma_wait3A_190 = arith.constant 0 : i32
        %dma_wait3A_191 = tpu.memref_slice %arg9[%rem3A_181, %dma_wait3A_189, %dma_wait3A_190] : memref<2x256x32xf32, #tpu.memory_space<vmem>> -> memref<1x256x32xf32, #tpu.memory_space<vmem>>
        %dma_wait3A_192 = tpu.memref_squeeze %dma_wait3A_191 : memref<1x256x32xf32, #tpu.memory_space<vmem>> -> memref<256x32xf32, #tpu.memory_space<vmem>>
        %dma_wait3A_193 = arith.constant 0 : i32
        %dma_wait3A_194 = arith.constant 0 : i32
        %dma_wait3A_195 = tpu.memref_slice %arg3[%dma_wait3A_193, %dma_wait3A_194] : memref<50176x32xf32, #tpu.memory_space<hbm>> -> memref<256x32xf32, #tpu.memory_space<hbm>>
        tpu.wait_dma2 semaphore(%arg12 : memref<!tpu.dma_semaphore, #tpu.memory_space<semaphore_mem>>) src(%dma_wait3A_195 : memref<256x32xf32, #tpu.memory_space<hbm>>) dst(%dma_wait3A_192 : memref<256x32xf32, #tpu.memory_space<vmem>>)
      } else {
      }
      %add3A_138 = arith.constant 2 : i32
      %add3A_139 = arith.addi %scan3A_117, %add3A_138 : i32
      %lt3A = arith.constant 196 : i32
      %lt3A_140 = arith.cmpi slt, %add3A_139, %lt3A : i32
      %convert_element_type3A_141 = arith.extui %lt3A_140 : i1 to i32
      %cond3A_142 = arith.constant 0 : i32
      %cond3A_143 = arith.cmpi ne, %convert_element_type3A_141, %cond3A_142 : i32
      scf.if %cond3A_143 {
        %add3A_179 = arith.constant 2 : i32
        %add3A_180 = arith.addi %scan3A_117, %add3A_179 : i32
        %mul3A_181 = arith.constant 2 : i32
        %mul3A_182 = arith.muli %add3A_180, %mul3A_181 : i32
        %add3A_183 = arith.addi %mul3A_15, %mul3A_182 : i32
        %rem3A_184 = arith.constant 4 : i32
        %rem3A_185 = arith.remsi %add3A_180, %rem3A_184 : i32
        %dma_start3A_186 = arith.constant 0 : i32
        %dma_start3A_187 = arith.constant 0 : i32
        %dma_start3A_188 = arith.constant 0 : i32
        %dma_start3A_189 = tpu.memref_slice %arg8[%rem3A_185, %dma_start3A_186, %dma_start3A_187, %dma_start3A_188] : memref<4x2x2x128xi32, #tpu.memory_space<vmem>> -> memref<1x2x2x128xi32, #tpu.memory_space<vmem>>
        %dma_start3A_190 = tpu.memref_squeeze %dma_start3A_189 : memref<1x2x2x128xi32, #tpu.memory_space<vmem>> -> memref<2x2x128xi32, #tpu.memory_space<vmem>>
        %dma_start3A_191 = arith.constant 0 : i32
        %dma_start3A_192 = arith.constant 0 : i32
        %dma_start3A_193 = tpu.memref_slice %arg2[%add3A_183, %dma_start3A_191, %dma_start3A_192] : memref<6272x2x128xi32, #tpu.memory_space<hbm>> -> memref<2x2x128xi32, #tpu.memory_space<hbm>>
        %dma_start3A_194 = arith.constant 0 : i32
        %dma_start3A_195 = arith.constant 0 : i32
        %dma_start3A_196 = arith.constant 0 : i32
        %dma_start3A_197 = tpu.memref_slice %arg8[%rem3A_185, %dma_start3A_194, %dma_start3A_195, %dma_start3A_196] : memref<4x2x2x128xi32, #tpu.memory_space<vmem>> -> memref<1x2x2x128xi32, #tpu.memory_space<vmem>>
        %dma_start3A_198 = tpu.memref_squeeze %dma_start3A_197 : memref<1x2x2x128xi32, #tpu.memory_space<vmem>> -> memref<2x2x128xi32, #tpu.memory_space<vmem>>
        %dma_start3A_199 = arith.constant 0 : i32
        %dma_start3A_200 = arith.constant 0 : i32
        %dma_start3A_201 = tpu.memref_slice %arg2[%add3A_183, %dma_start3A_199, %dma_start3A_200] : memref<6272x2x128xi32, #tpu.memory_space<hbm>> -> memref<2x2x128xi32, #tpu.memory_space<hbm>>
        tpu.enqueue_dma source(%dma_start3A_201 : memref<2x2x128xi32, #tpu.memory_space<hbm>>) target(%dma_start3A_198 : memref<2x2x128xi32, #tpu.memory_space<vmem>>) target_semaphore(%arg10 : memref<!tpu.dma_semaphore, #tpu.memory_space<semaphore_mem>>)
      } else {
      }
      %add3A_144 = arith.constant 1 : i32
      %add3A_145 = arith.addi %scan3A_117, %add3A_144 : i32
      %lt3A_146 = arith.constant 196 : i32
      %lt3A_147 = arith.cmpi slt, %add3A_145, %lt3A_146 : i32
      %convert_element_type3A_148 = arith.extui %lt3A_147 : i1 to i32
      %cond3A_149 = arith.constant 0 : i32
      %cond3A_150 = arith.cmpi ne, %convert_element_type3A_148, %cond3A_149 : i32
      scf.if %cond3A_150 {
        %add3A_179 = arith.constant 1 : i32
        %add3A_180 = arith.addi %scan3A_117, %add3A_179 : i32
        %rem3A_181 = arith.constant 4 : i32
        %rem3A_182 = arith.remsi %add3A_180, %rem3A_181 : i32
        %dma_wait3A_183 = arith.constant 0 : i32
        %dma_wait3A_184 = arith.constant 0 : i32
        %dma_wait3A_185 = arith.constant 0 : i32
        %dma_wait3A_186 = tpu.memref_slice %arg8[%rem3A_182, %dma_wait3A_183, %dma_wait3A_184, %dma_wait3A_185] : memref<4x2x2x128xi32, #tpu.memory_space<vmem>> -> memref<1x2x2x128xi32, #tpu.memory_space<vmem>>
        %dma_wait3A_187 = tpu.memref_squeeze %dma_wait3A_186 : memref<1x2x2x128xi32, #tpu.memory_space<vmem>> -> memref<2x2x128xi32, #tpu.memory_space<vmem>>
        %dma_wait3A_188 = arith.constant 0 : i32
        %dma_wait3A_189 = arith.constant 0 : i32
        %dma_wait3A_190 = arith.constant 0 : i32
        %dma_wait3A_191 = tpu.memref_slice %arg2[%dma_wait3A_188, %dma_wait3A_189, %dma_wait3A_190] : memref<6272x2x128xi32, #tpu.memory_space<hbm>> -> memref<2x2x128xi32, #tpu.memory_space<hbm>>
        %dma_wait3A_192 = arith.constant 0 : i32
        %dma_wait3A_193 = arith.constant 0 : i32
        %dma_wait3A_194 = arith.constant 0 : i32
        %dma_wait3A_195 = tpu.memref_slice %arg8[%rem3A_182, %dma_wait3A_192, %dma_wait3A_193, %dma_wait3A_194] : memref<4x2x2x128xi32, #tpu.memory_space<vmem>> -> memref<1x2x2x128xi32, #tpu.memory_space<vmem>>
        %dma_wait3A_196 = tpu.memref_squeeze %dma_wait3A_195 : memref<1x2x2x128xi32, #tpu.memory_space<vmem>> -> memref<2x2x128xi32, #tpu.memory_space<vmem>>
        %dma_wait3A_197 = arith.constant 0 : i32
        %dma_wait3A_198 = arith.constant 0 : i32
        %dma_wait3A_199 = arith.constant 0 : i32
        %dma_wait3A_200 = tpu.memref_slice %arg2[%dma_wait3A_197, %dma_wait3A_198, %dma_wait3A_199] : memref<6272x2x128xi32, #tpu.memory_space<hbm>> -> memref<2x2x128xi32, #tpu.memory_space<hbm>>
        tpu.wait_dma2 semaphore(%arg10 : memref<!tpu.dma_semaphore, #tpu.memory_space<semaphore_mem>>) src(%dma_wait3A_200 : memref<2x2x128xi32, #tpu.memory_space<hbm>>) dst(%dma_wait3A_196 : memref<2x2x128xi32, #tpu.memory_space<vmem>>)
        %add3A_201 = arith.constant 1 : i32
        %add3A_202 = arith.addi %scan3A_117, %add3A_201 : i32
        %eq3A_203 = arith.constant 0 : i32
        %eq3A_204 = arith.cmpi eq, %arg0, %eq3A_203 : i32
        %convert_element_type3A_205 = arith.extui %eq3A_204 : i1 to i32
        %cond3A_206 = arith.constant 0 : i32
        %cond3A_207 = arith.cmpi ne, %convert_element_type3A_205, %cond3A_206 : i32
        scf.if %cond3A_207 {
          %rem3A_213 = arith.constant 4 : i32
          %rem3A_214 = arith.remsi %add3A_202, %rem3A_213 : i32
          %rem3A_215 = arith.constant 2 : i32
          %rem3A_216 = arith.remsi %add3A_202, %rem3A_215 : i32
          %dma_start3A_217 = arith.constant 0 : i32
          %dma_start3A_218 = arith.constant 0 : i32
          %dma_start3A_219 = arith.constant 0 : i32
          %dma_start3A_220 = arith.constant 0 : i32
          %dma_start3A_221 = tpu.memref_slice %arg9[%rem3A_216, %dma_start3A_219, %dma_start3A_220] : memref<2x256x32xf32, #tpu.memory_space<vmem>> -> memref<1x128x32xf32, #tpu.memory_space<vmem>>
          %dma_start3A_222 = tpu.memref_squeeze %dma_start3A_221 : memref<1x128x32xf32, #tpu.memory_space<vmem>> -> memref<128x32xf32, #tpu.memory_space<vmem>>
          %dma_start3A_223 = arith.constant 0 : i32
          %dma_start3A_224 = tpu.memref_slice %arg8[%rem3A_214, %dma_start3A_217, %dma_start3A_218, %dma_start3A_223] : memref<4x2x2x128xi32, #tpu.memory_space<vmem>> -> memref<1x1x1x128xi32, #tpu.memory_space<vmem>>
          %dma_start3A_225 = tpu.memref_squeeze %dma_start3A_224 : memref<1x1x1x128xi32, #tpu.memory_space<vmem>> -> memref<128xi32, #tpu.memory_space<vmem>>
          %dma_start3A_226 = arith.constant 0 : i32
          %dma_start3A_227 = arith.constant 0 : i32
          %dma_start3A_228 = tpu.memref_slice %arg3[%dma_start3A_226, %dma_start3A_227] : memref<50176x32xf32, #tpu.memory_space<hbm>> -> memref<50176x32xf32, #tpu.memory_space<hbm>>
          tpu.enqueue_indirect_dma source(%dma_start3A_228 : memref<50176x32xf32, #tpu.memory_space<hbm>>) target(%dma_start3A_222 : memref<128x32xf32, #tpu.memory_space<vmem>>) offsets(%dma_start3A_225 : memref<128xi32, #tpu.memory_space<vmem>>) semaphore(%arg11 : memref<!tpu.dma_semaphore, #tpu.memory_space<semaphore_mem>>)
          %dma_start3A_229 = arith.constant 1 : i32
          %dma_start3A_230 = arith.constant 0 : i32
          %dma_start3A_231 = arith.constant 128 : i32
          %dma_start3A_232 = arith.constant 0 : i32
          %dma_start3A_233 = tpu.memref_slice %arg9[%rem3A_216, %dma_start3A_231, %dma_start3A_232] : memref<2x256x32xf32, #tpu.memory_space<vmem>> -> memref<1x128x32xf32, #tpu.memory_space<vmem>>
          %dma_start3A_234 = tpu.memref_squeeze %dma_start3A_233 : memref<1x128x32xf32, #tpu.memory_space<vmem>> -> memref<128x32xf32, #tpu.memory_space<vmem>>
          %dma_start3A_235 = arith.constant 0 : i32
          %dma_start3A_236 = tpu.memref_slice %arg8[%rem3A_214, %dma_start3A_229, %dma_start3A_230, %dma_start3A_235] : memref<4x2x2x128xi32, #tpu.memory_space<vmem>> -> memref<1x1x1x128xi32, #tpu.memory_space<vmem>>
          %dma_start3A_237 = tpu.memref_squeeze %dma_start3A_236 : memref<1x1x1x128xi32, #tpu.memory_space<vmem>> -> memref<128xi32, #tpu.memory_space<vmem>>
          %dma_start3A_238 = arith.constant 0 : i32
          %dma_start3A_239 = arith.constant 0 : i32
          %dma_start3A_240 = tpu.memref_slice %arg3[%dma_start3A_238, %dma_start3A_239] : memref<50176x32xf32, #tpu.memory_space<hbm>> -> memref<50176x32xf32, #tpu.memory_space<hbm>>
          tpu.enqueue_indirect_dma source(%dma_start3A_240 : memref<50176x32xf32, #tpu.memory_space<hbm>>) target(%dma_start3A_234 : memref<128x32xf32, #tpu.memory_space<vmem>>) offsets(%dma_start3A_237 : memref<128xi32, #tpu.memory_space<vmem>>) semaphore(%arg11 : memref<!tpu.dma_semaphore, #tpu.memory_space<semaphore_mem>>)
        } else {
        }
        %eq3A_208 = arith.constant 1 : i32
        %eq3A_209 = arith.cmpi eq, %arg0, %eq3A_208 : i32
        %convert_element_type3A_210 = arith.extui %eq3A_209 : i1 to i32
        %cond3A_211 = arith.constant 0 : i32
        %cond3A_212 = arith.cmpi ne, %convert_element_type3A_210, %cond3A_211 : i32
        scf.if %cond3A_212 {
          %rem3A_213 = arith.constant 4 : i32
          %rem3A_214 = arith.remsi %add3A_202, %rem3A_213 : i32
          %rem3A_215 = arith.constant 2 : i32
          %rem3A_216 = arith.remsi %add3A_202, %rem3A_215 : i32
          %dma_start3A_217 = arith.constant 0 : i32
          %dma_start3A_218 = arith.constant 0 : i32
          %dma_start3A_219 = arith.constant 0 : i32
          %dma_start3A_220 = arith.constant 0 : i32
          %dma_start3A_221 = tpu.memref_slice %arg9[%rem3A_216, %dma_start3A_219, %dma_start3A_220] : memref<2x256x32xf32, #tpu.memory_space<vmem>> -> memref<1x128x32xf32, #tpu.memory_space<vmem>>
          %dma_start3A_222 = tpu.memref_squeeze %dma_start3A_221 : memref<1x128x32xf32, #tpu.memory_space<vmem>> -> memref<128x32xf32, #tpu.memory_space<vmem>>
          %dma_start3A_223 = arith.constant 0 : i32
          %dma_start3A_224 = tpu.memref_slice %arg8[%rem3A_214, %dma_start3A_217, %dma_start3A_218, %dma_start3A_223] : memref<4x2x2x128xi32, #tpu.memory_space<vmem>> -> memref<1x1x1x128xi32, #tpu.memory_space<vmem>>
          %dma_start3A_225 = tpu.memref_squeeze %dma_start3A_224 : memref<1x1x1x128xi32, #tpu.memory_space<vmem>> -> memref<128xi32, #tpu.memory_space<vmem>>
          %dma_start3A_226 = arith.constant 0 : i32
          %dma_start3A_227 = arith.constant 0 : i32
          %dma_start3A_228 = tpu.memref_slice %arg4[%dma_start3A_226, %dma_start3A_227] : memref<50176x32xf32, #tpu.memory_space<hbm>> -> memref<50176x32xf32, #tpu.memory_space<hbm>>
          tpu.enqueue_indirect_dma source(%dma_start3A_228 : memref<50176x32xf32, #tpu.memory_space<hbm>>) target(%dma_start3A_222 : memref<128x32xf32, #tpu.memory_space<vmem>>) offsets(%dma_start3A_225 : memref<128xi32, #tpu.memory_space<vmem>>) semaphore(%arg11 : memref<!tpu.dma_semaphore, #tpu.memory_space<semaphore_mem>>)
          %dma_start3A_229 = arith.constant 1 : i32
          %dma_start3A_230 = arith.constant 0 : i32
          %dma_start3A_231 = arith.constant 128 : i32
          %dma_start3A_232 = arith.constant 0 : i32
          %dma_start3A_233 = tpu.memref_slice %arg9[%rem3A_216, %dma_start3A_231, %dma_start3A_232] : memref<2x256x32xf32, #tpu.memory_space<vmem>> -> memref<1x128x32xf32, #tpu.memory_space<vmem>>
          %dma_start3A_234 = tpu.memref_squeeze %dma_start3A_233 : memref<1x128x32xf32, #tpu.memory_space<vmem>> -> memref<128x32xf32, #tpu.memory_space<vmem>>
          %dma_start3A_235 = arith.constant 0 : i32
          %dma_start3A_236 = tpu.memref_slice %arg8[%rem3A_214, %dma_start3A_229, %dma_start3A_230, %dma_start3A_235] : memref<4x2x2x128xi32, #tpu.memory_space<vmem>> -> memref<1x1x1x128xi32, #tpu.memory_space<vmem>>
          %dma_start3A_237 = tpu.memref_squeeze %dma_start3A_236 : memref<1x1x1x128xi32, #tpu.memory_space<vmem>> -> memref<128xi32, #tpu.memory_space<vmem>>
          %dma_start3A_238 = arith.constant 0 : i32
          %dma_start3A_239 = arith.constant 0 : i32
          %dma_start3A_240 = tpu.memref_slice %arg4[%dma_start3A_238, %dma_start3A_239] : memref<50176x32xf32, #tpu.memory_space<hbm>> -> memref<50176x32xf32, #tpu.memory_space<hbm>>
          tpu.enqueue_indirect_dma source(%dma_start3A_240 : memref<50176x32xf32, #tpu.memory_space<hbm>>) target(%dma_start3A_234 : memref<128x32xf32, #tpu.memory_space<vmem>>) offsets(%dma_start3A_237 : memref<128xi32, #tpu.memory_space<vmem>>) semaphore(%arg11 : memref<!tpu.dma_semaphore, #tpu.memory_space<semaphore_mem>>)
        } else {
        }
      } else {
      }
      %rem3A_151 = arith.constant 4 : i32
      %rem3A_152 = arith.remsi %scan3A_117, %rem3A_151 : i32
      %rem3A_153 = arith.constant 2 : i32
      %rem3A_154 = arith.remsi %scan3A_117, %rem3A_153 : i32
      %dma_start3A_155 = arith.constant 0 : i32
      %dma_start3A_156 = arith.constant 1 : i32
      %dma_start3A_157 = arith.constant 0 : i32
      %dma_start3A_158 = arith.constant 0 : i32
      %dma_start3A_159 = tpu.memref_slice %arg9[%rem3A_154, %dma_start3A_157, %dma_start3A_158] : memref<2x256x32xf32, #tpu.memory_space<vmem>> -> memref<1x128x32xf32, #tpu.memory_space<vmem>>
      %dma_start3A_160 = tpu.memref_squeeze %dma_start3A_159 : memref<1x128x32xf32, #tpu.memory_space<vmem>> -> memref<128x32xf32, #tpu.memory_space<vmem>>
      %dma_start3A_161 = arith.constant 0 : i32
      %dma_start3A_162 = tpu.memref_slice %arg8[%rem3A_152, %dma_start3A_155, %dma_start3A_156, %dma_start3A_161] : memref<4x2x2x128xi32, #tpu.memory_space<vmem>> -> memref<1x1x1x128xi32, #tpu.memory_space<vmem>>
      %dma_start3A_163 = tpu.memref_squeeze %dma_start3A_162 : memref<1x1x1x128xi32, #tpu.memory_space<vmem>> -> memref<128xi32, #tpu.memory_space<vmem>>
      %dma_start3A_164 = arith.constant 0 : i32
      %dma_start3A_165 = arith.constant 0 : i32
      %dma_start3A_166 = tpu.memref_slice %arg7[%dma_start3A_164, %dma_start3A_165] : memref<50176x32xf32, #tpu.memory_space<vmem_shared>> -> memref<50176x32xf32, #tpu.memory_space<vmem_shared>>
      tpu.enqueue_indirect_dma source(%dma_start3A_160 : memref<128x32xf32, #tpu.memory_space<vmem>>) target(%dma_start3A_166 : memref<50176x32xf32, #tpu.memory_space<vmem_shared>>) offsets(%dma_start3A_163 : memref<128xi32, #tpu.memory_space<vmem>>) semaphore(%arg12 : memref<!tpu.dma_semaphore, #tpu.memory_space<semaphore_mem>>) {add = true}
      %dma_start3A_167 = arith.constant 1 : i32
      %dma_start3A_168 = arith.constant 1 : i32
      %dma_start3A_169 = arith.constant 128 : i32
      %dma_start3A_170 = arith.constant 0 : i32
      %dma_start3A_171 = tpu.memref_slice %arg9[%rem3A_154, %dma_start3A_169, %dma_start3A_170] : memref<2x256x32xf32, #tpu.memory_space<vmem>> -> memref<1x128x32xf32, #tpu.memory_space<vmem>>
      %dma_start3A_172 = tpu.memref_squeeze %dma_start3A_171 : memref<1x128x32xf32, #tpu.memory_space<vmem>> -> memref<128x32xf32, #tpu.memory_space<vmem>>
      %dma_start3A_173 = arith.constant 0 : i32
      %dma_start3A_174 = tpu.memref_slice %arg8[%rem3A_152, %dma_start3A_167, %dma_start3A_168, %dma_start3A_173] : memref<4x2x2x128xi32, #tpu.memory_space<vmem>> -> memref<1x1x1x128xi32, #tpu.memory_space<vmem>>
      %dma_start3A_175 = tpu.memref_squeeze %dma_start3A_174 : memref<1x1x1x128xi32, #tpu.memory_space<vmem>> -> memref<128xi32, #tpu.memory_space<vmem>>
      %dma_start3A_176 = arith.constant 0 : i32
      %dma_start3A_177 = arith.constant 0 : i32
      %dma_start3A_178 = tpu.memref_slice %arg7[%dma_start3A_176, %dma_start3A_177] : memref<50176x32xf32, #tpu.memory_space<vmem_shared>> -> memref<50176x32xf32, #tpu.memory_space<vmem_shared>>
      tpu.enqueue_indirect_dma source(%dma_start3A_172 : memref<128x32xf32, #tpu.memory_space<vmem>>) target(%dma_start3A_178 : memref<50176x32xf32, #tpu.memory_space<vmem_shared>>) offsets(%dma_start3A_175 : memref<128xi32, #tpu.memory_space<vmem>>) semaphore(%arg12 : memref<!tpu.dma_semaphore, #tpu.memory_space<semaphore_mem>>) {add = true}
    }
    %scan3A_88 = arith.constant 196 : i32
    %rem3A_89 = arith.constant 195 : i32
    %rem3A_90 = arith.constant 2 : i32
    %rem3A_91 = arith.remsi %rem3A_89, %rem3A_90 : i32
    %dma_wait3A_92 = arith.constant 0 : i32
    %dma_wait3A_93 = arith.constant 0 : i32
    %dma_wait3A_94 = tpu.memref_slice %arg9[%rem3A_91, %dma_wait3A_92, %dma_wait3A_93] : memref<2x256x32xf32, #tpu.memory_space<vmem>> -> memref<1x256x32xf32, #tpu.memory_space<vmem>>
    %dma_wait3A_95 = tpu.memref_squeeze %dma_wait3A_94 : memref<1x256x32xf32, #tpu.memory_space<vmem>> -> memref<256x32xf32, #tpu.memory_space<vmem>>
    %dma_wait3A_96 = arith.constant 0 : i32
    %dma_wait3A_97 = arith.constant 0 : i32
    %dma_wait3A_98 = tpu.memref_slice %arg3[%dma_wait3A_96, %dma_wait3A_97] : memref<50176x32xf32, #tpu.memory_space<hbm>> -> memref<256x32xf32, #tpu.memory_space<hbm>>
    %dma_wait3A_99 = arith.constant 0 : i32
    %dma_wait3A_100 = arith.constant 0 : i32
    %dma_wait3A_101 = tpu.memref_slice %arg9[%rem3A_91, %dma_wait3A_99, %dma_wait3A_100] : memref<2x256x32xf32, #tpu.memory_space<vmem>> -> memref<1x256x32xf32, #tpu.memory_space<vmem>>
    %dma_wait3A_102 = tpu.memref_squeeze %dma_wait3A_101 : memref<1x256x32xf32, #tpu.memory_space<vmem>> -> memref<256x32xf32, #tpu.memory_space<vmem>>
    %dma_wait3A_103 = arith.constant 0 : i32
    %dma_wait3A_104 = arith.constant 0 : i32
    %dma_wait3A_105 = tpu.memref_slice %arg3[%dma_wait3A_103, %dma_wait3A_104] : memref<50176x32xf32, #tpu.memory_space<hbm>> -> memref<256x32xf32, #tpu.memory_space<hbm>>
    tpu.wait_dma2 semaphore(%arg12 : memref<!tpu.dma_semaphore, #tpu.memory_space<semaphore_mem>>) src(%dma_wait3A_105 : memref<256x32xf32, #tpu.memory_space<hbm>>) dst(%dma_wait3A_102 : memref<256x32xf32, #tpu.memory_space<vmem>>)
    %barrier3A_106 = arith.constant 0 : index
    tpu.barrier barrier_id(%barrier3A_106)
    %eq3A_107 = arith.constant 0 : i32
    %eq3A_108 = arith.cmpi eq, %arg0, %eq3A_107 : i32
    %convert_element_type3A_109 = arith.extui %eq3A_108 : i1 to i32
    %cond3A_110 = arith.constant 0 : i32
    %cond3A_111 = arith.cmpi ne, %convert_element_type3A_109, %cond3A_110 : i32
    scf.if %cond3A_111 {
      %mul3A_117 = arith.constant 3136 : i32
      %mul3A_118 = arith.muli %arg1, %mul3A_117 : i32
      %mul3A_119 = arith.constant 3136 : i32
      %mul3A_120 = arith.muli %arg1, %mul3A_119 : i32
      "tpu.region"() ({
        %run_scoped3A_121 = tpu.sem_alloc : memref<!tpu.dma_semaphore, #tpu.memory_space<semaphore_mem>>
        %dma_start3A_122 = arith.constant 0 : i32
        %dma_start3A_123 = tpu.memref_slice %arg5[%mul3A_120, %dma_start3A_122] : memref<50176x32xf32, #tpu.memory_space<hbm>> -> memref<3136x32xf32, #tpu.memory_space<hbm>>
        %dma_start3A_124 = arith.constant 0 : i32
        %dma_start3A_125 = tpu.memref_slice %arg7[%mul3A_118, %dma_start3A_124] : memref<50176x32xf32, #tpu.memory_space<vmem_shared>> -> memref<3136x32xf32, #tpu.memory_space<vmem_shared>>
        tpu.enqueue_dma source(%dma_start3A_125 : memref<3136x32xf32, #tpu.memory_space<vmem_shared>>) target(%dma_start3A_123 : memref<3136x32xf32, #tpu.memory_space<hbm>>) target_semaphore(%run_scoped3A_121 : memref<!tpu.dma_semaphore, #tpu.memory_space<semaphore_mem>>)
        %dma_wait3A_126 = arith.constant 0 : i32
        %dma_wait3A_127 = tpu.memref_slice %arg5[%mul3A_120, %dma_wait3A_126] : memref<50176x32xf32, #tpu.memory_space<hbm>> -> memref<3136x32xf32, #tpu.memory_space<hbm>>
        %dma_wait3A_128 = arith.constant 0 : i32
        %dma_wait3A_129 = tpu.memref_slice %arg7[%mul3A_118, %dma_wait3A_128] : memref<50176x32xf32, #tpu.memory_space<vmem_shared>> -> memref<3136x32xf32, #tpu.memory_space<vmem_shared>>
        tpu.wait_dma2 semaphore(%run_scoped3A_121 : memref<!tpu.dma_semaphore, #tpu.memory_space<semaphore_mem>>) src(%dma_wait3A_129 : memref<3136x32xf32, #tpu.memory_space<vmem_shared>>) dst(%dma_wait3A_127 : memref<3136x32xf32, #tpu.memory_space<hbm>>)
        tpu.yield
      }) : () -> ()
    } else {
    }
    %eq3A_112 = arith.constant 1 : i32
    %eq3A_113 = arith.cmpi eq, %arg0, %eq3A_112 : i32
    %convert_element_type3A_114 = arith.extui %eq3A_113 : i1 to i32
    %cond3A_115 = arith.constant 0 : i32
    %cond3A_116 = arith.cmpi ne, %convert_element_type3A_114, %cond3A_115 : i32
    scf.if %cond3A_116 {
      %mul3A_117 = arith.constant 3136 : i32
      %mul3A_118 = arith.muli %arg1, %mul3A_117 : i32
      %mul3A_119 = arith.constant 3136 : i32
      %mul3A_120 = arith.muli %arg1, %mul3A_119 : i32
      "tpu.region"() ({
        %run_scoped3A_121 = tpu.sem_alloc : memref<!tpu.dma_semaphore, #tpu.memory_space<semaphore_mem>>
        %dma_start3A_122 = arith.constant 0 : i32
        %dma_start3A_123 = tpu.memref_slice %arg6[%mul3A_120, %dma_start3A_122] : memref<50176x32xf32, #tpu.memory_space<hbm>> -> memref<3136x32xf32, #tpu.memory_space<hbm>>
        %dma_start3A_124 = arith.constant 0 : i32
        %dma_start3A_125 = tpu.memref_slice %arg7[%mul3A_118, %dma_start3A_124] : memref<50176x32xf32, #tpu.memory_space<vmem_shared>> -> memref<3136x32xf32, #tpu.memory_space<vmem_shared>>
        tpu.enqueue_dma source(%dma_start3A_125 : memref<3136x32xf32, #tpu.memory_space<vmem_shared>>) target(%dma_start3A_123 : memref<3136x32xf32, #tpu.memory_space<hbm>>) target_semaphore(%run_scoped3A_121 : memref<!tpu.dma_semaphore, #tpu.memory_space<semaphore_mem>>)
        %dma_wait3A_126 = arith.constant 0 : i32
        %dma_wait3A_127 = tpu.memref_slice %arg6[%mul3A_120, %dma_wait3A_126] : memref<50176x32xf32, #tpu.memory_space<hbm>> -> memref<3136x32xf32, #tpu.memory_space<hbm>>
        %dma_wait3A_128 = arith.constant 0 : i32
        %dma_wait3A_129 = tpu.memref_slice %arg7[%mul3A_118, %dma_wait3A_128] : memref<50176x32xf32, #tpu.memory_space<vmem_shared>> -> memref<3136x32xf32, #tpu.memory_space<vmem_shared>>
        tpu.wait_dma2 semaphore(%run_scoped3A_121 : memref<!tpu.dma_semaphore, #tpu.memory_space<semaphore_mem>>) src(%dma_wait3A_129 : memref<3136x32xf32, #tpu.memory_space<vmem_shared>>) dst(%dma_wait3A_127 : memref<3136x32xf32, #tpu.memory_space<hbm>>)
        tpu.yield
      }) : () -> ()
    } else {
    }
    return
  }
}

#map = affine_map<(d0, d1) -> (0, 0, 0)>
#map1 = affine_map<(d0, d1) -> (0, 0)>
module attributes {stable_mosaic.version = 14 : i64} {
  func.func @run(%arg0: i32, %arg1: i32, %arg2: memref<6272x2x128xi32, #tpu.memory_space<hbm>>, %arg3: memref<50176x32xf32, #tpu.memory_space<hbm>>, %arg4: memref<50176x32xf32, #tpu.memory_space<hbm>>, %arg5: memref<50176x32xf32, #tpu.memory_space<hbm>>, %arg6: memref<50176x32xf32, #tpu.memory_space<hbm>>, %arg7: memref<50176x32xf32, #tpu.memory_space<vmem_shared>>, %arg8: memref<4x2x2x128xi32, #tpu.memory_space<vmem>>, %arg9: memref<2x256x32xf32, #tpu.memory_space<vmem>>, %arg10: memref<!tpu.dma_semaphore, #tpu.memory_space<semaphore_mem>>, %arg11: memref<!tpu.dma_semaphore, #tpu.memory_space<semaphore_mem>>, %arg12: memref<!tpu.dma_semaphore, #tpu.memory_space<semaphore_mem>>) attributes {dimension_semantics = [#tpu.dimension_semantics<core_parallel>, #tpu.dimension_semantics<subcore_parallel>], iteration_bounds = array<i64: 2, 16>, scalar_prefetch = 0 : i64, scratch_operands = 6 : i64, tpu.core_type = #tpu.core_type<sc_vector_subcore>, window_params = [{transform_indices = #map}, {transform_indices = #map1}, {transform_indices = #map1}, {transform_indices = #map1}, {transform_indices = #map1}]} {
    %broadcast_in_dim3A = arith.constant 0.000000e+00 : f32
    %broadcast_in_dim3A_0 = vector.broadcast %broadcast_in_dim3A : f32 to vector<16xf32>
    %scan3A = arith.constant 0 : i32
    %scan3A_1 = arith.constant 0 : i32
    %scan3A_2 = arith.constant 256 : i32
    %scan3A_3 = arith.addi %scan3A_1, %scan3A_2 : i32
    %scan3A_4 = arith.constant 1 : i32
    scf.for %scan3A_117 = %scan3A_1 to %scan3A_3 step %scan3A_4  : i32 {
      %swap3A = arith.constant 0 : i32
      %swap3A_118 = arith.index_cast %swap3A : i32 to index
      %swap3A_119 = arith.index_cast %scan3A_117 : i32 to index
      %swap3A_120 = arith.constant 0 : index
      %swap3A_121 = tpu.vector_load %arg9[%swap3A_118, %swap3A_119, %swap3A_120] {strides = array<i32>} : memref<2x256x32xf32, #tpu.memory_space<vmem>>, vector<1x1x16xf32>,
      %swap3A_122 = vector.shape_cast %swap3A_121 : vector<1x1x16xf32> to vector<16xf32>
      %swap3A_123 = vector.shape_cast %broadcast_in_dim3A_0 : vector<16xf32> to vector<1x1x16xf32>
      tpu.vector_store %arg9[%swap3A_118, %swap3A_119, %swap3A_120], %swap3A_123 {strides = array<i32>} : memref<2x256x32xf32, #tpu.memory_space<vmem>>, vector<1x1x16xf32>,
      %swap3A_124 = arith.constant 0 : i32
      %swap3A_125 = arith.index_cast %swap3A_124 : i32 to index
      %swap3A_126 = arith.index_cast %scan3A_117 : i32 to index
      %swap3A_127 = arith.constant 16 : index
      %swap3A_128 = tpu.vector_load %arg9[%swap3A_125, %swap3A_126, %swap3A_127] {strides = array<i32>} : memref<2x256x32xf32, #tpu.memory_space<vmem>>, vector<1x1x16xf32>,
      %swap3A_129 = vector.shape_cast %swap3A_128 : vector<1x1x16xf32> to vector<16xf32>
      %swap3A_130 = vector.shape_cast %broadcast_in_dim3A_0 : vector<16xf32> to vector<1x1x16xf32>
      tpu.vector_store %arg9[%swap3A_125, %swap3A_126, %swap3A_127], %swap3A_130 {strides = array<i32>} : memref<2x256x32xf32, #tpu.memory_space<vmem>>, vector<1x1x16xf32>,
      %swap3A_131 = arith.constant 1 : i32
      %swap3A_132 = arith.index_cast %swap3A_131 : i32 to index
      %swap3A_133 = arith.index_cast %scan3A_117 : i32 to index
      %swap3A_134 = arith.constant 0 : index
      %swap3A_135 = tpu.vector_load %arg9[%swap3A_132, %swap3A_133, %swap3A_134] {strides = array<i32>} : memref<2x256x32xf32, #tpu.memory_space<vmem>>, vector<1x1x16xf32>,
      %swap3A_136 = vector.shape_cast %swap3A_135 : vector<1x1x16xf32> to vector<16xf32>
      %swap3A_137 = vector.shape_cast %broadcast_in_dim3A_0 : vector<16xf32> to vector<1x1x16xf32>
      tpu.vector_store %arg9[%swap3A_132, %swap3A_133, %swap3A_134], %swap3A_137 {strides = array<i32>} : memref<2x256x32xf32, #tpu.memory_space<vmem>>, vector<1x1x16xf32>,
      %swap3A_138 = arith.constant 1 : i32
      %swap3A_139 = arith.index_cast %swap3A_138 : i32 to index
      %swap3A_140 = arith.index_cast %scan3A_117 : i32 to index
      %swap3A_141 = arith.constant 16 : index
      %swap3A_142 = tpu.vector_load %arg9[%swap3A_139, %swap3A_140, %swap3A_141] {strides = array<i32>} : memref<2x256x32xf32, #tpu.memory_space<vmem>>, vector<1x1x16xf32>,
      %swap3A_143 = vector.shape_cast %swap3A_142 : vector<1x1x16xf32> to vector<16xf32>
      %swap3A_144 = vector.shape_cast %broadcast_in_dim3A_0 : vector<16xf32> to vector<1x1x16xf32>
      tpu.vector_store %arg9[%swap3A_139, %swap3A_140, %swap3A_141], %swap3A_144 {strides = array<i32>} : memref<2x256x32xf32, #tpu.memory_space<vmem>>, vector<1x1x16xf32>,
    }
    %scan3A_5 = arith.constant 256 : i32
    %scan3A_6 = arith.constant 0 : i32
    %scan3A_7 = arith.constant 0 : i32
    %scan3A_8 = arith.constant 12 : i32
    %scan3A_9 = arith.addi %scan3A_7, %scan3A_8 : i32
    %scan3A_10 = arith.constant 1 : i32
    scf.for %scan3A_117 = %scan3A_7 to %scan3A_9 step %scan3A_10  : i32 {
      %mul3A_118 = arith.constant 3136 : i32
      %mul3A_119 = arith.muli %arg1, %mul3A_118 : i32
      %mul3A_120 = arith.constant 256 : i32
      %mul3A_121 = arith.muli %scan3A_117, %mul3A_120 : i32
      %add3A_122 = arith.addi %mul3A_119, %mul3A_121 : i32
      %run_scoped3A_123 = arith.constant 0 : i32
      "tpu.region"() ({
        %run_scoped3A_124 = tpu.sem_alloc : memref<!tpu.dma_semaphore, #tpu.memory_space<semaphore_mem>>
        %dma_start3A_125 = arith.constant 0 : i32
        %dma_start3A_126 = arith.constant 0 : i32
        %dma_start3A_127 = tpu.memref_slice %arg9[%run_scoped3A_123, %dma_start3A_125, %dma_start3A_126] : memref<2x256x32xf32, #tpu.memory_space<vmem>> -> memref<1x256x32xf32, #tpu.memory_space<vmem>>
        %dma_start3A_128 = tpu.memref_squeeze %dma_start3A_127 : memref<1x256x32xf32, #tpu.memory_space<vmem>> -> memref<256x32xf32, #tpu.memory_space<vmem>>
        %dma_start3A_129 = arith.constant 0 : i32
        %dma_start3A_130 = tpu.memref_slice %arg7[%add3A_122, %dma_start3A_129] : memref<50176x32xf32, #tpu.memory_space<vmem_shared>> -> memref<256x32xf32, #tpu.memory_space<vmem_shared>>
        %dma_start3A_131 = arith.constant 0 : i32
        %dma_start3A_132 = tpu.memref_slice %arg7[%add3A_122, %dma_start3A_131] : memref<50176x32xf32, #tpu.memory_space<vmem_shared>> -> memref<256x32xf32, #tpu.memory_space<vmem_shared>>
        %dma_start3A_133 = arith.constant 0 : i32
        %dma_start3A_134 = arith.constant 0 : i32
        %dma_start3A_135 = tpu.memref_slice %arg9[%run_scoped3A_123, %dma_start3A_133, %dma_start3A_134] : memref<2x256x32xf32, #tpu.memory_space<vmem>> -> memref<1x256x32xf32, #tpu.memory_space<vmem>>
        %dma_start3A_136 = tpu.memref_squeeze %dma_start3A_135 : memref<1x256x32xf32, #tpu.memory_space<vmem>> -> memref<256x32xf32, #tpu.memory_space<vmem>>
        tpu.enqueue_dma source(%dma_start3A_136 : memref<256x32xf32, #tpu.memory_space<vmem>>) target(%dma_start3A_132 : memref<256x32xf32, #tpu.memory_space<vmem_shared>>) target_semaphore(%run_scoped3A_124 : memref<!tpu.dma_semaphore, #tpu.memory_space<semaphore_mem>>)
        %dma_wait3A_137 = arith.constant 0 : i32
        %dma_wait3A_138 = arith.constant 0 : i32
        %dma_wait3A_139 = tpu.memref_slice %arg9[%run_scoped3A_123, %dma_wait3A_137, %dma_wait3A_138] : memref<2x256x32xf32, #tpu.memory_space<vmem>> -> memref<1x256x32xf32, #tpu.memory_space<vmem>>
        %dma_wait3A_140 = tpu.memref_squeeze %dma_wait3A_139 : memref<1x256x32xf32, #tpu.memory_space<vmem>> -> memref<256x32xf32, #tpu.memory_space<vmem>>
        %dma_wait3A_141 = arith.constant 0 : i32
        %dma_wait3A_142 = tpu.memref_slice %arg7[%add3A_122, %dma_wait3A_141] : memref<50176x32xf32, #tpu.memory_space<vmem_shared>> -> memref<256x32xf32, #tpu.memory_space<vmem_shared>>
        %dma_wait3A_143 = arith.constant 0 : i32
        %dma_wait3A_144 = tpu.memref_slice %arg7[%add3A_122, %dma_wait3A_143] : memref<50176x32xf32, #tpu.memory_space<vmem_shared>> -> memref<256x32xf32, #tpu.memory_space<vmem_shared>>
        %dma_wait3A_145 = arith.constant 0 : i32
        %dma_wait3A_146 = arith.constant 0 : i32
        %dma_wait3A_147 = tpu.memref_slice %arg9[%run_scoped3A_123, %dma_wait3A_145, %dma_wait3A_146] : memref<2x256x32xf32, #tpu.memory_space<vmem>> -> memref<1x256x32xf32, #tpu.memory_space<vmem>>
        %dma_wait3A_148 = tpu.memref_squeeze %dma_wait3A_147 : memref<1x256x32xf32, #tpu.memory_space<vmem>> -> memref<256x32xf32, #tpu.memory_space<vmem>>
        tpu.wait_dma2 semaphore(%run_scoped3A_124 : memref<!tpu.dma_semaphore, #tpu.memory_space<semaphore_mem>>) src(%dma_wait3A_148 : memref<256x32xf32, #tpu.memory_space<vmem>>) dst(%dma_wait3A_144 : memref<256x32xf32, #tpu.memory_space<vmem_shared>>)
        tpu.yield
      }) : () -> ()
    }
    %scan3A_11 = arith.constant 12 : i32
    %mul3A = arith.constant 3136 : i32
    %mul3A_12 = arith.muli %arg1, %mul3A : i32
    %add3A = arith.constant 3072 : i32
    %add3A_13 = arith.addi %mul3A_12, %add3A : i32
    %run_scoped3A = arith.constant 1 : i32
    "tpu.region"() ({
      %run_scoped3A_117 = tpu.sem_alloc : memref<!tpu.dma_semaphore, #tpu.memory_space<semaphore_mem>>
      %dma_start3A_118 = arith.constant 0 : i32
      %dma_start3A_119 = arith.constant 0 : i32
      %dma_start3A_120 = tpu.memref_slice %arg9[%run_scoped3A, %dma_start3A_118, %dma_start3A_119] : memref<2x256x32xf32, #tpu.memory_space<vmem>> -> memref<1x64x32xf32, #tpu.memory_space<vmem>>
      %dma_start3A_121 = tpu.memref_squeeze %dma_start3A_120 : memref<1x64x32xf32, #tpu.memory_space<vmem>> -> memref<64x32xf32, #tpu.memory_space<vmem>>
      %dma_start3A_122 = arith.constant 0 : i32
      %dma_start3A_123 = tpu.memref_slice %arg7[%add3A_13, %dma_start3A_122] : memref<50176x32xf32, #tpu.memory_space<vmem_shared>> -> memref<64x32xf32, #tpu.memory_space<vmem_shared>>
      %dma_start3A_124 = arith.constant 0 : i32
      %dma_start3A_125 = tpu.memref_slice %arg7[%add3A_13, %dma_start3A_124] : memref<50176x32xf32, #tpu.memory_space<vmem_shared>> -> memref<64x32xf32, #tpu.memory_space<vmem_shared>>
      %dma_start3A_126 = arith.constant 0 : i32
      %dma_start3A_127 = arith.constant 0 : i32
      %dma_start3A_128 = tpu.memref_slice %arg9[%run_scoped3A, %dma_start3A_126, %dma_start3A_127] : memref<2x256x32xf32, #tpu.memory_space<vmem>> -> memref<1x64x32xf32, #tpu.memory_space<vmem>>
      %dma_start3A_129 = tpu.memref_squeeze %dma_start3A_128 : memref<1x64x32xf32, #tpu.memory_space<vmem>> -> memref<64x32xf32, #tpu.memory_space<vmem>>
      tpu.enqueue_dma source(%dma_start3A_129 : memref<64x32xf32, #tpu.memory_space<vmem>>) target(%dma_start3A_125 : memref<64x32xf32, #tpu.memory_space<vmem_shared>>) target_semaphore(%run_scoped3A_117 : memref<!tpu.dma_semaphore, #tpu.memory_space<semaphore_mem>>)
      %dma_wait3A_130 = arith.constant 0 : i32
      %dma_wait3A_131 = arith.constant 0 : i32
      %dma_wait3A_132 = tpu.memref_slice %arg9[%run_scoped3A, %dma_wait3A_130, %dma_wait3A_131] : memref<2x256x32xf32, #tpu.memory_space<vmem>> -> memref<1x64x32xf32, #tpu.memory_space<vmem>>
      %dma_wait3A_133 = tpu.memref_squeeze %dma_wait3A_132 : memref<1x64x32xf32, #tpu.memory_space<vmem>> -> memref<64x32xf32, #tpu.memory_space<vmem>>
      %dma_wait3A_134 = arith.constant 0 : i32
      %dma_wait3A_135 = tpu.memref_slice %arg7[%add3A_13, %dma_wait3A_134] : memref<50176x32xf32, #tpu.memory_space<vmem_shared>> -> memref<64x32xf32, #tpu.memory_space<vmem_shared>>
      %dma_wait3A_136 = arith.constant 0 : i32
      %dma_wait3A_137 = tpu.memref_slice %arg7[%add3A_13, %dma_wait3A_136] : memref<50176x32xf32, #tpu.memory_space<vmem_shared>> -> memref<64x32xf32, #tpu.memory_space<vmem_shared>>
      %dma_wait3A_138 = arith.constant 0 : i32
      %dma_wait3A_139 = arith.constant 0 : i32
      %dma_wait3A_140 = tpu.memref_slice %arg9[%run_scoped3A, %dma_wait3A_138, %dma_wait3A_139] : memref<2x256x32xf32, #tpu.memory_space<vmem>> -> memref<1x64x32xf32, #tpu.memory_space<vmem>>
      %dma_wait3A_141 = tpu.memref_squeeze %dma_wait3A_140 : memref<1x64x32xf32, #tpu.memory_space<vmem>> -> memref<64x32xf32, #tpu.memory_space<vmem>>
      tpu.wait_dma2 semaphore(%run_scoped3A_117 : memref<!tpu.dma_semaphore, #tpu.memory_space<semaphore_mem>>) src(%dma_wait3A_141 : memref<64x32xf32, #tpu.memory_space<vmem>>) dst(%dma_wait3A_137 : memref<64x32xf32, #tpu.memory_space<vmem_shared>>)
      tpu.yield
    }) : () -> ()
    %barrier3A = arith.constant 0 : index
    tpu.barrier barrier_id(%barrier3A)
    %mul3A_14 = arith.constant 392 : i32
    %mul3A_15 = arith.muli %arg1, %mul3A_14 : i32
    %add3A_16 = arith.constant 0 : i32
    %add3A_17 = arith.addi %mul3A_15, %add3A_16 : i32
    %rem3A = arith.constant 0 : i32
    %rem3A_18 = arith.constant 4 : i32
    %rem3A_19 = arith.remsi %rem3A, %rem3A_18 : i32
    %dma_start3A = arith.constant 0 : i32
    %dma_start3A_20 = arith.constant 0 : i32
    %dma_start3A_21 = arith.constant 0 : i32
    %dma_start3A_22 = tpu.memref_slice %arg8[%rem3A_19, %dma_start3A, %dma_start3A_20, %dma_start3A_21] : memref<4x2x2x128xi32, #tpu.memory_space<vmem>> -> memref<1x2x2x128xi32, #tpu.memory_space<vmem>>
    %dma_start3A_23 = tpu.memref_squeeze %dma_start3A_22 : memref<1x2x2x128xi32, #tpu.memory_space<vmem>> -> memref<2x2x128xi32, #tpu.memory_space<vmem>>
    %dma_start3A_24 = arith.constant 0 : i32
    %dma_start3A_25 = arith.constant 0 : i32
    %dma_start3A_26 = tpu.memref_slice %arg2[%add3A_17, %dma_start3A_24, %dma_start3A_25] : memref<6272x2x128xi32, #tpu.memory_space<hbm>> -> memref<2x2x128xi32, #tpu.memory_space<hbm>>
    %dma_start3A_27 = arith.constant 0 : i32
    %dma_start3A_28 = arith.constant 0 : i32
    %dma_start3A_29 = arith.constant 0 : i32
    %dma_start3A_30 = tpu.memref_slice %arg8[%rem3A_19, %dma_start3A_27, %dma_start3A_28, %dma_start3A_29] : memref<4x2x2x128xi32, #tpu.memory_space<vmem>> -> memref<1x2x2x128xi32, #tpu.memory_space<vmem>>
    %dma_start3A_31 = tpu.memref_squeeze %dma_start3A_30 : memref<1x2x2x128xi32, #tpu.memory_space<vmem>> -> memref<2x2x128xi32, #tpu.memory_space<vmem>>
    %dma_start3A_32 = arith.constant 0 : i32
    %dma_start3A_33 = arith.constant 0 : i32
    %dma_start3A_34 = tpu.memref_slice %arg2[%add3A_17, %dma_start3A_32, %dma_start3A_33] : memref<6272x2x128xi32, #tpu.memory_space<hbm>> -> memref<2x2x128xi32, #tpu.memory_space<hbm>>
    tpu.enqueue_dma source(%dma_start3A_34 : memref<2x2x128xi32, #tpu.memory_space<hbm>>) target(%dma_start3A_31 : memref<2x2x128xi32, #tpu.memory_space<vmem>>) target_semaphore(%arg10 : memref<!tpu.dma_semaphore, #tpu.memory_space<semaphore_mem>>)
    %add3A_35 = arith.constant 2 : i32
    %add3A_36 = arith.addi %mul3A_15, %add3A_35 : i32
    %rem3A_37 = arith.constant 1 : i32
    %rem3A_38 = arith.constant 4 : i32
    %rem3A_39 = arith.remsi %rem3A_37, %rem3A_38 : i32
    %dma_start3A_40 = arith.constant 0 : i32
    %dma_start3A_41 = arith.constant 0 : i32
    %dma_start3A_42 = arith.constant 0 : i32
    %dma_start3A_43 = tpu.memref_slice %arg8[%rem3A_39, %dma_start3A_40, %dma_start3A_41, %dma_start3A_42] : memref<4x2x2x128xi32, #tpu.memory_space<vmem>> -> memref<1x2x2x128xi32, #tpu.memory_space<vmem>>
    %dma_start3A_44 = tpu.memref_squeeze %dma_start3A_43 : memref<1x2x2x128xi32, #tpu.memory_space<vmem>> -> memref<2x2x128xi32, #tpu.memory_space<vmem>>
    %dma_start3A_45 = arith.constant 0 : i32
    %dma_start3A_46 = arith.constant 0 : i32
    %dma_start3A_47 = tpu.memref_slice %arg2[%add3A_36, %dma_start3A_45, %dma_start3A_46] : memref<6272x2x128xi32, #tpu.memory_space<hbm>> -> memref<2x2x128xi32, #tpu.memory_space<hbm>>
    %dma_start3A_48 = arith.constant 0 : i32
    %dma_start3A_49 = arith.constant 0 : i32
    %dma_start3A_50 = arith.constant 0 : i32
    %dma_start3A_51 = tpu.memref_slice %arg8[%rem3A_39, %dma_start3A_48, %dma_start3A_49, %dma_start3A_50] : memref<4x2x2x128xi32, #tpu.memory_space<vmem>> -> memref<1x2x2x128xi32, #tpu.memory_space<vmem>>
    %dma_start3A_52 = tpu.memref_squeeze %dma_start3A_51 : memref<1x2x2x128xi32, #tpu.memory_space<vmem>> -> memref<2x2x128xi32, #tpu.memory_space<vmem>>
    %dma_start3A_53 = arith.constant 0 : i32
    %dma_start3A_54 = arith.constant 0 : i32
    %dma_start3A_55 = tpu.memref_slice %arg2[%add3A_36, %dma_start3A_53, %dma_start3A_54] : memref<6272x2x128xi32, #tpu.memory_space<hbm>> -> memref<2x2x128xi32, #tpu.memory_space<hbm>>
    tpu.enqueue_dma source(%dma_start3A_55 : memref<2x2x128xi32, #tpu.memory_space<hbm>>) target(%dma_start3A_52 : memref<2x2x128xi32, #tpu.memory_space<vmem>>) target_semaphore(%arg10 : memref<!tpu.dma_semaphore, #tpu.memory_space<semaphore_mem>>)
    %rem3A_56 = arith.constant 0 : i32
    %rem3A_57 = arith.constant 4 : i32
    %rem3A_58 = arith.remsi %rem3A_56, %rem3A_57 : i32
    %dma_wait3A = arith.constant 0 : i32
    %dma_wait3A_59 = arith.constant 0 : i32
    %dma_wait3A_60 = arith.constant 0 : i32
    %dma_wait3A_61 = tpu.memref_slice %arg8[%rem3A_58, %dma_wait3A, %dma_wait3A_59, %dma_wait3A_60] : memref<4x2x2x128xi32, #tpu.memory_space<vmem>> -> memref<1x2x2x128xi32, #tpu.memory_space<vmem>>
    %dma_wait3A_62 = tpu.memref_squeeze %dma_wait3A_61 : memref<1x2x2x128xi32, #tpu.memory_space<vmem>> -> memref<2x2x128xi32, #tpu.memory_space<vmem>>
    %dma_wait3A_63 = arith.constant 0 : i32
    %dma_wait3A_64 = arith.constant 0 : i32
    %dma_wait3A_65 = arith.constant 0 : i32
    %dma_wait3A_66 = tpu.memref_slice %arg2[%dma_wait3A_63, %dma_wait3A_64, %dma_wait3A_65] : memref<6272x2x128xi32, #tpu.memory_space<hbm>> -> memref<2x2x128xi32, #tpu.memory_space<hbm>>
    %dma_wait3A_67 = arith.constant 0 : i32
    %dma_wait3A_68 = arith.constant 0 : i32
    %dma_wait3A_69 = arith.constant 0 : i32
    %dma_wait3A_70 = tpu.memref_slice %arg8[%rem3A_58, %dma_wait3A_67, %dma_wait3A_68, %dma_wait3A_69] : memref<4x2x2x128xi32, #tpu.memory_space<vmem>> -> memref<1x2x2x128xi32, #tpu.memory_space<vmem>>
    %dma_wait3A_71 = tpu.memref_squeeze %dma_wait3A_70 : memref<1x2x2x128xi32, #tpu.memory_space<vmem>> -> memref<2x2x128xi32, #tpu.memory_space<vmem>>
    %dma_wait3A_72 = arith.constant 0 : i32
    %dma_wait3A_73 = arith.constant 0 : i32
    %dma_wait3A_74 = arith.constant 0 : i32
    %dma_wait3A_75 = tpu.memref_slice %arg2[%dma_wait3A_72, %dma_wait3A_73, %dma_wait3A_74] : memref<6272x2x128xi32, #tpu.memory_space<hbm>> -> memref<2x2x128xi32, #tpu.memory_space<hbm>>
    tpu.wait_dma2 semaphore(%arg10 : memref<!tpu.dma_semaphore, #tpu.memory_space<semaphore_mem>>) src(%dma_wait3A_75 : memref<2x2x128xi32, #tpu.memory_space<hbm>>) dst(%dma_wait3A_71 : memref<2x2x128xi32, #tpu.memory_space<vmem>>)
    %eq3A = arith.constant 0 : i32
    %eq3A_76 = arith.cmpi eq, %arg0, %eq3A : i32
    %convert_element_type3A = arith.extui %eq3A_76 : i1 to i32
    %cond3A = arith.constant 0 : i32
    %cond3A_77 = arith.cmpi ne, %convert_element_type3A, %cond3A : i32
    scf.if %cond3A_77 {
      %rem3A_117 = arith.constant 0 : i32
      %rem3A_118 = arith.constant 4 : i32
      %rem3A_119 = arith.remsi %rem3A_117, %rem3A_118 : i32
      %rem3A_120 = arith.constant 0 : i32
      %rem3A_121 = arith.constant 2 : i32
      %rem3A_122 = arith.remsi %rem3A_120, %rem3A_121 : i32
      %dma_start3A_123 = arith.constant 0 : i32
      %dma_start3A_124 = arith.constant 0 : i32
      %dma_start3A_125 = arith.constant 0 : i32
      %dma_start3A_126 = arith.constant 0 : i32
      %dma_start3A_127 = tpu.memref_slice %arg9[%rem3A_122, %dma_start3A_125, %dma_start3A_126] : memref<2x256x32xf32, #tpu.memory_space<vmem>> -> memref<1x128x32xf32, #tpu.memory_space<vmem>>
      %dma_start3A_128 = tpu.memref_squeeze %dma_start3A_127 : memref<1x128x32xf32, #tpu.memory_space<vmem>> -> memref<128x32xf32, #tpu.memory_space<vmem>>
      %dma_start3A_129 = arith.constant 0 : i32
      %dma_start3A_130 = tpu.memref_slice %arg8[%rem3A_119, %dma_start3A_123, %dma_start3A_124, %dma_start3A_129] : memref<4x2x2x128xi32, #tpu.memory_space<vmem>> -> memref<1x1x1x128xi32, #tpu.memory_space<vmem>>
      %dma_start3A_131 = tpu.memref_squeeze %dma_start3A_130 : memref<1x1x1x128xi32, #tpu.memory_space<vmem>> -> memref<128xi32, #tpu.memory_space<vmem>>
      %dma_start3A_132 = arith.constant 0 : i32
      %dma_start3A_133 = arith.constant 0 : i32
      %dma_start3A_134 = tpu.memref_slice %arg3[%dma_start3A_132, %dma_start3A_133] : memref<50176x32xf32, #tpu.memory_space<hbm>> -> memref<50176x32xf32, #tpu.memory_space<hbm>>
      tpu.enqueue_indirect_dma source(%dma_start3A_134 : memref<50176x32xf32, #tpu.memory_space<hbm>>) target(%dma_start3A_128 : memref<128x32xf32, #tpu.memory_space<vmem>>) offsets(%dma_start3A_131 : memref<128xi32, #tpu.memory_space<vmem>>) semaphore(%arg11 : memref<!tpu.dma_semaphore, #tpu.memory_space<semaphore_mem>>)
      %dma_start3A_135 = arith.constant 1 : i32
      %dma_start3A_136 = arith.constant 0 : i32
      %dma_start3A_137 = arith.constant 128 : i32
      %dma_start3A_138 = arith.constant 0 : i32
      %dma_start3A_139 = tpu.memref_slice %arg9[%rem3A_122, %dma_start3A_137, %dma_start3A_138] : memref<2x256x32xf32, #tpu.memory_space<vmem>> -> memref<1x128x32xf32, #tpu.memory_space<vmem>>
      %dma_start3A_140 = tpu.memref_squeeze %dma_start3A_139 : memref<1x128x32xf32, #tpu.memory_space<vmem>> -> memref<128x32xf32, #tpu.memory_space<vmem>>
      %dma_start3A_141 = arith.constant 0 : i32
      %dma_start3A_142 = tpu.memref_slice %arg8[%rem3A_119, %dma_start3A_135, %dma_start3A_136, %dma_start3A_141] : memref<4x2x2x128xi32, #tpu.memory_space<vmem>> -> memref<1x1x1x128xi32, #tpu.memory_space<vmem>>
      %dma_start3A_143 = tpu.memref_squeeze %dma_start3A_142 : memref<1x1x1x128xi32, #tpu.memory_space<vmem>> -> memref<128xi32, #tpu.memory_space<vmem>>
      %dma_start3A_144 = arith.constant 0 : i32
      %dma_start3A_145 = arith.constant 0 : i32
      %dma_start3A_146 = tpu.memref_slice %arg3[%dma_start3A_144, %dma_start3A_145] : memref<50176x32xf32, #tpu.memory_space<hbm>> -> memref<50176x32xf32, #tpu.memory_space<hbm>>
      tpu.enqueue_indirect_dma source(%dma_start3A_146 : memref<50176x32xf32, #tpu.memory_space<hbm>>) target(%dma_start3A_140 : memref<128x32xf32, #tpu.memory_space<vmem>>) offsets(%dma_start3A_143 : memref<128xi32, #tpu.memory_space<vmem>>) semaphore(%arg11 : memref<!tpu.dma_semaphore, #tpu.memory_space<semaphore_mem>>)
    } else {
    }
    %eq3A_78 = arith.constant 1 : i32
    %eq3A_79 = arith.cmpi eq, %arg0, %eq3A_78 : i32
    %convert_element_type3A_80 = arith.extui %eq3A_79 : i1 to i32
    %cond3A_81 = arith.constant 0 : i32
    %cond3A_82 = arith.cmpi ne, %convert_element_type3A_80, %cond3A_81 : i32
    scf.if %cond3A_82 {
      %rem3A_117 = arith.constant 0 : i32
      %rem3A_118 = arith.constant 4 : i32
      %rem3A_119 = arith.remsi %rem3A_117, %rem3A_118 : i32
      %rem3A_120 = arith.constant 0 : i32
      %rem3A_121 = arith.constant 2 : i32
      %rem3A_122 = arith.remsi %rem3A_120, %rem3A_121 : i32
      %dma_start3A_123 = arith.constant 0 : i32
      %dma_start3A_124 = arith.constant 0 : i32
      %dma_start3A_125 = arith.constant 0 : i32
      %dma_start3A_126 = arith.constant 0 : i32
      %dma_start3A_127 = tpu.memref_slice %arg9[%rem3A_122, %dma_start3A_125, %dma_start3A_126] : memref<2x256x32xf32, #tpu.memory_space<vmem>> -> memref<1x128x32xf32, #tpu.memory_space<vmem>>
      %dma_start3A_128 = tpu.memref_squeeze %dma_start3A_127 : memref<1x128x32xf32, #tpu.memory_space<vmem>> -> memref<128x32xf32, #tpu.memory_space<vmem>>
      %dma_start3A_129 = arith.constant 0 : i32
      %dma_start3A_130 = tpu.memref_slice %arg8[%rem3A_119, %dma_start3A_123, %dma_start3A_124, %dma_start3A_129] : memref<4x2x2x128xi32, #tpu.memory_space<vmem>> -> memref<1x1x1x128xi32, #tpu.memory_space<vmem>>
      %dma_start3A_131 = tpu.memref_squeeze %dma_start3A_130 : memref<1x1x1x128xi32, #tpu.memory_space<vmem>> -> memref<128xi32, #tpu.memory_space<vmem>>
      %dma_start3A_132 = arith.constant 0 : i32
      %dma_start3A_133 = arith.constant 0 : i32
      %dma_start3A_134 = tpu.memref_slice %arg4[%dma_start3A_132, %dma_start3A_133] : memref<50176x32xf32, #tpu.memory_space<hbm>> -> memref<50176x32xf32, #tpu.memory_space<hbm>>
      tpu.enqueue_indirect_dma source(%dma_start3A_134 : memref<50176x32xf32, #tpu.memory_space<hbm>>) target(%dma_start3A_128 : memref<128x32xf32, #tpu.memory_space<vmem>>) offsets(%dma_start3A_131 : memref<128xi32, #tpu.memory_space<vmem>>) semaphore(%arg11 : memref<!tpu.dma_semaphore, #tpu.memory_space<semaphore_mem>>)
      %dma_start3A_135 = arith.constant 1 : i32
      %dma_start3A_136 = arith.constant 0 : i32
      %dma_start3A_137 = arith.constant 128 : i32
      %dma_start3A_138 = arith.constant 0 : i32
      %dma_start3A_139 = tpu.memref_slice %arg9[%rem3A_122, %dma_start3A_137, %dma_start3A_138] : memref<2x256x32xf32, #tpu.memory_space<vmem>> -> memref<1x128x32xf32, #tpu.memory_space<vmem>>
      %dma_start3A_140 = tpu.memref_squeeze %dma_start3A_139 : memref<1x128x32xf32, #tpu.memory_space<vmem>> -> memref<128x32xf32, #tpu.memory_space<vmem>>
      %dma_start3A_141 = arith.constant 0 : i32
      %dma_start3A_142 = tpu.memref_slice %arg8[%rem3A_119, %dma_start3A_135, %dma_start3A_136, %dma_start3A_141] : memref<4x2x2x128xi32, #tpu.memory_space<vmem>> -> memref<1x1x1x128xi32, #tpu.memory_space<vmem>>
      %dma_start3A_143 = tpu.memref_squeeze %dma_start3A_142 : memref<1x1x1x128xi32, #tpu.memory_space<vmem>> -> memref<128xi32, #tpu.memory_space<vmem>>
      %dma_start3A_144 = arith.constant 0 : i32
      %dma_start3A_145 = arith.constant 0 : i32
      %dma_start3A_146 = tpu.memref_slice %arg4[%dma_start3A_144, %dma_start3A_145] : memref<50176x32xf32, #tpu.memory_space<hbm>> -> memref<50176x32xf32, #tpu.memory_space<hbm>>
      tpu.enqueue_indirect_dma source(%dma_start3A_146 : memref<50176x32xf32, #tpu.memory_space<hbm>>) target(%dma_start3A_140 : memref<128x32xf32, #tpu.memory_space<vmem>>) offsets(%dma_start3A_143 : memref<128xi32, #tpu.memory_space<vmem>>) semaphore(%arg11 : memref<!tpu.dma_semaphore, #tpu.memory_space<semaphore_mem>>)
    } else {
    }
    %scan3A_83 = arith.constant 0 : i32
    %scan3A_84 = arith.constant 0 : i32
    %scan3A_85 = arith.constant 196 : i32
    %scan3A_86 = arith.addi %scan3A_84, %scan3A_85 : i32
    %scan3A_87 = arith.constant 1 : i32
    scf.for %scan3A_117 = %scan3A_84 to %scan3A_86 step %scan3A_87  : i32 {
      %rem3A_118 = arith.constant 2 : i32
      %rem3A_119 = arith.remsi %scan3A_117, %rem3A_118 : i32
      %dma_wait3A_120 = arith.constant 0 : i32
      %dma_wait3A_121 = arith.constant 0 : i32
      %dma_wait3A_122 = tpu.memref_slice %arg9[%rem3A_119, %dma_wait3A_120, %dma_wait3A_121] : memref<2x256x32xf32, #tpu.memory_space<vmem>> -> memref<1x256x32xf32, #tpu.memory_space<vmem>>
      %dma_wait3A_123 = tpu.memref_squeeze %dma_wait3A_122 : memref<1x256x32xf32, #tpu.memory_space<vmem>> -> memref<256x32xf32, #tpu.memory_space<vmem>>
      %dma_wait3A_124 = arith.constant 0 : i32
      %dma_wait3A_125 = arith.constant 0 : i32
      %dma_wait3A_126 = tpu.memref_slice %arg3[%dma_wait3A_124, %dma_wait3A_125] : memref<50176x32xf32, #tpu.memory_space<hbm>> -> memref<256x32xf32, #tpu.memory_space<hbm>>
      %dma_wait3A_127 = arith.constant 0 : i32
      %dma_wait3A_128 = arith.constant 0 : i32
      %dma_wait3A_129 = tpu.memref_slice %arg9[%rem3A_119, %dma_wait3A_127, %dma_wait3A_128] : memref<2x256x32xf32, #tpu.memory_space<vmem>> -> memref<1x256x32xf32, #tpu.memory_space<vmem>>
      %dma_wait3A_130 = tpu.memref_squeeze %dma_wait3A_129 : memref<1x256x32xf32, #tpu.memory_space<vmem>> -> memref<256x32xf32, #tpu.memory_space<vmem>>
      %dma_wait3A_131 = arith.constant 0 : i32
      %dma_wait3A_132 = arith.constant 0 : i32
      %dma_wait3A_133 = tpu.memref_slice %arg3[%dma_wait3A_131, %dma_wait3A_132] : memref<50176x32xf32, #tpu.memory_space<hbm>> -> memref<256x32xf32, #tpu.memory_space<hbm>>
      tpu.wait_dma2 semaphore(%arg11 : memref<!tpu.dma_semaphore, #tpu.memory_space<semaphore_mem>>) src(%dma_wait3A_133 : memref<256x32xf32, #tpu.memory_space<hbm>>) dst(%dma_wait3A_130 : memref<256x32xf32, #tpu.memory_space<vmem>>)
      %ge3A = arith.constant 1 : i32
      %ge3A_134 = arith.cmpi sge, %scan3A_117, %ge3A : i32
      %convert_element_type3A_135 = arith.extui %ge3A_134 : i1 to i32
      %cond3A_136 = arith.constant 0 : i32
      %cond3A_137 = arith.cmpi ne, %convert_element_type3A_135, %cond3A_136 : i32
      scf.if %cond3A_137 {
        %sub3A = arith.constant 1 : i32
        %sub3A_179 = arith.subi %scan3A_117, %sub3A : i32
        %rem3A_180 = arith.constant 2 : i32
        %rem3A_181 = arith.remsi %sub3A_179, %rem3A_180 : i32
        %dma_wait3A_182 = arith.constant 0 : i32
        %dma_wait3A_183 = arith.constant 0 : i32
        %dma_wait3A_184 = tpu.memref_slice %arg9[%rem3A_181, %dma_wait3A_182, %dma_wait3A_183] : memref<2x256x32xf32, #tpu.memory_space<vmem>> -> memref<1x256x32xf32, #tpu.memory_space<vmem>>
        %dma_wait3A_185 = tpu.memref_squeeze %dma_wait3A_184 : memref<1x256x32xf32, #tpu.memory_space<vmem>> -> memref<256x32xf32, #tpu.memory_space<vmem>>
        %dma_wait3A_186 = arith.constant 0 : i32
        %dma_wait3A_187 = arith.constant 0 : i32
        %dma_wait3A_188 = tpu.memref_slice %arg3[%dma_wait3A_186, %dma_wait3A_187] : memref<50176x32xf32, #tpu.memory_space<hbm>> -> memref<256x32xf32, #tpu.memory_space<hbm>>
        %dma_wait3A_189 = arith.constant 0 : i32
        %dma_wait3A_190 = arith.constant 0 : i32
        %dma_wait3A_191 = tpu.memref_slice %arg9[%rem3A_181, %dma_wait3A_189, %dma_wait3A_190] : memref<2x256x32xf32, #tpu.memory_space<vmem>> -> memref<1x256x32xf32, #tpu.memory_space<vmem>>
        %dma_wait3A_192 = tpu.memref_squeeze %dma_wait3A_191 : memref<1x256x32xf32, #tpu.memory_space<vmem>> -> memref<256x32xf32, #tpu.memory_space<vmem>>
        %dma_wait3A_193 = arith.constant 0 : i32
        %dma_wait3A_194 = arith.constant 0 : i32
        %dma_wait3A_195 = tpu.memref_slice %arg3[%dma_wait3A_193, %dma_wait3A_194] : memref<50176x32xf32, #tpu.memory_space<hbm>> -> memref<256x32xf32, #tpu.memory_space<hbm>>
        tpu.wait_dma2 semaphore(%arg12 : memref<!tpu.dma_semaphore, #tpu.memory_space<semaphore_mem>>) src(%dma_wait3A_195 : memref<256x32xf32, #tpu.memory_space<hbm>>) dst(%dma_wait3A_192 : memref<256x32xf32, #tpu.memory_space<vmem>>)
      } else {
      }
      %add3A_138 = arith.constant 2 : i32
      %add3A_139 = arith.addi %scan3A_117, %add3A_138 : i32
      %lt3A = arith.constant 196 : i32
      %lt3A_140 = arith.cmpi slt, %add3A_139, %lt3A : i32
      %convert_element_type3A_141 = arith.extui %lt3A_140 : i1 to i32
      %cond3A_142 = arith.constant 0 : i32
      %cond3A_143 = arith.cmpi ne, %convert_element_type3A_141, %cond3A_142 : i32
      scf.if %cond3A_143 {
        %add3A_179 = arith.constant 2 : i32
        %add3A_180 = arith.addi %scan3A_117, %add3A_179 : i32
        %mul3A_181 = arith.constant 2 : i32
        %mul3A_182 = arith.muli %add3A_180, %mul3A_181 : i32
        %add3A_183 = arith.addi %mul3A_15, %mul3A_182 : i32
        %rem3A_184 = arith.constant 4 : i32
        %rem3A_185 = arith.remsi %add3A_180, %rem3A_184 : i32
        %dma_start3A_186 = arith.constant 0 : i32
        %dma_start3A_187 = arith.constant 0 : i32
        %dma_start3A_188 = arith.constant 0 : i32
        %dma_start3A_189 = tpu.memref_slice %arg8[%rem3A_185, %dma_start3A_186, %dma_start3A_187, %dma_start3A_188] : memref<4x2x2x128xi32, #tpu.memory_space<vmem>> -> memref<1x2x2x128xi32, #tpu.memory_space<vmem>>
        %dma_start3A_190 = tpu.memref_squeeze %dma_start3A_189 : memref<1x2x2x128xi32, #tpu.memory_space<vmem>> -> memref<2x2x128xi32, #tpu.memory_space<vmem>>
        %dma_start3A_191 = arith.constant 0 : i32
        %dma_start3A_192 = arith.constant 0 : i32
        %dma_start3A_193 = tpu.memref_slice %arg2[%add3A_183, %dma_start3A_191, %dma_start3A_192] : memref<6272x2x128xi32, #tpu.memory_space<hbm>> -> memref<2x2x128xi32, #tpu.memory_space<hbm>>
        %dma_start3A_194 = arith.constant 0 : i32
        %dma_start3A_195 = arith.constant 0 : i32
        %dma_start3A_196 = arith.constant 0 : i32
        %dma_start3A_197 = tpu.memref_slice %arg8[%rem3A_185, %dma_start3A_194, %dma_start3A_195, %dma_start3A_196] : memref<4x2x2x128xi32, #tpu.memory_space<vmem>> -> memref<1x2x2x128xi32, #tpu.memory_space<vmem>>
        %dma_start3A_198 = tpu.memref_squeeze %dma_start3A_197 : memref<1x2x2x128xi32, #tpu.memory_space<vmem>> -> memref<2x2x128xi32, #tpu.memory_space<vmem>>
        %dma_start3A_199 = arith.constant 0 : i32
        %dma_start3A_200 = arith.constant 0 : i32
        %dma_start3A_201 = tpu.memref_slice %arg2[%add3A_183, %dma_start3A_199, %dma_start3A_200] : memref<6272x2x128xi32, #tpu.memory_space<hbm>> -> memref<2x2x128xi32, #tpu.memory_space<hbm>>
        tpu.enqueue_dma source(%dma_start3A_201 : memref<2x2x128xi32, #tpu.memory_space<hbm>>) target(%dma_start3A_198 : memref<2x2x128xi32, #tpu.memory_space<vmem>>) target_semaphore(%arg10 : memref<!tpu.dma_semaphore, #tpu.memory_space<semaphore_mem>>)
      } else {
      }
      %add3A_144 = arith.constant 1 : i32
      %add3A_145 = arith.addi %scan3A_117, %add3A_144 : i32
      %lt3A_146 = arith.constant 196 : i32
      %lt3A_147 = arith.cmpi slt, %add3A_145, %lt3A_146 : i32
      %convert_element_type3A_148 = arith.extui %lt3A_147 : i1 to i32
      %cond3A_149 = arith.constant 0 : i32
      %cond3A_150 = arith.cmpi ne, %convert_element_type3A_148, %cond3A_149 : i32
      scf.if %cond3A_150 {
        %add3A_179 = arith.constant 1 : i32
        %add3A_180 = arith.addi %scan3A_117, %add3A_179 : i32
        %rem3A_181 = arith.constant 4 : i32
        %rem3A_182 = arith.remsi %add3A_180, %rem3A_181 : i32
        %dma_wait3A_183 = arith.constant 0 : i32
        %dma_wait3A_184 = arith.constant 0 : i32
        %dma_wait3A_185 = arith.constant 0 : i32
        %dma_wait3A_186 = tpu.memref_slice %arg8[%rem3A_182, %dma_wait3A_183, %dma_wait3A_184, %dma_wait3A_185] : memref<4x2x2x128xi32, #tpu.memory_space<vmem>> -> memref<1x2x2x128xi32, #tpu.memory_space<vmem>>
        %dma_wait3A_187 = tpu.memref_squeeze %dma_wait3A_186 : memref<1x2x2x128xi32, #tpu.memory_space<vmem>> -> memref<2x2x128xi32, #tpu.memory_space<vmem>>
        %dma_wait3A_188 = arith.constant 0 : i32
        %dma_wait3A_189 = arith.constant 0 : i32
        %dma_wait3A_190 = arith.constant 0 : i32
        %dma_wait3A_191 = tpu.memref_slice %arg2[%dma_wait3A_188, %dma_wait3A_189, %dma_wait3A_190] : memref<6272x2x128xi32, #tpu.memory_space<hbm>> -> memref<2x2x128xi32, #tpu.memory_space<hbm>>
        %dma_wait3A_192 = arith.constant 0 : i32
        %dma_wait3A_193 = arith.constant 0 : i32
        %dma_wait3A_194 = arith.constant 0 : i32
        %dma_wait3A_195 = tpu.memref_slice %arg8[%rem3A_182, %dma_wait3A_192, %dma_wait3A_193, %dma_wait3A_194] : memref<4x2x2x128xi32, #tpu.memory_space<vmem>> -> memref<1x2x2x128xi32, #tpu.memory_space<vmem>>
        %dma_wait3A_196 = tpu.memref_squeeze %dma_wait3A_195 : memref<1x2x2x128xi32, #tpu.memory_space<vmem>> -> memref<2x2x128xi32, #tpu.memory_space<vmem>>
        %dma_wait3A_197 = arith.constant 0 : i32
        %dma_wait3A_198 = arith.constant 0 : i32
        %dma_wait3A_199 = arith.constant 0 : i32
        %dma_wait3A_200 = tpu.memref_slice %arg2[%dma_wait3A_197, %dma_wait3A_198, %dma_wait3A_199] : memref<6272x2x128xi32, #tpu.memory_space<hbm>> -> memref<2x2x128xi32, #tpu.memory_space<hbm>>
        tpu.wait_dma2 semaphore(%arg10 : memref<!tpu.dma_semaphore, #tpu.memory_space<semaphore_mem>>) src(%dma_wait3A_200 : memref<2x2x128xi32, #tpu.memory_space<hbm>>) dst(%dma_wait3A_196 : memref<2x2x128xi32, #tpu.memory_space<vmem>>)
        %add3A_201 = arith.constant 1 : i32
        %add3A_202 = arith.addi %scan3A_117, %add3A_201 : i32
        %eq3A_203 = arith.constant 0 : i32
        %eq3A_204 = arith.cmpi eq, %arg0, %eq3A_203 : i32
        %convert_element_type3A_205 = arith.extui %eq3A_204 : i1 to i32
        %cond3A_206 = arith.constant 0 : i32
        %cond3A_207 = arith.cmpi ne, %convert_element_type3A_205, %cond3A_206 : i32
        scf.if %cond3A_207 {
          %rem3A_213 = arith.constant 4 : i32
          %rem3A_214 = arith.remsi %add3A_202, %rem3A_213 : i32
          %rem3A_215 = arith.constant 2 : i32
          %rem3A_216 = arith.remsi %add3A_202, %rem3A_215 : i32
          %dma_start3A_217 = arith.constant 0 : i32
          %dma_start3A_218 = arith.constant 0 : i32
          %dma_start3A_219 = arith.constant 0 : i32
          %dma_start3A_220 = arith.constant 0 : i32
          %dma_start3A_221 = tpu.memref_slice %arg9[%rem3A_216, %dma_start3A_219, %dma_start3A_220] : memref<2x256x32xf32, #tpu.memory_space<vmem>> -> memref<1x128x32xf32, #tpu.memory_space<vmem>>
          %dma_start3A_222 = tpu.memref_squeeze %dma_start3A_221 : memref<1x128x32xf32, #tpu.memory_space<vmem>> -> memref<128x32xf32, #tpu.memory_space<vmem>>
          %dma_start3A_223 = arith.constant 0 : i32
          %dma_start3A_224 = tpu.memref_slice %arg8[%rem3A_214, %dma_start3A_217, %dma_start3A_218, %dma_start3A_223] : memref<4x2x2x128xi32, #tpu.memory_space<vmem>> -> memref<1x1x1x128xi32, #tpu.memory_space<vmem>>
          %dma_start3A_225 = tpu.memref_squeeze %dma_start3A_224 : memref<1x1x1x128xi32, #tpu.memory_space<vmem>> -> memref<128xi32, #tpu.memory_space<vmem>>
          %dma_start3A_226 = arith.constant 0 : i32
          %dma_start3A_227 = arith.constant 0 : i32
          %dma_start3A_228 = tpu.memref_slice %arg3[%dma_start3A_226, %dma_start3A_227] : memref<50176x32xf32, #tpu.memory_space<hbm>> -> memref<50176x32xf32, #tpu.memory_space<hbm>>
          tpu.enqueue_indirect_dma source(%dma_start3A_228 : memref<50176x32xf32, #tpu.memory_space<hbm>>) target(%dma_start3A_222 : memref<128x32xf32, #tpu.memory_space<vmem>>) offsets(%dma_start3A_225 : memref<128xi32, #tpu.memory_space<vmem>>) semaphore(%arg11 : memref<!tpu.dma_semaphore, #tpu.memory_space<semaphore_mem>>)
          %dma_start3A_229 = arith.constant 1 : i32
          %dma_start3A_230 = arith.constant 0 : i32
          %dma_start3A_231 = arith.constant 128 : i32
          %dma_start3A_232 = arith.constant 0 : i32
          %dma_start3A_233 = tpu.memref_slice %arg9[%rem3A_216, %dma_start3A_231, %dma_start3A_232] : memref<2x256x32xf32, #tpu.memory_space<vmem>> -> memref<1x128x32xf32, #tpu.memory_space<vmem>>
          %dma_start3A_234 = tpu.memref_squeeze %dma_start3A_233 : memref<1x128x32xf32, #tpu.memory_space<vmem>> -> memref<128x32xf32, #tpu.memory_space<vmem>>
          %dma_start3A_235 = arith.constant 0 : i32
          %dma_start3A_236 = tpu.memref_slice %arg8[%rem3A_214, %dma_start3A_229, %dma_start3A_230, %dma_start3A_235] : memref<4x2x2x128xi32, #tpu.memory_space<vmem>> -> memref<1x1x1x128xi32, #tpu.memory_space<vmem>>
          %dma_start3A_237 = tpu.memref_squeeze %dma_start3A_236 : memref<1x1x1x128xi32, #tpu.memory_space<vmem>> -> memref<128xi32, #tpu.memory_space<vmem>>
          %dma_start3A_238 = arith.constant 0 : i32
          %dma_start3A_239 = arith.constant 0 : i32
          %dma_start3A_240 = tpu.memref_slice %arg3[%dma_start3A_238, %dma_start3A_239] : memref<50176x32xf32, #tpu.memory_space<hbm>> -> memref<50176x32xf32, #tpu.memory_space<hbm>>
          tpu.enqueue_indirect_dma source(%dma_start3A_240 : memref<50176x32xf32, #tpu.memory_space<hbm>>) target(%dma_start3A_234 : memref<128x32xf32, #tpu.memory_space<vmem>>) offsets(%dma_start3A_237 : memref<128xi32, #tpu.memory_space<vmem>>) semaphore(%arg11 : memref<!tpu.dma_semaphore, #tpu.memory_space<semaphore_mem>>)
        } else {
        }
        %eq3A_208 = arith.constant 1 : i32
        %eq3A_209 = arith.cmpi eq, %arg0, %eq3A_208 : i32
        %convert_element_type3A_210 = arith.extui %eq3A_209 : i1 to i32
        %cond3A_211 = arith.constant 0 : i32
        %cond3A_212 = arith.cmpi ne, %convert_element_type3A_210, %cond3A_211 : i32
        scf.if %cond3A_212 {
          %rem3A_213 = arith.constant 4 : i32
          %rem3A_214 = arith.remsi %add3A_202, %rem3A_213 : i32
          %rem3A_215 = arith.constant 2 : i32
          %rem3A_216 = arith.remsi %add3A_202, %rem3A_215 : i32
          %dma_start3A_217 = arith.constant 0 : i32
          %dma_start3A_218 = arith.constant 0 : i32
          %dma_start3A_219 = arith.constant 0 : i32
          %dma_start3A_220 = arith.constant 0 : i32
          %dma_start3A_221 = tpu.memref_slice %arg9[%rem3A_216, %dma_start3A_219, %dma_start3A_220] : memref<2x256x32xf32, #tpu.memory_space<vmem>> -> memref<1x128x32xf32, #tpu.memory_space<vmem>>
          %dma_start3A_222 = tpu.memref_squeeze %dma_start3A_221 : memref<1x128x32xf32, #tpu.memory_space<vmem>> -> memref<128x32xf32, #tpu.memory_space<vmem>>
          %dma_start3A_223 = arith.constant 0 : i32
          %dma_start3A_224 = tpu.memref_slice %arg8[%rem3A_214, %dma_start3A_217, %dma_start3A_218, %dma_start3A_223] : memref<4x2x2x128xi32, #tpu.memory_space<vmem>> -> memref<1x1x1x128xi32, #tpu.memory_space<vmem>>
          %dma_start3A_225 = tpu.memref_squeeze %dma_start3A_224 : memref<1x1x1x128xi32, #tpu.memory_space<vmem>> -> memref<128xi32, #tpu.memory_space<vmem>>
          %dma_start3A_226 = arith.constant 0 : i32
          %dma_start3A_227 = arith.constant 0 : i32
          %dma_start3A_228 = tpu.memref_slice %arg4[%dma_start3A_226, %dma_start3A_227] : memref<50176x32xf32, #tpu.memory_space<hbm>> -> memref<50176x32xf32, #tpu.memory_space<hbm>>
          tpu.enqueue_indirect_dma source(%dma_start3A_228 : memref<50176x32xf32, #tpu.memory_space<hbm>>) target(%dma_start3A_222 : memref<128x32xf32, #tpu.memory_space<vmem>>) offsets(%dma_start3A_225 : memref<128xi32, #tpu.memory_space<vmem>>) semaphore(%arg11 : memref<!tpu.dma_semaphore, #tpu.memory_space<semaphore_mem>>)
          %dma_start3A_229 = arith.constant 1 : i32
          %dma_start3A_230 = arith.constant 0 : i32
          %dma_start3A_231 = arith.constant 128 : i32
          %dma_start3A_232 = arith.constant 0 : i32
          %dma_start3A_233 = tpu.memref_slice %arg9[%rem3A_216, %dma_start3A_231, %dma_start3A_232] : memref<2x256x32xf32, #tpu.memory_space<vmem>> -> memref<1x128x32xf32, #tpu.memory_space<vmem>>
          %dma_start3A_234 = tpu.memref_squeeze %dma_start3A_233 : memref<1x128x32xf32, #tpu.memory_space<vmem>> -> memref<128x32xf32, #tpu.memory_space<vmem>>
          %dma_start3A_235 = arith.constant 0 : i32
          %dma_start3A_236 = tpu.memref_slice %arg8[%rem3A_214, %dma_start3A_229, %dma_start3A_230, %dma_start3A_235] : memref<4x2x2x128xi32, #tpu.memory_space<vmem>> -> memref<1x1x1x128xi32, #tpu.memory_space<vmem>>
          %dma_start3A_237 = tpu.memref_squeeze %dma_start3A_236 : memref<1x1x1x128xi32, #tpu.memory_space<vmem>> -> memref<128xi32, #tpu.memory_space<vmem>>
          %dma_start3A_238 = arith.constant 0 : i32
          %dma_start3A_239 = arith.constant 0 : i32
          %dma_start3A_240 = tpu.memref_slice %arg4[%dma_start3A_238, %dma_start3A_239] : memref<50176x32xf32, #tpu.memory_space<hbm>> -> memref<50176x32xf32, #tpu.memory_space<hbm>>
          tpu.enqueue_indirect_dma source(%dma_start3A_240 : memref<50176x32xf32, #tpu.memory_space<hbm>>) target(%dma_start3A_234 : memref<128x32xf32, #tpu.memory_space<vmem>>) offsets(%dma_start3A_237 : memref<128xi32, #tpu.memory_space<vmem>>) semaphore(%arg11 : memref<!tpu.dma_semaphore, #tpu.memory_space<semaphore_mem>>)
        } else {
        }
      } else {
      }
      %rem3A_151 = arith.constant 4 : i32
      %rem3A_152 = arith.remsi %scan3A_117, %rem3A_151 : i32
      %rem3A_153 = arith.constant 2 : i32
      %rem3A_154 = arith.remsi %scan3A_117, %rem3A_153 : i32
      %dma_start3A_155 = arith.constant 0 : i32
      %dma_start3A_156 = arith.constant 1 : i32
      %dma_start3A_157 = arith.constant 0 : i32
      %dma_start3A_158 = arith.constant 0 : i32
      %dma_start3A_159 = tpu.memref_slice %arg9[%rem3A_154, %dma_start3A_157, %dma_start3A_158] : memref<2x256x32xf32, #tpu.memory_space<vmem>> -> memref<1x128x32xf32, #tpu.memory_space<vmem>>
      %dma_start3A_160 = tpu.memref_squeeze %dma_start3A_159 : memref<1x128x32xf32, #tpu.memory_space<vmem>> -> memref<128x32xf32, #tpu.memory_space<vmem>>
      %dma_start3A_161 = arith.constant 0 : i32
      %dma_start3A_162 = tpu.memref_slice %arg8[%rem3A_152, %dma_start3A_155, %dma_start3A_156, %dma_start3A_161] : memref<4x2x2x128xi32, #tpu.memory_space<vmem>> -> memref<1x1x1x128xi32, #tpu.memory_space<vmem>>
      %dma_start3A_163 = tpu.memref_squeeze %dma_start3A_162 : memref<1x1x1x128xi32, #tpu.memory_space<vmem>> -> memref<128xi32, #tpu.memory_space<vmem>>
      %dma_start3A_164 = arith.constant 0 : i32
      %dma_start3A_165 = arith.constant 0 : i32
      %dma_start3A_166 = tpu.memref_slice %arg7[%dma_start3A_164, %dma_start3A_165] : memref<50176x32xf32, #tpu.memory_space<vmem_shared>> -> memref<50176x32xf32, #tpu.memory_space<vmem_shared>>
      tpu.enqueue_indirect_dma source(%dma_start3A_160 : memref<128x32xf32, #tpu.memory_space<vmem>>) target(%dma_start3A_166 : memref<50176x32xf32, #tpu.memory_space<vmem_shared>>) offsets(%dma_start3A_163 : memref<128xi32, #tpu.memory_space<vmem>>) semaphore(%arg12 : memref<!tpu.dma_semaphore, #tpu.memory_space<semaphore_mem>>) {add = true}
      %dma_start3A_167 = arith.constant 1 : i32
      %dma_start3A_168 = arith.constant 1 : i32
      %dma_start3A_169 = arith.constant 128 : i32
      %dma_start3A_170 = arith.constant 0 : i32
      %dma_start3A_171 = tpu.memref_slice %arg9[%rem3A_154, %dma_start3A_169, %dma_start3A_170] : memref<2x256x32xf32, #tpu.memory_space<vmem>> -> memref<1x128x32xf32, #tpu.memory_space<vmem>>
      %dma_start3A_172 = tpu.memref_squeeze %dma_start3A_171 : memref<1x128x32xf32, #tpu.memory_space<vmem>> -> memref<128x32xf32, #tpu.memory_space<vmem>>
      %dma_start3A_173 = arith.constant 0 : i32
      %dma_start3A_174 = tpu.memref_slice %arg8[%rem3A_152, %dma_start3A_167, %dma_start3A_168, %dma_start3A_173] : memref<4x2x2x128xi32, #tpu.memory_space<vmem>> -> memref<1x1x1x128xi32, #tpu.memory_space<vmem>>
      %dma_start3A_175 = tpu.memref_squeeze %dma_start3A_174 : memref<1x1x1x128xi32, #tpu.memory_space<vmem>> -> memref<128xi32, #tpu.memory_space<vmem>>
      %dma_start3A_176 = arith.constant 0 : i32
      %dma_start3A_177 = arith.constant 0 : i32
      %dma_start3A_178 = tpu.memref_slice %arg7[%dma_start3A_176, %dma_start3A_177] : memref<50176x32xf32, #tpu.memory_space<vmem_shared>> -> memref<50176x32xf32, #tpu.memory_space<vmem_shared>>
      tpu.enqueue_indirect_dma source(%dma_start3A_172 : memref<128x32xf32, #tpu.memory_space<vmem>>) target(%dma_start3A_178 : memref<50176x32xf32, #tpu.memory_space<vmem_shared>>) offsets(%dma_start3A_175 : memref<128xi32, #tpu.memory_space<vmem>>) semaphore(%arg12 : memref<!tpu.dma_semaphore, #tpu.memory_space<semaphore_mem>>) {add = true}
    }
    %scan3A_88 = arith.constant 196 : i32
    %rem3A_89 = arith.constant 195 : i32
    %rem3A_90 = arith.constant 2 : i32
    %rem3A_91 = arith.remsi %rem3A_89, %rem3A_90 : i32
    %dma_wait3A_92 = arith.constant 0 : i32
    %dma_wait3A_93 = arith.constant 0 : i32
    %dma_wait3A_94 = tpu.memref_slice %arg9[%rem3A_91, %dma_wait3A_92, %dma_wait3A_93] : memref<2x256x32xf32, #tpu.memory_space<vmem>> -> memref<1x256x32xf32, #tpu.memory_space<vmem>>
    %dma_wait3A_95 = tpu.memref_squeeze %dma_wait3A_94 : memref<1x256x32xf32, #tpu.memory_space<vmem>> -> memref<256x32xf32, #tpu.memory_space<vmem>>
    %dma_wait3A_96 = arith.constant 0 : i32
    %dma_wait3A_97 = arith.constant 0 : i32
    %dma_wait3A_98 = tpu.memref_slice %arg3[%dma_wait3A_96, %dma_wait3A_97] : memref<50176x32xf32, #tpu.memory_space<hbm>> -> memref<256x32xf32, #tpu.memory_space<hbm>>
    %dma_wait3A_99 = arith.constant 0 : i32
    %dma_wait3A_100 = arith.constant 0 : i32
    %dma_wait3A_101 = tpu.memref_slice %arg9[%rem3A_91, %dma_wait3A_99, %dma_wait3A_100] : memref<2x256x32xf32, #tpu.memory_space<vmem>> -> memref<1x256x32xf32, #tpu.memory_space<vmem>>
    %dma_wait3A_102 = tpu.memref_squeeze %dma_wait3A_101 : memref<1x256x32xf32, #tpu.memory_space<vmem>> -> memref<256x32xf32, #tpu.memory_space<vmem>>
    %dma_wait3A_103 = arith.constant 0 : i32
    %dma_wait3A_104 = arith.constant 0 : i32
    %dma_wait3A_105 = tpu.memref_slice %arg3[%dma_wait3A_103, %dma_wait3A_104] : memref<50176x32xf32, #tpu.memory_space<hbm>> -> memref<256x32xf32, #tpu.memory_space<hbm>>
    tpu.wait_dma2 semaphore(%arg12 : memref<!tpu.dma_semaphore, #tpu.memory_space<semaphore_mem>>) src(%dma_wait3A_105 : memref<256x32xf32, #tpu.memory_space<hbm>>) dst(%dma_wait3A_102 : memref<256x32xf32, #tpu.memory_space<vmem>>)
    %barrier3A_106 = arith.constant 0 : index
    tpu.barrier barrier_id(%barrier3A_106)
    %eq3A_107 = arith.constant 0 : i32
    %eq3A_108 = arith.cmpi eq, %arg0, %eq3A_107 : i32
    %convert_element_type3A_109 = arith.extui %eq3A_108 : i1 to i32
    %cond3A_110 = arith.constant 0 : i32
    %cond3A_111 = arith.cmpi ne, %convert_element_type3A_109, %cond3A_110 : i32
    scf.if %cond3A_111 {
      %mul3A_117 = arith.constant 3136 : i32
      %mul3A_118 = arith.muli %arg1, %mul3A_117 : i32
      %mul3A_119 = arith.constant 3136 : i32
      %mul3A_120 = arith.muli %arg1, %mul3A_119 : i32
      "tpu.region"() ({
        %run_scoped3A_121 = tpu.sem_alloc : memref<!tpu.dma_semaphore, #tpu.memory_space<semaphore_mem>>
        %dma_start3A_122 = arith.constant 0 : i32
        %dma_start3A_123 = tpu.memref_slice %arg5[%mul3A_120, %dma_start3A_122] : memref<50176x32xf32, #tpu.memory_space<hbm>> -> memref<3136x32xf32, #tpu.memory_space<hbm>>
        %dma_start3A_124 = arith.constant 0 : i32
        %dma_start3A_125 = tpu.memref_slice %arg7[%mul3A_118, %dma_start3A_124] : memref<50176x32xf32, #tpu.memory_space<vmem_shared>> -> memref<3136x32xf32, #tpu.memory_space<vmem_shared>>
        tpu.enqueue_dma source(%dma_start3A_125 : memref<3136x32xf32, #tpu.memory_space<vmem_shared>>) target(%dma_start3A_123 : memref<3136x32xf32, #tpu.memory_space<hbm>>) target_semaphore(%run_scoped3A_121 : memref<!tpu.dma_semaphore, #tpu.memory_space<semaphore_mem>>)
        %dma_wait3A_126 = arith.constant 0 : i32
        %dma_wait3A_127 = tpu.memref_slice %arg5[%mul3A_120, %dma_wait3A_126] : memref<50176x32xf32, #tpu.memory_space<hbm>> -> memref<3136x32xf32, #tpu.memory_space<hbm>>
        %dma_wait3A_128 = arith.constant 0 : i32
        %dma_wait3A_129 = tpu.memref_slice %arg7[%mul3A_118, %dma_wait3A_128] : memref<50176x32xf32, #tpu.memory_space<vmem_shared>> -> memref<3136x32xf32, #tpu.memory_space<vmem_shared>>
        tpu.wait_dma2 semaphore(%run_scoped3A_121 : memref<!tpu.dma_semaphore, #tpu.memory_space<semaphore_mem>>) src(%dma_wait3A_129 : memref<3136x32xf32, #tpu.memory_space<vmem_shared>>) dst(%dma_wait3A_127 : memref<3136x32xf32, #tpu.memory_space<hbm>>)
        tpu.yield
      }) : () -> ()
    } else {
    }
    %eq3A_112 = arith.constant 1 : i32
    %eq3A_113 = arith.cmpi eq, %arg0, %eq3A_112 : i32
    %convert_element_type3A_114 = arith.extui %eq3A_113 : i1 to i32
    %cond3A_115 = arith.constant 0 : i32
    %cond3A_116 = arith.cmpi ne, %convert_element_type3A_114, %cond3A_115 : i32
    scf.if %cond3A_116 {
      %mul3A_117 = arith.constant 3136 : i32
      %mul3A_118 = arith.muli %arg1, %mul3A_117 : i32
      %mul3A_119 = arith.constant 3136 : i32
      %mul3A_120 = arith.muli %arg1, %mul3A_119 : i32
      "tpu.region"() ({
        %run_scoped3A_121 = tpu.sem_alloc : memref<!tpu.dma_semaphore, #tpu.memory_space<semaphore_mem>>
        %dma_start3A_122 = arith.constant 0 : i32
        %dma_start3A_123 = tpu.memref_slice %arg6[%mul3A_120, %dma_start3A_122] : memref<50176x32xf32, #tpu.memory_space<hbm>> -> memref<3136x32xf32, #tpu.memory_space<hbm>>
        %dma_start3A_124 = arith.constant 0 : i32
        %dma_start3A_125 = tpu.memref_slice %arg7[%mul3A_118, %dma_start3A_124] : memref<50176x32xf32, #tpu.memory_space<vmem_shared>> -> memref<3136x32xf32, #tpu.memory_space<vmem_shared>>
        tpu.enqueue_dma source(%dma_start3A_125 : memref<3136x32xf32, #tpu.memory_space<vmem_shared>>) target(%dma_start3A_123 : memref<3136x32xf32, #tpu.memory_space<hbm>>) target_semaphore(%run_scoped3A_121 : memref<!tpu.dma_semaphore, #tpu.memory_space<semaphore_mem>>)
        %dma_wait3A_126 = arith.constant 0 : i32
        %dma_wait3A_127 = tpu.memref_slice %arg6[%mul3A_120, %dma_wait3A_126] : memref<50176x32xf32, #tpu.memory_space<hbm>> -> memref<3136x32xf32, #tpu.memory_space<hbm>>
        %dma_wait3A_128 = arith.constant 0 : i32
        %dma_wait3A_129 = tpu.memref_slice %arg7[%mul3A_118, %dma_wait3A_128] : memref<50176x32xf32, #tpu.memory_space<vmem_shared>> -> memref<3136x32xf32, #tpu.memory_space<vmem_shared>>
        tpu.wait_dma2 semaphore(%run_scoped3A_121 : memref<!tpu.dma_semaphore, #tpu.memory_space<semaphore_mem>>) src(%dma_wait3A_129 : memref<3136x32xf32, #tpu.memory_space<vmem_shared>>) dst(%dma_wait3A_127 : memref<3136x32xf32, #tpu.memory_space<hbm>>)
        tpu.yield
      }) : () -> ()
    } else {
    }
    return
  }
}

#map = affine_map<(d0, d1) -> (0, 0, 0)>
#map1 = affine_map<(d0, d1) -> (0, 0)>
module attributes {stable_mosaic.version = 14 : i64} {
  func.func @run(%arg0: i32, %arg1: i32, %arg2: memref<6272x2x128xi32, #tpu.memory_space<hbm>>, %arg3: memref<50176x16xf32, #tpu.memory_space<hbm>>, %arg4: memref<50176x16xf32, #tpu.memory_space<hbm>>, %arg5: memref<50176x16xf32, #tpu.memory_space<vmem_shared>>, %arg6: memref<128x16xf32, #tpu.memory_space<vmem>>, %arg7: memref<4x4x2x128xi32, #tpu.memory_space<vmem>>, %arg8: memref<196x16xf32, #tpu.memory_space<vmem>>, %arg9: memref<!tpu.dma_semaphore, #tpu.memory_space<semaphore_mem>>, %arg10: memref<!tpu.dma_semaphore, #tpu.memory_space<semaphore_mem>>) attributes {dimension_semantics = [#tpu.dimension_semantics<core_parallel>, #tpu.dimension_semantics<subcore_parallel>], iteration_bounds = array<i64: 2, 16>, scalar_prefetch = 0 : i64, scratch_operands = 6 : i64, tpu.core_type = #tpu.core_type<sc_vector_subcore>, window_params = [{transform_indices = #map}, {transform_indices = #map1}, {transform_indices = #map1}]} {
    %broadcast_in_dim3A = arith.constant 1.000000e+00 : f32
    %broadcast_in_dim3A_0 = vector.broadcast %broadcast_in_dim3A : f32 to vector<16xf32>
    %broadcast_in_dim3A_1 = arith.constant 0.000000e+00 : f32
    %broadcast_in_dim3A_2 = vector.broadcast %broadcast_in_dim3A_1 : f32 to vector<16xf32>
    %scan3A = arith.constant 0 : i32
    %scan3A_3 = arith.constant 0 : i32
    %scan3A_4 = arith.constant 128 : i32
    %scan3A_5 = arith.addi %scan3A_3, %scan3A_4 : i32
    %scan3A_6 = arith.constant 1 : i32
    scf.for %scan3A_111 = %scan3A_3 to %scan3A_5 step %scan3A_6  : i32 {
      %swap3A = arith.index_cast %scan3A_111 : i32 to index
      %swap3A_112 = arith.constant 0 : index
      %swap3A_113 = tpu.vector_load %arg6[%swap3A, %swap3A_112] {strides = array<i32>} : memref<128x16xf32, #tpu.memory_space<vmem>>, vector<1x16xf32>,
      %swap3A_114 = vector.shape_cast %swap3A_113 : vector<1x16xf32> to vector<16xf32>
      %swap3A_115 = vector.shape_cast %broadcast_in_dim3A_0 : vector<16xf32> to vector<1x16xf32>
      tpu.vector_store %arg6[%swap3A, %swap3A_112], %swap3A_115 {strides = array<i32>} : memref<128x16xf32, #tpu.memory_space<vmem>>, vector<1x16xf32>,
    }
    %scan3A_7 = arith.constant 128 : i32
    %scan3A_8 = arith.constant 0 : i32
    %scan3A_9 = arith.constant 0 : i32
    %scan3A_10 = arith.constant 196 : i32
    %scan3A_11 = arith.addi %scan3A_9, %scan3A_10 : i32
    %scan3A_12 = arith.constant 1 : i32
    scf.for %scan3A_111 = %scan3A_9 to %scan3A_11 step %scan3A_12  : i32 {
      %swap3A = arith.index_cast %scan3A_111 : i32 to index
      %swap3A_112 = arith.constant 0 : index
      %swap3A_113 = tpu.vector_load %arg8[%swap3A, %swap3A_112] {strides = array<i32>} : memref<196x16xf32, #tpu.memory_space<vmem>>, vector<1x16xf32>,
      %swap3A_114 = vector.shape_cast %swap3A_113 : vector<1x16xf32> to vector<16xf32>
      %swap3A_115 = vector.shape_cast %broadcast_in_dim3A_2 : vector<16xf32> to vector<1x16xf32>
      tpu.vector_store %arg8[%swap3A, %swap3A_112], %swap3A_115 {strides = array<i32>} : memref<196x16xf32, #tpu.memory_space<vmem>>, vector<1x16xf32>,
    }
    %scan3A_13 = arith.constant 196 : i32
    %scan3A_14 = arith.constant 0 : i32
    %scan3A_15 = arith.constant 0 : i32
    %scan3A_16 = arith.constant 16 : i32
    %scan3A_17 = arith.addi %scan3A_15, %scan3A_16 : i32
    %scan3A_18 = arith.constant 1 : i32
    scf.for %scan3A_111 = %scan3A_15 to %scan3A_17 step %scan3A_18  : i32 {
      %mul3A_112 = arith.constant 3136 : i32
      %mul3A_113 = arith.muli %arg1, %mul3A_112 : i32
      %mul3A_114 = arith.constant 196 : i32
      %mul3A_115 = arith.muli %scan3A_111, %mul3A_114 : i32
      %add3A_116 = arith.addi %mul3A_113, %mul3A_115 : i32
      "tpu.region"() ({
        %run_scoped3A = tpu.sem_alloc : memref<!tpu.dma_semaphore, #tpu.memory_space<semaphore_mem>>
        %dma_start3A_117 = arith.constant 0 : i32
        %dma_start3A_118 = tpu.memref_slice %arg5[%add3A_116, %dma_start3A_117] : memref<50176x16xf32, #tpu.memory_space<vmem_shared>> -> memref<196x16xf32, #tpu.memory_space<vmem_shared>>
        %dma_start3A_119 = arith.constant 0 : i32
        %dma_start3A_120 = tpu.memref_slice %arg5[%add3A_116, %dma_start3A_119] : memref<50176x16xf32, #tpu.memory_space<vmem_shared>> -> memref<196x16xf32, #tpu.memory_space<vmem_shared>>
        tpu.enqueue_dma source(%arg8 : memref<196x16xf32, #tpu.memory_space<vmem>>) target(%dma_start3A_120 : memref<196x16xf32, #tpu.memory_space<vmem_shared>>) target_semaphore(%run_scoped3A : memref<!tpu.dma_semaphore, #tpu.memory_space<semaphore_mem>>)
        %dma_wait3A_121 = arith.constant 0 : i32
        %dma_wait3A_122 = tpu.memref_slice %arg5[%add3A_116, %dma_wait3A_121] : memref<50176x16xf32, #tpu.memory_space<vmem_shared>> -> memref<196x16xf32, #tpu.memory_space<vmem_shared>>
        %dma_wait3A_123 = arith.constant 0 : i32
        %dma_wait3A_124 = tpu.memref_slice %arg5[%add3A_116, %dma_wait3A_123] : memref<50176x16xf32, #tpu.memory_space<vmem_shared>> -> memref<196x16xf32, #tpu.memory_space<vmem_shared>>
        tpu.wait_dma2 semaphore(%run_scoped3A : memref<!tpu.dma_semaphore, #tpu.memory_space<semaphore_mem>>) src(%arg8 : memref<196x16xf32, #tpu.memory_space<vmem>>) dst(%dma_wait3A_124 : memref<196x16xf32, #tpu.memory_space<vmem_shared>>)
        tpu.yield
      }) : () -> ()
    }
    %scan3A_19 = arith.constant 16 : i32
    %barrier3A = arith.constant 0 : index
    tpu.barrier barrier_id(%barrier3A)
    %mul3A = arith.constant 16 : i32
    %mul3A_20 = arith.muli %arg0, %mul3A : i32
    %add3A = arith.addi %mul3A_20, %arg1 : i32
    %mul3A_21 = arith.constant 196 : i32
    %mul3A_22 = arith.muli %add3A, %mul3A_21 : i32
    %add3A_23 = arith.constant 0 : i32
    %add3A_24 = arith.addi %mul3A_22, %add3A_23 : i32
    %rem3A = arith.constant 0 : i32
    %rem3A_25 = arith.constant 4 : i32
    %rem3A_26 = arith.remsi %rem3A, %rem3A_25 : i32
    %dma_start3A = arith.constant 0 : i32
    %dma_start3A_27 = arith.constant 0 : i32
    %dma_start3A_28 = arith.constant 0 : i32
    %dma_start3A_29 = tpu.memref_slice %arg7[%rem3A_26, %dma_start3A, %dma_start3A_27, %dma_start3A_28] : memref<4x4x2x128xi32, #tpu.memory_space<vmem>> -> memref<1x4x2x128xi32, #tpu.memory_space<vmem>>
    %dma_start3A_30 = tpu.memref_squeeze %dma_start3A_29 : memref<1x4x2x128xi32, #tpu.memory_space<vmem>> -> memref<4x2x128xi32, #tpu.memory_space<vmem>>
    %dma_start3A_31 = arith.constant 0 : i32
    %dma_start3A_32 = arith.constant 0 : i32
    %dma_start3A_33 = tpu.memref_slice %arg2[%add3A_24, %dma_start3A_31, %dma_start3A_32] : memref<6272x2x128xi32, #tpu.memory_space<hbm>> -> memref<4x2x128xi32, #tpu.memory_space<hbm>>
    %dma_start3A_34 = arith.constant 0 : i32
    %dma_start3A_35 = arith.constant 0 : i32
    %dma_start3A_36 = arith.constant 0 : i32
    %dma_start3A_37 = tpu.memref_slice %arg7[%rem3A_26, %dma_start3A_34, %dma_start3A_35, %dma_start3A_36] : memref<4x4x2x128xi32, #tpu.memory_space<vmem>> -> memref<1x4x2x128xi32, #tpu.memory_space<vmem>>
    %dma_start3A_38 = tpu.memref_squeeze %dma_start3A_37 : memref<1x4x2x128xi32, #tpu.memory_space<vmem>> -> memref<4x2x128xi32, #tpu.memory_space<vmem>>
    %dma_start3A_39 = arith.constant 0 : i32
    %dma_start3A_40 = arith.constant 0 : i32
    %dma_start3A_41 = tpu.memref_slice %arg2[%add3A_24, %dma_start3A_39, %dma_start3A_40] : memref<6272x2x128xi32, #tpu.memory_space<hbm>> -> memref<4x2x128xi32, #tpu.memory_space<hbm>>
    tpu.enqueue_dma source(%dma_start3A_41 : memref<4x2x128xi32, #tpu.memory_space<hbm>>) target(%dma_start3A_38 : memref<4x2x128xi32, #tpu.memory_space<vmem>>) target_semaphore(%arg9 : memref<!tpu.dma_semaphore, #tpu.memory_space<semaphore_mem>>)
    %add3A_42 = arith.constant 4 : i32
    %add3A_43 = arith.addi %mul3A_22, %add3A_42 : i32
    %rem3A_44 = arith.constant 1 : i32
    %rem3A_45 = arith.constant 4 : i32
    %rem3A_46 = arith.remsi %rem3A_44, %rem3A_45 : i32
    %dma_start3A_47 = arith.constant 0 : i32
    %dma_start3A_48 = arith.constant 0 : i32
    %dma_start3A_49 = arith.constant 0 : i32
    %dma_start3A_50 = tpu.memref_slice %arg7[%rem3A_46, %dma_start3A_47, %dma_start3A_48, %dma_start3A_49] : memref<4x4x2x128xi32, #tpu.memory_space<vmem>> -> memref<1x4x2x128xi32, #tpu.memory_space<vmem>>
    %dma_start3A_51 = tpu.memref_squeeze %dma_start3A_50 : memref<1x4x2x128xi32, #tpu.memory_space<vmem>> -> memref<4x2x128xi32, #tpu.memory_space<vmem>>
    %dma_start3A_52 = arith.constant 0 : i32
    %dma_start3A_53 = arith.constant 0 : i32
    %dma_start3A_54 = tpu.memref_slice %arg2[%add3A_43, %dma_start3A_52, %dma_start3A_53] : memref<6272x2x128xi32, #tpu.memory_space<hbm>> -> memref<4x2x128xi32, #tpu.memory_space<hbm>>
    %dma_start3A_55 = arith.constant 0 : i32
    %dma_start3A_56 = arith.constant 0 : i32
    %dma_start3A_57 = arith.constant 0 : i32
    %dma_start3A_58 = tpu.memref_slice %arg7[%rem3A_46, %dma_start3A_55, %dma_start3A_56, %dma_start3A_57] : memref<4x4x2x128xi32, #tpu.memory_space<vmem>> -> memref<1x4x2x128xi32, #tpu.memory_space<vmem>>
    %dma_start3A_59 = tpu.memref_squeeze %dma_start3A_58 : memref<1x4x2x128xi32, #tpu.memory_space<vmem>> -> memref<4x2x128xi32, #tpu.memory_space<vmem>>
    %dma_start3A_60 = arith.constant 0 : i32
    %dma_start3A_61 = arith.constant 0 : i32
    %dma_start3A_62 = tpu.memref_slice %arg2[%add3A_43, %dma_start3A_60, %dma_start3A_61] : memref<6272x2x128xi32, #tpu.memory_space<hbm>> -> memref<4x2x128xi32, #tpu.memory_space<hbm>>
    tpu.enqueue_dma source(%dma_start3A_62 : memref<4x2x128xi32, #tpu.memory_space<hbm>>) target(%dma_start3A_59 : memref<4x2x128xi32, #tpu.memory_space<vmem>>) target_semaphore(%arg9 : memref<!tpu.dma_semaphore, #tpu.memory_space<semaphore_mem>>)
    %scan3A_63 = arith.constant 0 : i32
    %scan3A_64 = arith.constant 0 : i32
    %scan3A_65 = arith.constant 49 : i32
    %scan3A_66 = arith.addi %scan3A_64, %scan3A_65 : i32
    %scan3A_67 = arith.constant 1 : i32
    scf.for %scan3A_111 = %scan3A_64 to %scan3A_66 step %scan3A_67  : i32 {
      %rem3A_112 = arith.constant 4 : i32
      %rem3A_113 = arith.remsi %scan3A_111, %rem3A_112 : i32
      %dma_wait3A_114 = arith.constant 0 : i32
      %dma_wait3A_115 = arith.constant 0 : i32
      %dma_wait3A_116 = arith.constant 0 : i32
      %dma_wait3A_117 = tpu.memref_slice %arg7[%rem3A_113, %dma_wait3A_114, %dma_wait3A_115, %dma_wait3A_116] : memref<4x4x2x128xi32, #tpu.memory_space<vmem>> -> memref<1x4x2x128xi32, #tpu.memory_space<vmem>>
      %dma_wait3A_118 = tpu.memref_squeeze %dma_wait3A_117 : memref<1x4x2x128xi32, #tpu.memory_space<vmem>> -> memref<4x2x128xi32, #tpu.memory_space<vmem>>
      %dma_wait3A_119 = arith.constant 0 : i32
      %dma_wait3A_120 = arith.constant 0 : i32
      %dma_wait3A_121 = arith.constant 0 : i32
      %dma_wait3A_122 = tpu.memref_slice %arg2[%dma_wait3A_119, %dma_wait3A_120, %dma_wait3A_121] : memref<6272x2x128xi32, #tpu.memory_space<hbm>> -> memref<4x2x128xi32, #tpu.memory_space<hbm>>
      %dma_wait3A_123 = arith.constant 0 : i32
      %dma_wait3A_124 = arith.constant 0 : i32
      %dma_wait3A_125 = arith.constant 0 : i32
      %dma_wait3A_126 = tpu.memref_slice %arg7[%rem3A_113, %dma_wait3A_123, %dma_wait3A_124, %dma_wait3A_125] : memref<4x4x2x128xi32, #tpu.memory_space<vmem>> -> memref<1x4x2x128xi32, #tpu.memory_space<vmem>>
      %dma_wait3A_127 = tpu.memref_squeeze %dma_wait3A_126 : memref<1x4x2x128xi32, #tpu.memory_space<vmem>> -> memref<4x2x128xi32, #tpu.memory_space<vmem>>
      %dma_wait3A_128 = arith.constant 0 : i32
      %dma_wait3A_129 = arith.constant 0 : i32
      %dma_wait3A_130 = arith.constant 0 : i32
      %dma_wait3A_131 = tpu.memref_slice %arg2[%dma_wait3A_128, %dma_wait3A_129, %dma_wait3A_130] : memref<6272x2x128xi32, #tpu.memory_space<hbm>> -> memref<4x2x128xi32, #tpu.memory_space<hbm>>
      tpu.wait_dma2 semaphore(%arg9 : memref<!tpu.dma_semaphore, #tpu.memory_space<semaphore_mem>>) src(%dma_wait3A_131 : memref<4x2x128xi32, #tpu.memory_space<hbm>>) dst(%dma_wait3A_127 : memref<4x2x128xi32, #tpu.memory_space<vmem>>)
      %ge3A = arith.constant 1 : i32
      %ge3A_132 = arith.cmpi sge, %scan3A_111, %ge3A : i32
      %convert_element_type3A_133 = arith.extui %ge3A_132 : i1 to i32
      %cond3A_134 = arith.constant 0 : i32
      %cond3A_135 = arith.cmpi ne, %convert_element_type3A_133, %cond3A_134 : i32
      scf.if %cond3A_135 {
        %sub3A = arith.constant 1 : i32
        %sub3A_176 = arith.subi %scan3A_111, %sub3A : i32
        %rem3A_177 = arith.constant 4 : i32
        %rem3A_178 = arith.remsi %sub3A_176, %rem3A_177 : i32
        %dma_wait3A_179 = arith.constant 0 : i32
        %dma_wait3A_180 = arith.constant 1 : i32
        %dma_wait3A_181 = arith.constant 0 : i32
        %dma_wait3A_182 = tpu.memref_slice %arg7[%rem3A_178, %dma_wait3A_179, %dma_wait3A_180, %dma_wait3A_181] : memref<4x4x2x128xi32, #tpu.memory_space<vmem>> -> memref<1x1x1x128xi32, #tpu.memory_space<vmem>>
        %dma_wait3A_183 = tpu.memref_squeeze %dma_wait3A_182 : memref<1x1x1x128xi32, #tpu.memory_space<vmem>> -> memref<128xi32, #tpu.memory_space<vmem>>
        %dma_wait3A_184 = arith.constant 0 : i32
        %dma_wait3A_185 = arith.constant 0 : i32
        %dma_wait3A_186 = tpu.memref_slice %arg5[%dma_wait3A_184, %dma_wait3A_185] : memref<50176x16xf32, #tpu.memory_space<vmem_shared>> -> memref<50176x16xf32, #tpu.memory_space<vmem_shared>>
        tpu.wait_indirect_dma semaphore(%arg10 : memref<!tpu.dma_semaphore, #tpu.memory_space<semaphore_mem>>) src(%arg6 : memref<128x16xf32, #tpu.memory_space<vmem>>) dst(%dma_wait3A_186 : memref<50176x16xf32, #tpu.memory_space<vmem_shared>>)
        %dma_wait3A_187 = arith.constant 1 : i32
        %dma_wait3A_188 = arith.constant 1 : i32
        %dma_wait3A_189 = arith.constant 0 : i32
        %dma_wait3A_190 = tpu.memref_slice %arg7[%rem3A_178, %dma_wait3A_187, %dma_wait3A_188, %dma_wait3A_189] : memref<4x4x2x128xi32, #tpu.memory_space<vmem>> -> memref<1x1x1x128xi32, #tpu.memory_space<vmem>>
        %dma_wait3A_191 = tpu.memref_squeeze %dma_wait3A_190 : memref<1x1x1x128xi32, #tpu.memory_space<vmem>> -> memref<128xi32, #tpu.memory_space<vmem>>
        %dma_wait3A_192 = arith.constant 0 : i32
        %dma_wait3A_193 = arith.constant 0 : i32
        %dma_wait3A_194 = tpu.memref_slice %arg5[%dma_wait3A_192, %dma_wait3A_193] : memref<50176x16xf32, #tpu.memory_space<vmem_shared>> -> memref<50176x16xf32, #tpu.memory_space<vmem_shared>>
        tpu.wait_indirect_dma semaphore(%arg10 : memref<!tpu.dma_semaphore, #tpu.memory_space<semaphore_mem>>) src(%arg6 : memref<128x16xf32, #tpu.memory_space<vmem>>) dst(%dma_wait3A_194 : memref<50176x16xf32, #tpu.memory_space<vmem_shared>>)
        %dma_wait3A_195 = arith.constant 2 : i32
        %dma_wait3A_196 = arith.constant 1 : i32
        %dma_wait3A_197 = arith.constant 0 : i32
        %dma_wait3A_198 = tpu.memref_slice %arg7[%rem3A_178, %dma_wait3A_195, %dma_wait3A_196, %dma_wait3A_197] : memref<4x4x2x128xi32, #tpu.memory_space<vmem>> -> memref<1x1x1x128xi32, #tpu.memory_space<vmem>>
        %dma_wait3A_199 = tpu.memref_squeeze %dma_wait3A_198 : memref<1x1x1x128xi32, #tpu.memory_space<vmem>> -> memref<128xi32, #tpu.memory_space<vmem>>
        %dma_wait3A_200 = arith.constant 0 : i32
        %dma_wait3A_201 = arith.constant 0 : i32
        %dma_wait3A_202 = tpu.memref_slice %arg5[%dma_wait3A_200, %dma_wait3A_201] : memref<50176x16xf32, #tpu.memory_space<vmem_shared>> -> memref<50176x16xf32, #tpu.memory_space<vmem_shared>>
        tpu.wait_indirect_dma semaphore(%arg10 : memref<!tpu.dma_semaphore, #tpu.memory_space<semaphore_mem>>) src(%arg6 : memref<128x16xf32, #tpu.memory_space<vmem>>) dst(%dma_wait3A_202 : memref<50176x16xf32, #tpu.memory_space<vmem_shared>>)
        %dma_wait3A_203 = arith.constant 3 : i32
        %dma_wait3A_204 = arith.constant 1 : i32
        %dma_wait3A_205 = arith.constant 0 : i32
        %dma_wait3A_206 = tpu.memref_slice %arg7[%rem3A_178, %dma_wait3A_203, %dma_wait3A_204, %dma_wait3A_205] : memref<4x4x2x128xi32, #tpu.memory_space<vmem>> -> memref<1x1x1x128xi32, #tpu.memory_space<vmem>>
        %dma_wait3A_207 = tpu.memref_squeeze %dma_wait3A_206 : memref<1x1x1x128xi32, #tpu.memory_space<vmem>> -> memref<128xi32, #tpu.memory_space<vmem>>
        %dma_wait3A_208 = arith.constant 0 : i32
        %dma_wait3A_209 = arith.constant 0 : i32
        %dma_wait3A_210 = tpu.memref_slice %arg5[%dma_wait3A_208, %dma_wait3A_209] : memref<50176x16xf32, #tpu.memory_space<vmem_shared>> -> memref<50176x16xf32, #tpu.memory_space<vmem_shared>>
        tpu.wait_indirect_dma semaphore(%arg10 : memref<!tpu.dma_semaphore, #tpu.memory_space<semaphore_mem>>) src(%arg6 : memref<128x16xf32, #tpu.memory_space<vmem>>) dst(%dma_wait3A_210 : memref<50176x16xf32, #tpu.memory_space<vmem_shared>>)
      } else {
      }
      %add3A_136 = arith.constant 2 : i32
      %add3A_137 = arith.addi %scan3A_111, %add3A_136 : i32
      %lt3A = arith.constant 49 : i32
      %lt3A_138 = arith.cmpi slt, %add3A_137, %lt3A : i32
      %convert_element_type3A_139 = arith.extui %lt3A_138 : i1 to i32
      %cond3A_140 = arith.constant 0 : i32
      %cond3A_141 = arith.cmpi ne, %convert_element_type3A_139, %cond3A_140 : i32
      scf.if %cond3A_141 {
        %add3A_176 = arith.constant 2 : i32
        %add3A_177 = arith.addi %scan3A_111, %add3A_176 : i32
        %mul3A_178 = arith.constant 4 : i32
        %mul3A_179 = arith.muli %add3A_177, %mul3A_178 : i32
        %add3A_180 = arith.addi %mul3A_22, %mul3A_179 : i32
        %rem3A_181 = arith.constant 4 : i32
        %rem3A_182 = arith.remsi %add3A_177, %rem3A_181 : i32
        %dma_start3A_183 = arith.constant 0 : i32
        %dma_start3A_184 = arith.constant 0 : i32
        %dma_start3A_185 = arith.constant 0 : i32
        %dma_start3A_186 = tpu.memref_slice %arg7[%rem3A_182, %dma_start3A_183, %dma_start3A_184, %dma_start3A_185] : memref<4x4x2x128xi32, #tpu.memory_space<vmem>> -> memref<1x4x2x128xi32, #tpu.memory_space<vmem>>
        %dma_start3A_187 = tpu.memref_squeeze %dma_start3A_186 : memref<1x4x2x128xi32, #tpu.memory_space<vmem>> -> memref<4x2x128xi32, #tpu.memory_space<vmem>>
        %dma_start3A_188 = arith.constant 0 : i32
        %dma_start3A_189 = arith.constant 0 : i32
        %dma_start3A_190 = tpu.memref_slice %arg2[%add3A_180, %dma_start3A_188, %dma_start3A_189] : memref<6272x2x128xi32, #tpu.memory_space<hbm>> -> memref<4x2x128xi32, #tpu.memory_space<hbm>>
        %dma_start3A_191 = arith.constant 0 : i32
        %dma_start3A_192 = arith.constant 0 : i32
        %dma_start3A_193 = arith.constant 0 : i32
        %dma_start3A_194 = tpu.memref_slice %arg7[%rem3A_182, %dma_start3A_191, %dma_start3A_192, %dma_start3A_193] : memref<4x4x2x128xi32, #tpu.memory_space<vmem>> -> memref<1x4x2x128xi32, #tpu.memory_space<vmem>>
        %dma_start3A_195 = tpu.memref_squeeze %dma_start3A_194 : memref<1x4x2x128xi32, #tpu.memory_space<vmem>> -> memref<4x2x128xi32, #tpu.memory_space<vmem>>
        %dma_start3A_196 = arith.constant 0 : i32
        %dma_start3A_197 = arith.constant 0 : i32
        %dma_start3A_198 = tpu.memref_slice %arg2[%add3A_180, %dma_start3A_196, %dma_start3A_197] : memref<6272x2x128xi32, #tpu.memory_space<hbm>> -> memref<4x2x128xi32, #tpu.memory_space<hbm>>
        tpu.enqueue_dma source(%dma_start3A_198 : memref<4x2x128xi32, #tpu.memory_space<hbm>>) target(%dma_start3A_195 : memref<4x2x128xi32, #tpu.memory_space<vmem>>) target_semaphore(%arg9 : memref<!tpu.dma_semaphore, #tpu.memory_space<semaphore_mem>>)
      } else {
      }
      %rem3A_142 = arith.constant 4 : i32
      %rem3A_143 = arith.remsi %scan3A_111, %rem3A_142 : i32
      %dma_start3A_144 = arith.constant 0 : i32
      %dma_start3A_145 = arith.constant 1 : i32
      %dma_start3A_146 = arith.constant 0 : i32
      %dma_start3A_147 = tpu.memref_slice %arg7[%rem3A_143, %dma_start3A_144, %dma_start3A_145, %dma_start3A_146] : memref<4x4x2x128xi32, #tpu.memory_space<vmem>> -> memref<1x1x1x128xi32, #tpu.memory_space<vmem>>
      %dma_start3A_148 = tpu.memref_squeeze %dma_start3A_147 : memref<1x1x1x128xi32, #tpu.memory_space<vmem>> -> memref<128xi32, #tpu.memory_space<vmem>>
      %dma_start3A_149 = arith.constant 0 : i32
      %dma_start3A_150 = arith.constant 0 : i32
      %dma_start3A_151 = tpu.memref_slice %arg5[%dma_start3A_149, %dma_start3A_150] : memref<50176x16xf32, #tpu.memory_space<vmem_shared>> -> memref<50176x16xf32, #tpu.memory_space<vmem_shared>>
      tpu.enqueue_indirect_dma source(%arg6 : memref<128x16xf32, #tpu.memory_space<vmem>>) target(%dma_start3A_151 : memref<50176x16xf32, #tpu.memory_space<vmem_shared>>) offsets(%dma_start3A_148 : memref<128xi32, #tpu.memory_space<vmem>>) semaphore(%arg10 : memref<!tpu.dma_semaphore, #tpu.memory_space<semaphore_mem>>) {add = true}
      %dma_start3A_152 = arith.constant 1 : i32
      %dma_start3A_153 = arith.constant 1 : i32
      %dma_start3A_154 = arith.constant 0 : i32
      %dma_start3A_155 = tpu.memref_slice %arg7[%rem3A_143, %dma_start3A_152, %dma_start3A_153, %dma_start3A_154] : memref<4x4x2x128xi32, #tpu.memory_space<vmem>> -> memref<1x1x1x128xi32, #tpu.memory_space<vmem>>
      %dma_start3A_156 = tpu.memref_squeeze %dma_start3A_155 : memref<1x1x1x128xi32, #tpu.memory_space<vmem>> -> memref<128xi32, #tpu.memory_space<vmem>>
      %dma_start3A_157 = arith.constant 0 : i32
      %dma_start3A_158 = arith.constant 0 : i32
      %dma_start3A_159 = tpu.memref_slice %arg5[%dma_start3A_157, %dma_start3A_158] : memref<50176x16xf32, #tpu.memory_space<vmem_shared>> -> memref<50176x16xf32, #tpu.memory_space<vmem_shared>>
      tpu.enqueue_indirect_dma source(%arg6 : memref<128x16xf32, #tpu.memory_space<vmem>>) target(%dma_start3A_159 : memref<50176x16xf32, #tpu.memory_space<vmem_shared>>) offsets(%dma_start3A_156 : memref<128xi32, #tpu.memory_space<vmem>>) semaphore(%arg10 : memref<!tpu.dma_semaphore, #tpu.memory_space<semaphore_mem>>) {add = true}
      %dma_start3A_160 = arith.constant 2 : i32
      %dma_start3A_161 = arith.constant 1 : i32
      %dma_start3A_162 = arith.constant 0 : i32
      %dma_start3A_163 = tpu.memref_slice %arg7[%rem3A_143, %dma_start3A_160, %dma_start3A_161, %dma_start3A_162] : memref<4x4x2x128xi32, #tpu.memory_space<vmem>> -> memref<1x1x1x128xi32, #tpu.memory_space<vmem>>
      %dma_start3A_164 = tpu.memref_squeeze %dma_start3A_163 : memref<1x1x1x128xi32, #tpu.memory_space<vmem>> -> memref<128xi32, #tpu.memory_space<vmem>>
      %dma_start3A_165 = arith.constant 0 : i32
      %dma_start3A_166 = arith.constant 0 : i32
      %dma_start3A_167 = tpu.memref_slice %arg5[%dma_start3A_165, %dma_start3A_166] : memref<50176x16xf32, #tpu.memory_space<vmem_shared>> -> memref<50176x16xf32, #tpu.memory_space<vmem_shared>>
      tpu.enqueue_indirect_dma source(%arg6 : memref<128x16xf32, #tpu.memory_space<vmem>>) target(%dma_start3A_167 : memref<50176x16xf32, #tpu.memory_space<vmem_shared>>) offsets(%dma_start3A_164 : memref<128xi32, #tpu.memory_space<vmem>>) semaphore(%arg10 : memref<!tpu.dma_semaphore, #tpu.memory_space<semaphore_mem>>) {add = true}
      %dma_start3A_168 = arith.constant 3 : i32
      %dma_start3A_169 = arith.constant 1 : i32
      %dma_start3A_170 = arith.constant 0 : i32
      %dma_start3A_171 = tpu.memref_slice %arg7[%rem3A_143, %dma_start3A_168, %dma_start3A_169, %dma_start3A_170] : memref<4x4x2x128xi32, #tpu.memory_space<vmem>> -> memref<1x1x1x128xi32, #tpu.memory_space<vmem>>
      %dma_start3A_172 = tpu.memref_squeeze %dma_start3A_171 : memref<1x1x1x128xi32, #tpu.memory_space<vmem>> -> memref<128xi32, #tpu.memory_space<vmem>>
      %dma_start3A_173 = arith.constant 0 : i32
      %dma_start3A_174 = arith.constant 0 : i32
      %dma_start3A_175 = tpu.memref_slice %arg5[%dma_start3A_173, %dma_start3A_174] : memref<50176x16xf32, #tpu.memory_space<vmem_shared>> -> memref<50176x16xf32, #tpu.memory_space<vmem_shared>>
      tpu.enqueue_indirect_dma source(%arg6 : memref<128x16xf32, #tpu.memory_space<vmem>>) target(%dma_start3A_175 : memref<50176x16xf32, #tpu.memory_space<vmem_shared>>) offsets(%dma_start3A_172 : memref<128xi32, #tpu.memory_space<vmem>>) semaphore(%arg10 : memref<!tpu.dma_semaphore, #tpu.memory_space<semaphore_mem>>) {add = true}
    }
    %scan3A_68 = arith.constant 49 : i32
    %rem3A_69 = arith.constant 48 : i32
    %rem3A_70 = arith.constant 4 : i32
    %rem3A_71 = arith.remsi %rem3A_69, %rem3A_70 : i32
    %dma_wait3A = arith.constant 0 : i32
    %dma_wait3A_72 = arith.constant 1 : i32
    %dma_wait3A_73 = arith.constant 0 : i32
    %dma_wait3A_74 = tpu.memref_slice %arg7[%rem3A_71, %dma_wait3A, %dma_wait3A_72, %dma_wait3A_73] : memref<4x4x2x128xi32, #tpu.memory_space<vmem>> -> memref<1x1x1x128xi32, #tpu.memory_space<vmem>>
    %dma_wait3A_75 = tpu.memref_squeeze %dma_wait3A_74 : memref<1x1x1x128xi32, #tpu.memory_space<vmem>> -> memref<128xi32, #tpu.memory_space<vmem>>
    %dma_wait3A_76 = arith.constant 0 : i32
    %dma_wait3A_77 = arith.constant 0 : i32
    %dma_wait3A_78 = tpu.memref_slice %arg5[%dma_wait3A_76, %dma_wait3A_77] : memref<50176x16xf32, #tpu.memory_space<vmem_shared>> -> memref<50176x16xf32, #tpu.memory_space<vmem_shared>>
    tpu.wait_indirect_dma semaphore(%arg10 : memref<!tpu.dma_semaphore, #tpu.memory_space<semaphore_mem>>) src(%arg6 : memref<128x16xf32, #tpu.memory_space<vmem>>) dst(%dma_wait3A_78 : memref<50176x16xf32, #tpu.memory_space<vmem_shared>>)
    %dma_wait3A_79 = arith.constant 1 : i32
    %dma_wait3A_80 = arith.constant 1 : i32
    %dma_wait3A_81 = arith.constant 0 : i32
    %dma_wait3A_82 = tpu.memref_slice %arg7[%rem3A_71, %dma_wait3A_79, %dma_wait3A_80, %dma_wait3A_81] : memref<4x4x2x128xi32, #tpu.memory_space<vmem>> -> memref<1x1x1x128xi32, #tpu.memory_space<vmem>>
    %dma_wait3A_83 = tpu.memref_squeeze %dma_wait3A_82 : memref<1x1x1x128xi32, #tpu.memory_space<vmem>> -> memref<128xi32, #tpu.memory_space<vmem>>
    %dma_wait3A_84 = arith.constant 0 : i32
    %dma_wait3A_85 = arith.constant 0 : i32
    %dma_wait3A_86 = tpu.memref_slice %arg5[%dma_wait3A_84, %dma_wait3A_85] : memref<50176x16xf32, #tpu.memory_space<vmem_shared>> -> memref<50176x16xf32, #tpu.memory_space<vmem_shared>>
    tpu.wait_indirect_dma semaphore(%arg10 : memref<!tpu.dma_semaphore, #tpu.memory_space<semaphore_mem>>) src(%arg6 : memref<128x16xf32, #tpu.memory_space<vmem>>) dst(%dma_wait3A_86 : memref<50176x16xf32, #tpu.memory_space<vmem_shared>>)
    %dma_wait3A_87 = arith.constant 2 : i32
    %dma_wait3A_88 = arith.constant 1 : i32
    %dma_wait3A_89 = arith.constant 0 : i32
    %dma_wait3A_90 = tpu.memref_slice %arg7[%rem3A_71, %dma_wait3A_87, %dma_wait3A_88, %dma_wait3A_89] : memref<4x4x2x128xi32, #tpu.memory_space<vmem>> -> memref<1x1x1x128xi32, #tpu.memory_space<vmem>>
    %dma_wait3A_91 = tpu.memref_squeeze %dma_wait3A_90 : memref<1x1x1x128xi32, #tpu.memory_space<vmem>> -> memref<128xi32, #tpu.memory_space<vmem>>
    %dma_wait3A_92 = arith.constant 0 : i32
    %dma_wait3A_93 = arith.constant 0 : i32
    %dma_wait3A_94 = tpu.memref_slice %arg5[%dma_wait3A_92, %dma_wait3A_93] : memref<50176x16xf32, #tpu.memory_space<vmem_shared>> -> memref<50176x16xf32, #tpu.memory_space<vmem_shared>>
    tpu.wait_indirect_dma semaphore(%arg10 : memref<!tpu.dma_semaphore, #tpu.memory_space<semaphore_mem>>) src(%arg6 : memref<128x16xf32, #tpu.memory_space<vmem>>) dst(%dma_wait3A_94 : memref<50176x16xf32, #tpu.memory_space<vmem_shared>>)
    %dma_wait3A_95 = arith.constant 3 : i32
    %dma_wait3A_96 = arith.constant 1 : i32
    %dma_wait3A_97 = arith.constant 0 : i32
    %dma_wait3A_98 = tpu.memref_slice %arg7[%rem3A_71, %dma_wait3A_95, %dma_wait3A_96, %dma_wait3A_97] : memref<4x4x2x128xi32, #tpu.memory_space<vmem>> -> memref<1x1x1x128xi32, #tpu.memory_space<vmem>>
    %dma_wait3A_99 = tpu.memref_squeeze %dma_wait3A_98 : memref<1x1x1x128xi32, #tpu.memory_space<vmem>> -> memref<128xi32, #tpu.memory_space<vmem>>
    %dma_wait3A_100 = arith.constant 0 : i32
    %dma_wait3A_101 = arith.constant 0 : i32
    %dma_wait3A_102 = tpu.memref_slice %arg5[%dma_wait3A_100, %dma_wait3A_101] : memref<50176x16xf32, #tpu.memory_space<vmem_shared>> -> memref<50176x16xf32, #tpu.memory_space<vmem_shared>>
    tpu.wait_indirect_dma semaphore(%arg10 : memref<!tpu.dma_semaphore, #tpu.memory_space<semaphore_mem>>) src(%arg6 : memref<128x16xf32, #tpu.memory_space<vmem>>) dst(%dma_wait3A_102 : memref<50176x16xf32, #tpu.memory_space<vmem_shared>>)
    %barrier3A_103 = arith.constant 0 : index
    tpu.barrier barrier_id(%barrier3A_103)
    %eq3A = arith.constant 0 : i32
    %eq3A_104 = arith.cmpi eq, %arg0, %eq3A : i32
    %convert_element_type3A = arith.extui %eq3A_104 : i1 to i32
    %cond3A = arith.constant 0 : i32
    %cond3A_105 = arith.cmpi ne, %convert_element_type3A, %cond3A : i32
    scf.if %cond3A_105 {
      %mul3A_111 = arith.constant 3136 : i32
      %mul3A_112 = arith.muli %arg1, %mul3A_111 : i32
      %mul3A_113 = arith.constant 3136 : i32
      %mul3A_114 = arith.muli %arg1, %mul3A_113 : i32
      "tpu.region"() ({
        %run_scoped3A = tpu.sem_alloc : memref<!tpu.dma_semaphore, #tpu.memory_space<semaphore_mem>>
        %dma_start3A_115 = arith.constant 0 : i32
        %dma_start3A_116 = tpu.memref_slice %arg3[%mul3A_114, %dma_start3A_115] : memref<50176x16xf32, #tpu.memory_space<hbm>> -> memref<3136x16xf32, #tpu.memory_space<hbm>>
        %dma_start3A_117 = arith.constant 0 : i32
        %dma_start3A_118 = tpu.memref_slice %arg5[%mul3A_112, %dma_start3A_117] : memref<50176x16xf32, #tpu.memory_space<vmem_shared>> -> memref<3136x16xf32, #tpu.memory_space<vmem_shared>>
        tpu.enqueue_dma source(%dma_start3A_118 : memref<3136x16xf32, #tpu.memory_space<vmem_shared>>) target(%dma_start3A_116 : memref<3136x16xf32, #tpu.memory_space<hbm>>) target_semaphore(%run_scoped3A : memref<!tpu.dma_semaphore, #tpu.memory_space<semaphore_mem>>)
        %dma_wait3A_119 = arith.constant 0 : i32
        %dma_wait3A_120 = tpu.memref_slice %arg3[%mul3A_114, %dma_wait3A_119] : memref<50176x16xf32, #tpu.memory_space<hbm>> -> memref<3136x16xf32, #tpu.memory_space<hbm>>
        %dma_wait3A_121 = arith.constant 0 : i32
        %dma_wait3A_122 = tpu.memref_slice %arg5[%mul3A_112, %dma_wait3A_121] : memref<50176x16xf32, #tpu.memory_space<vmem_shared>> -> memref<3136x16xf32, #tpu.memory_space<vmem_shared>>
        tpu.wait_dma2 semaphore(%run_scoped3A : memref<!tpu.dma_semaphore, #tpu.memory_space<semaphore_mem>>) src(%dma_wait3A_122 : memref<3136x16xf32, #tpu.memory_space<vmem_shared>>) dst(%dma_wait3A_120 : memref<3136x16xf32, #tpu.memory_space<hbm>>)
        tpu.yield
      }) : () -> ()
    } else {
    }
    %eq3A_106 = arith.constant 1 : i32
    %eq3A_107 = arith.cmpi eq, %arg0, %eq3A_106 : i32
    %convert_element_type3A_108 = arith.extui %eq3A_107 : i1 to i32
    %cond3A_109 = arith.constant 0 : i32
    %cond3A_110 = arith.cmpi ne, %convert_element_type3A_108, %cond3A_109 : i32
    scf.if %cond3A_110 {
      %mul3A_111 = arith.constant 3136 : i32
      %mul3A_112 = arith.muli %arg1, %mul3A_111 : i32
      %mul3A_113 = arith.constant 3136 : i32
      %mul3A_114 = arith.muli %arg1, %mul3A_113 : i32
      "tpu.region"() ({
        %run_scoped3A = tpu.sem_alloc : memref<!tpu.dma_semaphore, #tpu.memory_space<semaphore_mem>>
        %dma_start3A_115 = arith.constant 0 : i32
        %dma_start3A_116 = tpu.memref_slice %arg4[%mul3A_114, %dma_start3A_115] : memref<50176x16xf32, #tpu.memory_space<hbm>> -> memref<3136x16xf32, #tpu.memory_space<hbm>>
        %dma_start3A_117 = arith.constant 0 : i32
        %dma_start3A_118 = tpu.memref_slice %arg5[%mul3A_112, %dma_start3A_117] : memref<50176x16xf32, #tpu.memory_space<vmem_shared>> -> memref<3136x16xf32, #tpu.memory_space<vmem_shared>>
        tpu.enqueue_dma source(%dma_start3A_118 : memref<3136x16xf32, #tpu.memory_space<vmem_shared>>) target(%dma_start3A_116 : memref<3136x16xf32, #tpu.memory_space<hbm>>) target_semaphore(%run_scoped3A : memref<!tpu.dma_semaphore, #tpu.memory_space<semaphore_mem>>)
        %dma_wait3A_119 = arith.constant 0 : i32
        %dma_wait3A_120 = tpu.memref_slice %arg4[%mul3A_114, %dma_wait3A_119] : memref<50176x16xf32, #tpu.memory_space<hbm>> -> memref<3136x16xf32, #tpu.memory_space<hbm>>
        %dma_wait3A_121 = arith.constant 0 : i32
        %dma_wait3A_122 = tpu.memref_slice %arg5[%mul3A_112, %dma_wait3A_121] : memref<50176x16xf32, #tpu.memory_space<vmem_shared>> -> memref<3136x16xf32, #tpu.memory_space<vmem_shared>>
        tpu.wait_dma2 semaphore(%run_scoped3A : memref<!tpu.dma_semaphore, #tpu.memory_space<semaphore_mem>>) src(%dma_wait3A_122 : memref<3136x16xf32, #tpu.memory_space<vmem_shared>>) dst(%dma_wait3A_120 : memref<3136x16xf32, #tpu.memory_space<hbm>>)
        tpu.yield
      }) : () -> ()
    } else {
    }
    return
  }
}

module attributes {stable_mosaic.version = 14 : i64} {
  func.func @body(%arg0: i32, %arg1: memref<1024x768xf32, #tpu.memory_space<vmem>>, %arg2: memref<1024x768xf32, #tpu.memory_space<vmem>>, %arg3: memref<768x32xf32, #tpu.memory_space<vmem>>, %arg4: memref<1x32xf32, #tpu.memory_space<vmem>>, %arg5: memref<768x32xf32, #tpu.memory_space<vmem>>, %arg6: memref<1x32xf32, #tpu.memory_space<vmem>>, %arg7: memref<256x128xf32, #tpu.memory_space<vmem>>, %arg8: memref<256x128xf32, #tpu.memory_space<vmem>>) attributes {dimension_semantics = [#tpu.dimension_semantics<arbitrary>], iteration_bounds = array<i64: 49>, scalar_prefetch = 0 : i64, scratch_operands = 0 : i64, tpu.core_type = #tpu.core_type<tc>, window_params = [{transform_indices = @transform_0, window_bounds = array<i64: 1024, 768>}, {transform_indices = @transform_1, window_bounds = array<i64: 1024, 768>}, {pipeline_mode = #tpu.pipeline_mode<synchronous>, transform_indices = @transform_2, window_bounds = array<i64: 768, 32>}, {pipeline_mode = #tpu.pipeline_mode<synchronous>, transform_indices = @transform_3, window_bounds = array<i64: 1, 32>}, {pipeline_mode = #tpu.pipeline_mode<synchronous>, transform_indices = @transform_4, window_bounds = array<i64: 768, 32>}, {pipeline_mode = #tpu.pipeline_mode<synchronous>, transform_indices = @transform_5, window_bounds = array<i64: 1, 32>}, {transform_indices = @transform_6, window_bounds = array<i64: 256, 128>}, {transform_indices = @transform_7, window_bounds = array<i64: 256, 128>}]} {
    %get3A = arith.constant 0 : index
    %get3A_0 = arith.constant 0 : index
    %get3A_1 = vector.load %arg1[%get3A, %get3A_0] : memref<1024x768xf32, #tpu.memory_space<vmem>>, vector<1024x768xf32>
    %get3A_2 = arith.constant 0 : index
    %get3A_3 = arith.constant 0 : index
    %get3A_4 = vector.load %arg3[%get3A_2, %get3A_3] : memref<768x32xf32, #tpu.memory_space<vmem>>, vector<768x32xf32>
    %dot_general3A = arith.constant dense<0.000000e+00> : vector<1024x32xf32>
    %dot_general3A_5 = tpu.matmul %get3A_1, %get3A_4, %dot_general3A {dimension_numbers = #tpu.dot_dimension_numbers<[1], [0], [0], [1], [0, 0, 1, 1], [], []>, transpose_lhs_hint = false} : vector<1024x768xf32>, vector<768x32xf32>, vector<1024x32xf32> -> vector<1024x32xf32>
    %get3A_6 = arith.constant 0 : index
    %get3A_7 = arith.constant 0 : index
    %get3A_8 = vector.load %arg4[%get3A_6, %get3A_7] : memref<1x32xf32, #tpu.memory_space<vmem>>, vector<1x32xf32>
    %add3A = vector.broadcast %get3A_8 : vector<1x32xf32> to vector<1024x32xf32>
    %add3A_9 = arith.addf %dot_general3A_5, %add3A : vector<1024x32xf32>
    %get3A_10 = arith.constant 0 : index
    %get3A_11 = arith.constant 0 : index
    %get3A_12 = vector.load %arg2[%get3A_10, %get3A_11] : memref<1024x768xf32, #tpu.memory_space<vmem>>, vector<1024x768xf32>
    %get3A_13 = arith.constant 0 : index
    %get3A_14 = arith.constant 0 : index
    %get3A_15 = vector.load %arg5[%get3A_13, %get3A_14] : memref<768x32xf32, #tpu.memory_space<vmem>>, vector<768x32xf32>
    %dot_general3A_16 = arith.constant dense<0.000000e+00> : vector<1024x32xf32>
    %dot_general3A_17 = tpu.matmul %get3A_12, %get3A_15, %dot_general3A_16 {dimension_numbers = #tpu.dot_dimension_numbers<[1], [0], [0], [1], [0, 0, 1, 1], [], []>, transpose_lhs_hint = false} : vector<1024x768xf32>, vector<768x32xf32>, vector<1024x32xf32> -> vector<1024x32xf32>
    %get3A_18 = arith.constant 0 : index
    %get3A_19 = arith.constant 0 : index
    %get3A_20 = vector.load %arg6[%get3A_18, %get3A_19] : memref<1x32xf32, #tpu.memory_space<vmem>>, vector<1x32xf32>
    %add3A_21 = vector.broadcast %get3A_20 : vector<1x32xf32> to vector<1024x32xf32>
    %add3A_22 = arith.addf %dot_general3A_17, %add3A_21 : vector<1024x32xf32>
    %slice3A = vector.extract_strided_slice %add3A_9 {offsets = [0, 0], sizes = [256, 32], strides = [1, 1]} : vector<1024x32xf32> to vector<256x32xf32>
    %swap3A = arith.constant 0 : index
    %swap3A_23 = arith.constant 0 : index
    %swap3A_24 = vector.load %arg7[%swap3A, %swap3A_23] : memref<256x128xf32, #tpu.memory_space<vmem>>, vector<256x32xf32>
    tpu.vector_store %arg7[%swap3A, %swap3A_23], %slice3A {strides = array<i32>} : memref<256x128xf32, #tpu.memory_space<vmem>>, vector<256x32xf32>,
    %slice3A_25 = vector.extract_strided_slice %add3A_22 {offsets = [0, 0], sizes = [256, 32], strides = [1, 1]} : vector<1024x32xf32> to vector<256x32xf32>
    %swap3A_26 = arith.constant 0 : index
    %swap3A_27 = arith.constant 0 : index
    %swap3A_28 = vector.load %arg8[%swap3A_26, %swap3A_27] : memref<256x128xf32, #tpu.memory_space<vmem>>, vector<256x32xf32>
    tpu.vector_store %arg8[%swap3A_26, %swap3A_27], %slice3A_25 {strides = array<i32>} : memref<256x128xf32, #tpu.memory_space<vmem>>, vector<256x32xf32>,
    %slice3A_29 = vector.extract_strided_slice %add3A_9 {offsets = [256, 0], sizes = [256, 32], strides = [1, 1]} : vector<1024x32xf32> to vector<256x32xf32>
    %swap3A_30 = arith.constant 0 : index
    %swap3A_31 = arith.constant 32 : index
    %swap3A_32 = vector.load %arg7[%swap3A_30, %swap3A_31] : memref<256x128xf32, #tpu.memory_space<vmem>>, vector<256x32xf32>
    tpu.vector_store %arg7[%swap3A_30, %swap3A_31], %slice3A_29 {strides = array<i32>} : memref<256x128xf32, #tpu.memory_space<vmem>>, vector<256x32xf32>,
    %slice3A_33 = vector.extract_strided_slice %add3A_22 {offsets = [256, 0], sizes = [256, 32], strides = [1, 1]} : vector<1024x32xf32> to vector<256x32xf32>
    %swap3A_34 = arith.constant 0 : index
    %swap3A_35 = arith.constant 32 : index
    %swap3A_36 = vector.load %arg8[%swap3A_34, %swap3A_35] : memref<256x128xf32, #tpu.memory_space<vmem>>, vector<256x32xf32>
    tpu.vector_store %arg8[%swap3A_34, %swap3A_35], %slice3A_33 {strides = array<i32>} : memref<256x128xf32, #tpu.memory_space<vmem>>, vector<256x32xf32>,
    %slice3A_37 = vector.extract_strided_slice %add3A_9 {offsets = [512, 0], sizes = [256, 32], strides = [1, 1]} : vector<1024x32xf32> to vector<256x32xf32>
    %swap3A_38 = arith.constant 0 : index
    %swap3A_39 = arith.constant 64 : index
    %swap3A_40 = vector.load %arg7[%swap3A_38, %swap3A_39] : memref<256x128xf32, #tpu.memory_space<vmem>>, vector<256x32xf32>
    tpu.vector_store %arg7[%swap3A_38, %swap3A_39], %slice3A_37 {strides = array<i32>} : memref<256x128xf32, #tpu.memory_space<vmem>>, vector<256x32xf32>,
    %slice3A_41 = vector.extract_strided_slice %add3A_22 {offsets = [512, 0], sizes = [256, 32], strides = [1, 1]} : vector<1024x32xf32> to vector<256x32xf32>
    %swap3A_42 = arith.constant 0 : index
    %swap3A_43 = arith.constant 64 : index
    %swap3A_44 = vector.load %arg8[%swap3A_42, %swap3A_43] : memref<256x128xf32, #tpu.memory_space<vmem>>, vector<256x32xf32>
    tpu.vector_store %arg8[%swap3A_42, %swap3A_43], %slice3A_41 {strides = array<i32>} : memref<256x128xf32, #tpu.memory_space<vmem>>, vector<256x32xf32>,
    %slice3A_45 = vector.extract_strided_slice %add3A_9 {offsets = [768, 0], sizes = [256, 32], strides = [1, 1]} : vector<1024x32xf32> to vector<256x32xf32>
    %swap3A_46 = arith.constant 0 : index
    %swap3A_47 = arith.constant 96 : index
    %swap3A_48 = vector.load %arg7[%swap3A_46, %swap3A_47] : memref<256x128xf32, #tpu.memory_space<vmem>>, vector<256x32xf32>
    tpu.vector_store %arg7[%swap3A_46, %swap3A_47], %slice3A_45 {strides = array<i32>} : memref<256x128xf32, #tpu.memory_space<vmem>>, vector<256x32xf32>,
    %slice3A_49 = vector.extract_strided_slice %add3A_22 {offsets = [768, 0], sizes = [256, 32], strides = [1, 1]} : vector<1024x32xf32> to vector<256x32xf32>
    %swap3A_50 = arith.constant 0 : index
    %swap3A_51 = arith.constant 96 : index
    %swap3A_52 = vector.load %arg8[%swap3A_50, %swap3A_51] : memref<256x128xf32, #tpu.memory_space<vmem>>, vector<256x32xf32>
    tpu.vector_store %arg8[%swap3A_50, %swap3A_51], %slice3A_49 {strides = array<i32>} : memref<256x128xf32, #tpu.memory_space<vmem>>, vector<256x32xf32>,
    return
  }
  func.func @transform_0(%arg0: i32) -> (i32, i32) {
    %c0_i32 = arith.constant 0 : i32
    %c0_i32_0 = arith.constant 0 : i32
    return %arg0, %c0_i32 : i32, i32
  }
  func.func @transform_1(%arg0: i32) -> (i32, i32) {
    %c0_i32 = arith.constant 0 : i32
    %c0_i32_0 = arith.constant 0 : i32
    return %arg0, %c0_i32 : i32, i32
  }
  func.func @transform_2(%arg0: i32) -> (i32, i32) {
    %c0_i32 = arith.constant 0 : i32
    %c0_i32_0 = arith.constant 0 : i32
    %c0_i32_1 = arith.constant 0 : i32
    return %c0_i32, %c0_i32_0 : i32, i32
  }
  func.func @transform_3(%arg0: i32) -> (i32, i32) {
    %c0_i32 = arith.constant 0 : i32
    %c0_i32_0 = arith.constant 0 : i32
    %c0_i32_1 = arith.constant 0 : i32
    return %c0_i32, %c0_i32_0 : i32, i32
  }
  func.func @transform_4(%arg0: i32) -> (i32, i32) {
    %c0_i32 = arith.constant 0 : i32
    %c0_i32_0 = arith.constant 0 : i32
    %c0_i32_1 = arith.constant 0 : i32
    return %c0_i32, %c0_i32_0 : i32, i32
  }
  func.func @transform_5(%arg0: i32) -> (i32, i32) {
    %c0_i32 = arith.constant 0 : i32
    %c0_i32_0 = arith.constant 0 : i32
    %c0_i32_1 = arith.constant 0 : i32
    return %c0_i32, %c0_i32_0 : i32, i32
  }
  func.func @transform_6(%arg0: i32) -> (i32, i32) {
    %c0_i32 = arith.constant 0 : i32
    %c0_i32_0 = arith.constant 0 : i32
    return %arg0, %c0_i32 : i32, i32
  }
  func.func @transform_7(%arg0: i32) -> (i32, i32) {
    %c0_i32 = arith.constant 0 : i32
    %c0_i32_0 = arith.constant 0 : i32
    return %arg0, %c0_i32 : i32, i32
  }
}

module attributes {stable_mosaic.version = 14 : i64} {
  func.func @body(%arg0: i32, %arg1: memref<256x128xf32, #tpu.memory_space<vmem>>, %arg2: memref<256x128xf32, #tpu.memory_space<vmem>>, %arg3: memref<256x128xf32, #tpu.memory_space<vmem>>, %arg4: memref<256x128xf32, #tpu.memory_space<vmem>>, %arg5: memref<256x128xf32, #tpu.memory_space<vmem>>, %arg6: memref<128x128xf32, #tpu.memory_space<vmem>>, %arg7: memref<128x128xf32, #tpu.memory_space<vmem>>, %arg8: memref<128x128xf32, #tpu.memory_space<vmem>>, %arg9: memref<128x128xf32, #tpu.memory_space<vmem>>, %arg10: memref<128x128xf32, #tpu.memory_space<vmem>>, %arg11: memref<128x128xf32, #tpu.memory_space<vmem>>, %arg12: memref<128x128xf32, #tpu.memory_space<vmem>>, %arg13: memref<128x128xf32, #tpu.memory_space<vmem>>, %arg14: memref<1x128xf32, #tpu.memory_space<vmem>>, %arg15: memref<1x128xf32, #tpu.memory_space<vmem>>, %arg16: memref<256x128xf32, #tpu.memory_space<vmem>>, %arg17: memref<256x128xf32, #tpu.memory_space<vmem>>) attributes {dimension_semantics = [#tpu.dimension_semantics<arbitrary>], iteration_bounds = array<i64: 49>, scalar_prefetch = 0 : i64, scratch_operands = 0 : i64, tpu.core_type = #tpu.core_type<tc>, window_params = [{transform_indices = @transform_0, window_bounds = array<i64: 256, 128>}, {transform_indices = @transform_1, window_bounds = array<i64: 256, 128>}, {transform_indices = @transform_2, window_bounds = array<i64: 256, 128>}, {transform_indices = @transform_3, window_bounds = array<i64: 256, 128>}, {transform_indices = @transform_4, window_bounds = array<i64: 256, 128>}, {pipeline_mode = #tpu.pipeline_mode<synchronous>, transform_indices = @transform_5, window_bounds = array<i64: 128, 128>}, {pipeline_mode = #tpu.pipeline_mode<synchronous>, transform_indices = @transform_6, window_bounds = array<i64: 128, 128>}, {pipeline_mode = #tpu.pipeline_mode<synchronous>, transform_indices = @transform_7, window_bounds = array<i64: 128, 128>}, {pipeline_mode = #tpu.pipeline_mode<synchronous>, transform_indices = @transform_8, window_bounds = array<i64: 128, 128>}, {pipeline_mode = #tpu.pipeline_mode<synchronous>, transform_indices = @transform_9, window_bounds = array<i64: 128, 128>}, {pipeline_mode = #tpu.pipeline_mode<synchronous>, transform_indices = @transform_10, window_bounds = array<i64: 128, 128>}, {pipeline_mode = #tpu.pipeline_mode<synchronous>, transform_indices = @transform_11, window_bounds = array<i64: 128, 128>}, {pipeline_mode = #tpu.pipeline_mode<synchronous>, transform_indices = @transform_12, window_bounds = array<i64: 128, 128>}, {pipeline_mode = #tpu.pipeline_mode<synchronous>, transform_indices = @transform_13, window_bounds = array<i64: 1, 128>}, {pipeline_mode = #tpu.pipeline_mode<synchronous>, transform_indices = @transform_14, window_bounds = array<i64: 1, 128>}, {transform_indices = @transform_15, window_bounds = array<i64: 256, 128>}, {transform_indices = @transform_16, window_bounds = array<i64: 256, 128>}]} {
    %get3A = arith.constant 0 : index
    %get3A_0 = arith.constant 0 : index
    %get3A_1 = vector.load %arg3[%get3A, %get3A_0] : memref<256x128xf32, #tpu.memory_space<vmem>>, vector<256x128xf32>
    %max3A = arith.constant 1.000000e+00 : f32
    %max3A_2 = vector.broadcast %max3A : f32 to vector<256x128xf32>
    %max3A_3 = arith.maximumf %get3A_1, %max3A_2 : vector<256x128xf32>
    %div3A = arith.constant 1.000000e+00 : f32
    %div3A_4 = vector.broadcast %div3A : f32 to vector<256x128xf32>
    %div3A_5 = arith.divf %div3A_4, %max3A_3 : vector<256x128xf32>
    %get3A_6 = arith.constant 0 : index
    %get3A_7 = arith.constant 0 : index
    %get3A_8 = vector.load %arg1[%get3A_6, %get3A_7] : memref<256x128xf32, #tpu.memory_space<vmem>>, vector<256x128xf32>
    %mul3A = arith.mulf %get3A_8, %div3A_5 : vector<256x128xf32>
    %get3A_9 = arith.constant 0 : index
    %get3A_10 = arith.constant 0 : index
    %get3A_11 = vector.load %arg2[%get3A_9, %get3A_10] : memref<256x128xf32, #tpu.memory_space<vmem>>, vector<256x128xf32>
    %mul3A_12 = arith.mulf %get3A_11, %div3A_5 : vector<256x128xf32>
    %get3A_13 = arith.constant 0 : index
    %get3A_14 = arith.constant 0 : index
    %get3A_15 = vector.load %arg6[%get3A_13, %get3A_14] : memref<128x128xf32, #tpu.memory_space<vmem>>, vector<128x128xf32>
    %dot_general3A = arith.constant dense<0.000000e+00> : vector<256x128xf32>
    %dot_general3A_16 = tpu.matmul %mul3A, %get3A_15, %dot_general3A {dimension_numbers = #tpu.dot_dimension_numbers<[1], [0], [0], [1], [0, 0, 1, 1], [], []>, transpose_lhs_hint = false} : vector<256x128xf32>, vector<128x128xf32>, vector<256x128xf32> -> vector<256x128xf32>
    %get3A_17 = arith.constant 0 : index
    %get3A_18 = arith.constant 0 : index
    %get3A_19 = vector.load %arg7[%get3A_17, %get3A_18] : memref<128x128xf32, #tpu.memory_space<vmem>>, vector<128x128xf32>
    %dot_general3A_20 = arith.constant dense<0.000000e+00> : vector<256x128xf32>
    %dot_general3A_21 = tpu.matmul %mul3A_12, %get3A_19, %dot_general3A_20 {dimension_numbers = #tpu.dot_dimension_numbers<[1], [0], [0], [1], [0, 0, 1, 1], [], []>, transpose_lhs_hint = false} : vector<256x128xf32>, vector<128x128xf32>, vector<256x128xf32> -> vector<256x128xf32>
    %add3A = arith.addf %dot_general3A_16, %dot_general3A_21 : vector<256x128xf32>
    %get3A_22 = arith.constant 0 : index
    %get3A_23 = arith.constant 0 : index
    %get3A_24 = vector.load %arg4[%get3A_22, %get3A_23] : memref<256x128xf32, #tpu.memory_space<vmem>>, vector<256x128xf32>
    %get3A_25 = arith.constant 0 : index
    %get3A_26 = arith.constant 0 : index
    %get3A_27 = vector.load %arg8[%get3A_25, %get3A_26] : memref<128x128xf32, #tpu.memory_space<vmem>>, vector<128x128xf32>
    %dot_general3A_28 = arith.constant dense<0.000000e+00> : vector<256x128xf32>
    %dot_general3A_29 = tpu.matmul %get3A_24, %get3A_27, %dot_general3A_28 {dimension_numbers = #tpu.dot_dimension_numbers<[1], [0], [0], [1], [0, 0, 1, 1], [], []>, transpose_lhs_hint = false} : vector<256x128xf32>, vector<128x128xf32>, vector<256x128xf32> -> vector<256x128xf32>
    %add3A_30 = arith.addf %add3A, %dot_general3A_29 : vector<256x128xf32>
    %get3A_31 = arith.constant 0 : index
    %get3A_32 = arith.constant 0 : index
    %get3A_33 = vector.load %arg5[%get3A_31, %get3A_32] : memref<256x128xf32, #tpu.memory_space<vmem>>, vector<256x128xf32>
    %get3A_34 = arith.constant 0 : index
    %get3A_35 = arith.constant 0 : index
    %get3A_36 = vector.load %arg9[%get3A_34, %get3A_35] : memref<128x128xf32, #tpu.memory_space<vmem>>, vector<128x128xf32>
    %dot_general3A_37 = arith.constant dense<0.000000e+00> : vector<256x128xf32>
    %dot_general3A_38 = tpu.matmul %get3A_33, %get3A_36, %dot_general3A_37 {dimension_numbers = #tpu.dot_dimension_numbers<[1], [0], [0], [1], [0, 0, 1, 1], [], []>, transpose_lhs_hint = false} : vector<256x128xf32>, vector<128x128xf32>, vector<256x128xf32> -> vector<256x128xf32>
    %add3A_39 = arith.addf %add3A_30, %dot_general3A_38 : vector<256x128xf32>
    %get3A_40 = arith.constant 0 : index
    %get3A_41 = arith.constant 0 : index
    %get3A_42 = vector.load %arg14[%get3A_40, %get3A_41] : memref<1x128xf32, #tpu.memory_space<vmem>>, vector<1x128xf32>
    %add3A_43 = vector.broadcast %get3A_42 : vector<1x128xf32> to vector<256x128xf32>
    %add3A_44 = arith.addf %add3A_39, %add3A_43 : vector<256x128xf32>
    %get3A_45 = arith.constant 0 : index
    %get3A_46 = arith.constant 0 : index
    %get3A_47 = vector.load %arg10[%get3A_45, %get3A_46] : memref<128x128xf32, #tpu.memory_space<vmem>>, vector<128x128xf32>
    %dot_general3A_48 = arith.constant dense<0.000000e+00> : vector<256x128xf32>
    %dot_general3A_49 = tpu.matmul %mul3A, %get3A_47, %dot_general3A_48 {dimension_numbers = #tpu.dot_dimension_numbers<[1], [0], [0], [1], [0, 0, 1, 1], [], []>, transpose_lhs_hint = false} : vector<256x128xf32>, vector<128x128xf32>, vector<256x128xf32> -> vector<256x128xf32>
    %get3A_50 = arith.constant 0 : index
    %get3A_51 = arith.constant 0 : index
    %get3A_52 = vector.load %arg11[%get3A_50, %get3A_51] : memref<128x128xf32, #tpu.memory_space<vmem>>, vector<128x128xf32>
    %dot_general3A_53 = arith.constant dense<0.000000e+00> : vector<256x128xf32>
    %dot_general3A_54 = tpu.matmul %mul3A_12, %get3A_52, %dot_general3A_53 {dimension_numbers = #tpu.dot_dimension_numbers<[1], [0], [0], [1], [0, 0, 1, 1], [], []>, transpose_lhs_hint = false} : vector<256x128xf32>, vector<128x128xf32>, vector<256x128xf32> -> vector<256x128xf32>
    %add3A_55 = arith.addf %dot_general3A_49, %dot_general3A_54 : vector<256x128xf32>
    %get3A_56 = arith.constant 0 : index
    %get3A_57 = arith.constant 0 : index
    %get3A_58 = vector.load %arg4[%get3A_56, %get3A_57] : memref<256x128xf32, #tpu.memory_space<vmem>>, vector<256x128xf32>
    %get3A_59 = arith.constant 0 : index
    %get3A_60 = arith.constant 0 : index
    %get3A_61 = vector.load %arg12[%get3A_59, %get3A_60] : memref<128x128xf32, #tpu.memory_space<vmem>>, vector<128x128xf32>
    %dot_general3A_62 = arith.constant dense<0.000000e+00> : vector<256x128xf32>
    %dot_general3A_63 = tpu.matmul %get3A_58, %get3A_61, %dot_general3A_62 {dimension_numbers = #tpu.dot_dimension_numbers<[1], [0], [0], [1], [0, 0, 1, 1], [], []>, transpose_lhs_hint = false} : vector<256x128xf32>, vector<128x128xf32>, vector<256x128xf32> -> vector<256x128xf32>
    %add3A_64 = arith.addf %add3A_55, %dot_general3A_63 : vector<256x128xf32>
    %get3A_65 = arith.constant 0 : index
    %get3A_66 = arith.constant 0 : index
    %get3A_67 = vector.load %arg5[%get3A_65, %get3A_66] : memref<256x128xf32, #tpu.memory_space<vmem>>, vector<256x128xf32>
    %get3A_68 = arith.constant 0 : index
    %get3A_69 = arith.constant 0 : index
    %get3A_70 = vector.load %arg13[%get3A_68, %get3A_69] : memref<128x128xf32, #tpu.memory_space<vmem>>, vector<128x128xf32>
    %dot_general3A_71 = arith.constant dense<0.000000e+00> : vector<256x128xf32>
    %dot_general3A_72 = tpu.matmul %get3A_67, %get3A_70, %dot_general3A_71 {dimension_numbers = #tpu.dot_dimension_numbers<[1], [0], [0], [1], [0, 0, 1, 1], [], []>, transpose_lhs_hint = false} : vector<256x128xf32>, vector<128x128xf32>, vector<256x128xf32> -> vector<256x128xf32>
    %add3A_73 = arith.addf %add3A_64, %dot_general3A_72 : vector<256x128xf32>
    %get3A_74 = arith.constant 0 : index
    %get3A_75 = arith.constant 0 : index
    %get3A_76 = vector.load %arg15[%get3A_74, %get3A_75] : memref<1x128xf32, #tpu.memory_space<vmem>>, vector<1x128xf32>
    %add3A_77 = vector.broadcast %get3A_76 : vector<1x128xf32> to vector<256x128xf32>
    %add3A_78 = arith.addf %add3A_73, %add3A_77 : vector<256x128xf32>
    %max3A_79 = arith.constant 0.000000e+00 : f32
    %max3A_80 = vector.broadcast %max3A_79 : f32 to vector<256x128xf32>
    %max3A_81 = arith.maximumf %add3A_44, %max3A_80 : vector<256x128xf32>
    %max3A_82 = arith.constant 0.000000e+00 : f32
    %max3A_83 = vector.broadcast %max3A_82 : f32 to vector<256x128xf32>
    %max3A_84 = arith.maximumf %add3A_78, %max3A_83 : vector<256x128xf32>
    %swap3A = arith.constant 0 : index
    %swap3A_85 = arith.constant 0 : index
    %swap3A_86 = vector.load %arg16[%swap3A, %swap3A_85] : memref<256x128xf32, #tpu.memory_space<vmem>>, vector<256x128xf32>
    tpu.vector_store %arg16[%swap3A, %swap3A_85], %max3A_81 {strides = array<i32>} : memref<256x128xf32, #tpu.memory_space<vmem>>, vector<256x128xf32>,
    %swap3A_87 = arith.constant 0 : index
    %swap3A_88 = arith.constant 0 : index
    %swap3A_89 = vector.load %arg17[%swap3A_87, %swap3A_88] : memref<256x128xf32, #tpu.memory_space<vmem>>, vector<256x128xf32>
    tpu.vector_store %arg17[%swap3A_87, %swap3A_88], %max3A_84 {strides = array<i32>} : memref<256x128xf32, #tpu.memory_space<vmem>>, vector<256x128xf32>,
    return
  }
  func.func @transform_0(%arg0: i32) -> (i32, i32) {
    %c0_i32 = arith.constant 0 : i32
    %c0_i32_0 = arith.constant 0 : i32
    return %arg0, %c0_i32 : i32, i32
  }
  func.func @transform_1(%arg0: i32) -> (i32, i32) {
    %c0_i32 = arith.constant 0 : i32
    %c0_i32_0 = arith.constant 0 : i32
    return %arg0, %c0_i32 : i32, i32
  }
  func.func @transform_2(%arg0: i32) -> (i32, i32) {
    %c0_i32 = arith.constant 0 : i32
    %c0_i32_0 = arith.constant 0 : i32
    return %arg0, %c0_i32 : i32, i32
  }
  func.func @transform_3(%arg0: i32) -> (i32, i32) {
    %c0_i32 = arith.constant 0 : i32
    %c0_i32_0 = arith.constant 0 : i32
    return %arg0, %c0_i32 : i32, i32
  }
  func.func @transform_4(%arg0: i32) -> (i32, i32) {
    %c0_i32 = arith.constant 0 : i32
    %c0_i32_0 = arith.constant 0 : i32
    return %arg0, %c0_i32 : i32, i32
  }
  func.func @transform_5(%arg0: i32) -> (i32, i32) {
    %c0_i32 = arith.constant 0 : i32
    %c0_i32_0 = arith.constant 0 : i32
    %c0_i32_1 = arith.constant 0 : i32
    return %c0_i32, %c0_i32_0 : i32, i32
  }
  func.func @transform_6(%arg0: i32) -> (i32, i32) {
    %c0_i32 = arith.constant 0 : i32
    %c0_i32_0 = arith.constant 0 : i32
    %c0_i32_1 = arith.constant 0 : i32
    return %c0_i32, %c0_i32_0 : i32, i32
  }
  func.func @transform_7(%arg0: i32) -> (i32, i32) {
    %c0_i32 = arith.constant 0 : i32
    %c0_i32_0 = arith.constant 0 : i32
    %c0_i32_1 = arith.constant 0 : i32
    return %c0_i32, %c0_i32_0 : i32, i32
  }
  func.func @transform_8(%arg0: i32) -> (i32, i32) {
    %c0_i32 = arith.constant 0 : i32
    %c0_i32_0 = arith.constant 0 : i32
    %c0_i32_1 = arith.constant 0 : i32
    return %c0_i32, %c0_i32_0 : i32, i32
  }
  func.func @transform_9(%arg0: i32) -> (i32, i32) {
    %c0_i32 = arith.constant 0 : i32
    %c0_i32_0 = arith.constant 0 : i32
    %c0_i32_1 = arith.constant 0 : i32
    return %c0_i32, %c0_i32_0 : i32, i32
  }
  func.func @transform_10(%arg0: i32) -> (i32, i32) {
    %c0_i32 = arith.constant 0 : i32
    %c0_i32_0 = arith.constant 0 : i32
    %c0_i32_1 = arith.constant 0 : i32
    return %c0_i32, %c0_i32_0 : i32, i32
  }
  func.func @transform_11(%arg0: i32) -> (i32, i32) {
    %c0_i32 = arith.constant 0 : i32
    %c0_i32_0 = arith.constant 0 : i32
    %c0_i32_1 = arith.constant 0 : i32
    return %c0_i32, %c0_i32_0 : i32, i32
  }
  func.func @transform_12(%arg0: i32) -> (i32, i32) {
    %c0_i32 = arith.constant 0 : i32
    %c0_i32_0 = arith.constant 0 : i32
    %c0_i32_1 = arith.constant 0 : i32
    return %c0_i32, %c0_i32_0 : i32, i32
  }
  func.func @transform_13(%arg0: i32) -> (i32, i32) {
    %c0_i32 = arith.constant 0 : i32
    %c0_i32_0 = arith.constant 0 : i32
    %c0_i32_1 = arith.constant 0 : i32
    return %c0_i32, %c0_i32_0 : i32, i32
  }
  func.func @transform_14(%arg0: i32) -> (i32, i32) {
    %c0_i32 = arith.constant 0 : i32
    %c0_i32_0 = arith.constant 0 : i32
    %c0_i32_1 = arith.constant 0 : i32
    return %c0_i32, %c0_i32_0 : i32, i32
  }
  func.func @transform_15(%arg0: i32) -> (i32, i32) {
    %c0_i32 = arith.constant 0 : i32
    %c0_i32_0 = arith.constant 0 : i32
    return %arg0, %c0_i32 : i32, i32
  }
  func.func @transform_16(%arg0: i32) -> (i32, i32) {
    %c0_i32 = arith.constant 0 : i32
    %c0_i32_0 = arith.constant 0 : i32
    return %arg0, %c0_i32 : i32, i32
  }
}

module attributes {stable_mosaic.version = 14 : i64} {
  func.func @body(%arg0: i32, %arg1: memref<256x128xf32, #tpu.memory_space<vmem>>, %arg2: memref<256x128xf32, #tpu.memory_space<vmem>>, %arg3: memref<256x128xf32, #tpu.memory_space<vmem>>, %arg4: memref<256x128xf32, #tpu.memory_space<vmem>>, %arg5: memref<256x128xf32, #tpu.memory_space<vmem>>, %arg6: memref<128x128xf32, #tpu.memory_space<vmem>>, %arg7: memref<128x128xf32, #tpu.memory_space<vmem>>, %arg8: memref<128x128xf32, #tpu.memory_space<vmem>>, %arg9: memref<128x128xf32, #tpu.memory_space<vmem>>, %arg10: memref<128x128xf32, #tpu.memory_space<vmem>>, %arg11: memref<128x128xf32, #tpu.memory_space<vmem>>, %arg12: memref<128x128xf32, #tpu.memory_space<vmem>>, %arg13: memref<128x128xf32, #tpu.memory_space<vmem>>, %arg14: memref<1x128xf32, #tpu.memory_space<vmem>>, %arg15: memref<1x128xf32, #tpu.memory_space<vmem>>, %arg16: memref<256x128xf32, #tpu.memory_space<vmem>>, %arg17: memref<256x128xf32, #tpu.memory_space<vmem>>) attributes {dimension_semantics = [#tpu.dimension_semantics<arbitrary>], iteration_bounds = array<i64: 49>, scalar_prefetch = 0 : i64, scratch_operands = 0 : i64, tpu.core_type = #tpu.core_type<tc>, window_params = [{transform_indices = @transform_0, window_bounds = array<i64: 256, 128>}, {transform_indices = @transform_1, window_bounds = array<i64: 256, 128>}, {transform_indices = @transform_2, window_bounds = array<i64: 256, 128>}, {transform_indices = @transform_3, window_bounds = array<i64: 256, 128>}, {transform_indices = @transform_4, window_bounds = array<i64: 256, 128>}, {pipeline_mode = #tpu.pipeline_mode<synchronous>, transform_indices = @transform_5, window_bounds = array<i64: 128, 128>}, {pipeline_mode = #tpu.pipeline_mode<synchronous>, transform_indices = @transform_6, window_bounds = array<i64: 128, 128>}, {pipeline_mode = #tpu.pipeline_mode<synchronous>, transform_indices = @transform_7, window_bounds = array<i64: 128, 128>}, {pipeline_mode = #tpu.pipeline_mode<synchronous>, transform_indices = @transform_8, window_bounds = array<i64: 128, 128>}, {pipeline_mode = #tpu.pipeline_mode<synchronous>, transform_indices = @transform_9, window_bounds = array<i64: 128, 128>}, {pipeline_mode = #tpu.pipeline_mode<synchronous>, transform_indices = @transform_10, window_bounds = array<i64: 128, 128>}, {pipeline_mode = #tpu.pipeline_mode<synchronous>, transform_indices = @transform_11, window_bounds = array<i64: 128, 128>}, {pipeline_mode = #tpu.pipeline_mode<synchronous>, transform_indices = @transform_12, window_bounds = array<i64: 128, 128>}, {pipeline_mode = #tpu.pipeline_mode<synchronous>, transform_indices = @transform_13, window_bounds = array<i64: 1, 128>}, {pipeline_mode = #tpu.pipeline_mode<synchronous>, transform_indices = @transform_14, window_bounds = array<i64: 1, 128>}, {transform_indices = @transform_15, window_bounds = array<i64: 256, 128>}, {transform_indices = @transform_16, window_bounds = array<i64: 256, 128>}]} {
    %get3A = arith.constant 0 : index
    %get3A_0 = arith.constant 0 : index
    %get3A_1 = vector.load %arg3[%get3A, %get3A_0] : memref<256x128xf32, #tpu.memory_space<vmem>>, vector<256x128xf32>
    %max3A = arith.constant 1.000000e+00 : f32
    %max3A_2 = vector.broadcast %max3A : f32 to vector<256x128xf32>
    %max3A_3 = arith.maximumf %get3A_1, %max3A_2 : vector<256x128xf32>
    %div3A = arith.constant 1.000000e+00 : f32
    %div3A_4 = vector.broadcast %div3A : f32 to vector<256x128xf32>
    %div3A_5 = arith.divf %div3A_4, %max3A_3 : vector<256x128xf32>
    %get3A_6 = arith.constant 0 : index
    %get3A_7 = arith.constant 0 : index
    %get3A_8 = vector.load %arg1[%get3A_6, %get3A_7] : memref<256x128xf32, #tpu.memory_space<vmem>>, vector<256x128xf32>
    %mul3A = arith.mulf %get3A_8, %div3A_5 : vector<256x128xf32>
    %get3A_9 = arith.constant 0 : index
    %get3A_10 = arith.constant 0 : index
    %get3A_11 = vector.load %arg2[%get3A_9, %get3A_10] : memref<256x128xf32, #tpu.memory_space<vmem>>, vector<256x128xf32>
    %mul3A_12 = arith.mulf %get3A_11, %div3A_5 : vector<256x128xf32>
    %get3A_13 = arith.constant 0 : index
    %get3A_14 = arith.constant 0 : index
    %get3A_15 = vector.load %arg6[%get3A_13, %get3A_14] : memref<128x128xf32, #tpu.memory_space<vmem>>, vector<128x128xf32>
    %dot_general3A = arith.constant dense<0.000000e+00> : vector<256x128xf32>
    %dot_general3A_16 = tpu.matmul %mul3A, %get3A_15, %dot_general3A {dimension_numbers = #tpu.dot_dimension_numbers<[1], [0], [0], [1], [0, 0, 1, 1], [], []>, transpose_lhs_hint = false} : vector<256x128xf32>, vector<128x128xf32>, vector<256x128xf32> -> vector<256x128xf32>
    %get3A_17 = arith.constant 0 : index
    %get3A_18 = arith.constant 0 : index
    %get3A_19 = vector.load %arg7[%get3A_17, %get3A_18] : memref<128x128xf32, #tpu.memory_space<vmem>>, vector<128x128xf32>
    %dot_general3A_20 = arith.constant dense<0.000000e+00> : vector<256x128xf32>
    %dot_general3A_21 = tpu.matmul %mul3A_12, %get3A_19, %dot_general3A_20 {dimension_numbers = #tpu.dot_dimension_numbers<[1], [0], [0], [1], [0, 0, 1, 1], [], []>, transpose_lhs_hint = false} : vector<256x128xf32>, vector<128x128xf32>, vector<256x128xf32> -> vector<256x128xf32>
    %add3A = arith.addf %dot_general3A_16, %dot_general3A_21 : vector<256x128xf32>
    %get3A_22 = arith.constant 0 : index
    %get3A_23 = arith.constant 0 : index
    %get3A_24 = vector.load %arg4[%get3A_22, %get3A_23] : memref<256x128xf32, #tpu.memory_space<vmem>>, vector<256x128xf32>
    %get3A_25 = arith.constant 0 : index
    %get3A_26 = arith.constant 0 : index
    %get3A_27 = vector.load %arg8[%get3A_25, %get3A_26] : memref<128x128xf32, #tpu.memory_space<vmem>>, vector<128x128xf32>
    %dot_general3A_28 = arith.constant dense<0.000000e+00> : vector<256x128xf32>
    %dot_general3A_29 = tpu.matmul %get3A_24, %get3A_27, %dot_general3A_28 {dimension_numbers = #tpu.dot_dimension_numbers<[1], [0], [0], [1], [0, 0, 1, 1], [], []>, transpose_lhs_hint = false} : vector<256x128xf32>, vector<128x128xf32>, vector<256x128xf32> -> vector<256x128xf32>
    %add3A_30 = arith.addf %add3A, %dot_general3A_29 : vector<256x128xf32>
    %get3A_31 = arith.constant 0 : index
    %get3A_32 = arith.constant 0 : index
    %get3A_33 = vector.load %arg5[%get3A_31, %get3A_32] : memref<256x128xf32, #tpu.memory_space<vmem>>, vector<256x128xf32>
    %get3A_34 = arith.constant 0 : index
    %get3A_35 = arith.constant 0 : index
    %get3A_36 = vector.load %arg9[%get3A_34, %get3A_35] : memref<128x128xf32, #tpu.memory_space<vmem>>, vector<128x128xf32>
    %dot_general3A_37 = arith.constant dense<0.000000e+00> : vector<256x128xf32>
    %dot_general3A_38 = tpu.matmul %get3A_33, %get3A_36, %dot_general3A_37 {dimension_numbers = #tpu.dot_dimension_numbers<[1], [0], [0], [1], [0, 0, 1, 1], [], []>, transpose_lhs_hint = false} : vector<256x128xf32>, vector<128x128xf32>, vector<256x128xf32> -> vector<256x128xf32>
    %add3A_39 = arith.addf %add3A_30, %dot_general3A_38 : vector<256x128xf32>
    %get3A_40 = arith.constant 0 : index
    %get3A_41 = arith.constant 0 : index
    %get3A_42 = vector.load %arg14[%get3A_40, %get3A_41] : memref<1x128xf32, #tpu.memory_space<vmem>>, vector<1x128xf32>
    %add3A_43 = vector.broadcast %get3A_42 : vector<1x128xf32> to vector<256x128xf32>
    %add3A_44 = arith.addf %add3A_39, %add3A_43 : vector<256x128xf32>
    %get3A_45 = arith.constant 0 : index
    %get3A_46 = arith.constant 0 : index
    %get3A_47 = vector.load %arg10[%get3A_45, %get3A_46] : memref<128x128xf32, #tpu.memory_space<vmem>>, vector<128x128xf32>
    %dot_general3A_48 = arith.constant dense<0.000000e+00> : vector<256x128xf32>
    %dot_general3A_49 = tpu.matmul %mul3A, %get3A_47, %dot_general3A_48 {dimension_numbers = #tpu.dot_dimension_numbers<[1], [0], [0], [1], [0, 0, 1, 1], [], []>, transpose_lhs_hint = false} : vector<256x128xf32>, vector<128x128xf32>, vector<256x128xf32> -> vector<256x128xf32>
    %get3A_50 = arith.constant 0 : index
    %get3A_51 = arith.constant 0 : index
    %get3A_52 = vector.load %arg11[%get3A_50, %get3A_51] : memref<128x128xf32, #tpu.memory_space<vmem>>, vector<128x128xf32>
    %dot_general3A_53 = arith.constant dense<0.000000e+00> : vector<256x128xf32>
    %dot_general3A_54 = tpu.matmul %mul3A_12, %get3A_52, %dot_general3A_53 {dimension_numbers = #tpu.dot_dimension_numbers<[1], [0], [0], [1], [0, 0, 1, 1], [], []>, transpose_lhs_hint = false} : vector<256x128xf32>, vector<128x128xf32>, vector<256x128xf32> -> vector<256x128xf32>
    %add3A_55 = arith.addf %dot_general3A_49, %dot_general3A_54 : vector<256x128xf32>
    %get3A_56 = arith.constant 0 : index
    %get3A_57 = arith.constant 0 : index
    %get3A_58 = vector.load %arg4[%get3A_56, %get3A_57] : memref<256x128xf32, #tpu.memory_space<vmem>>, vector<256x128xf32>
    %get3A_59 = arith.constant 0 : index
    %get3A_60 = arith.constant 0 : index
    %get3A_61 = vector.load %arg12[%get3A_59, %get3A_60] : memref<128x128xf32, #tpu.memory_space<vmem>>, vector<128x128xf32>
    %dot_general3A_62 = arith.constant dense<0.000000e+00> : vector<256x128xf32>
    %dot_general3A_63 = tpu.matmul %get3A_58, %get3A_61, %dot_general3A_62 {dimension_numbers = #tpu.dot_dimension_numbers<[1], [0], [0], [1], [0, 0, 1, 1], [], []>, transpose_lhs_hint = false} : vector<256x128xf32>, vector<128x128xf32>, vector<256x128xf32> -> vector<256x128xf32>
    %add3A_64 = arith.addf %add3A_55, %dot_general3A_63 : vector<256x128xf32>
    %get3A_65 = arith.constant 0 : index
    %get3A_66 = arith.constant 0 : index
    %get3A_67 = vector.load %arg5[%get3A_65, %get3A_66] : memref<256x128xf32, #tpu.memory_space<vmem>>, vector<256x128xf32>
    %get3A_68 = arith.constant 0 : index
    %get3A_69 = arith.constant 0 : index
    %get3A_70 = vector.load %arg13[%get3A_68, %get3A_69] : memref<128x128xf32, #tpu.memory_space<vmem>>, vector<128x128xf32>
    %dot_general3A_71 = arith.constant dense<0.000000e+00> : vector<256x128xf32>
    %dot_general3A_72 = tpu.matmul %get3A_67, %get3A_70, %dot_general3A_71 {dimension_numbers = #tpu.dot_dimension_numbers<[1], [0], [0], [1], [0, 0, 1, 1], [], []>, transpose_lhs_hint = false} : vector<256x128xf32>, vector<128x128xf32>, vector<256x128xf32> -> vector<256x128xf32>
    %add3A_73 = arith.addf %add3A_64, %dot_general3A_72 : vector<256x128xf32>
    %get3A_74 = arith.constant 0 : index
    %get3A_75 = arith.constant 0 : index
    %get3A_76 = vector.load %arg15[%get3A_74, %get3A_75] : memref<1x128xf32, #tpu.memory_space<vmem>>, vector<1x128xf32>
    %add3A_77 = vector.broadcast %get3A_76 : vector<1x128xf32> to vector<256x128xf32>
    %add3A_78 = arith.addf %add3A_73, %add3A_77 : vector<256x128xf32>
    %swap3A = arith.constant 0 : index
    %swap3A_79 = arith.constant 0 : index
    %swap3A_80 = vector.load %arg16[%swap3A, %swap3A_79] : memref<256x128xf32, #tpu.memory_space<vmem>>, vector<256x128xf32>
    tpu.vector_store %arg16[%swap3A, %swap3A_79], %add3A_44 {strides = array<i32>} : memref<256x128xf32, #tpu.memory_space<vmem>>, vector<256x128xf32>,
    %swap3A_81 = arith.constant 0 : index
    %swap3A_82 = arith.constant 0 : index
    %swap3A_83 = vector.load %arg17[%swap3A_81, %swap3A_82] : memref<256x128xf32, #tpu.memory_space<vmem>>, vector<256x128xf32>
    tpu.vector_store %arg17[%swap3A_81, %swap3A_82], %add3A_78 {strides = array<i32>} : memref<256x128xf32, #tpu.memory_space<vmem>>, vector<256x128xf32>,
    return
  }
  func.func @transform_0(%arg0: i32) -> (i32, i32) {
    %c0_i32 = arith.constant 0 : i32
    %c0_i32_0 = arith.constant 0 : i32
    return %arg0, %c0_i32 : i32, i32
  }
  func.func @transform_1(%arg0: i32) -> (i32, i32) {
    %c0_i32 = arith.constant 0 : i32
    %c0_i32_0 = arith.constant 0 : i32
    return %arg0, %c0_i32 : i32, i32
  }
  func.func @transform_2(%arg0: i32) -> (i32, i32) {
    %c0_i32 = arith.constant 0 : i32
    %c0_i32_0 = arith.constant 0 : i32
    return %arg0, %c0_i32 : i32, i32
  }
  func.func @transform_3(%arg0: i32) -> (i32, i32) {
    %c0_i32 = arith.constant 0 : i32
    %c0_i32_0 = arith.constant 0 : i32
    return %arg0, %c0_i32 : i32, i32
  }
  func.func @transform_4(%arg0: i32) -> (i32, i32) {
    %c0_i32 = arith.constant 0 : i32
    %c0_i32_0 = arith.constant 0 : i32
    return %arg0, %c0_i32 : i32, i32
  }
  func.func @transform_5(%arg0: i32) -> (i32, i32) {
    %c0_i32 = arith.constant 0 : i32
    %c0_i32_0 = arith.constant 0 : i32
    %c0_i32_1 = arith.constant 0 : i32
    return %c0_i32, %c0_i32_0 : i32, i32
  }
  func.func @transform_6(%arg0: i32) -> (i32, i32) {
    %c0_i32 = arith.constant 0 : i32
    %c0_i32_0 = arith.constant 0 : i32
    %c0_i32_1 = arith.constant 0 : i32
    return %c0_i32, %c0_i32_0 : i32, i32
  }
  func.func @transform_7(%arg0: i32) -> (i32, i32) {
    %c0_i32 = arith.constant 0 : i32
    %c0_i32_0 = arith.constant 0 : i32
    %c0_i32_1 = arith.constant 0 : i32
    return %c0_i32, %c0_i32_0 : i32, i32
  }
  func.func @transform_8(%arg0: i32) -> (i32, i32) {
    %c0_i32 = arith.constant 0 : i32
    %c0_i32_0 = arith.constant 0 : i32
    %c0_i32_1 = arith.constant 0 : i32
    return %c0_i32, %c0_i32_0 : i32, i32
  }
  func.func @transform_9(%arg0: i32) -> (i32, i32) {
    %c0_i32 = arith.constant 0 : i32
    %c0_i32_0 = arith.constant 0 : i32
    %c0_i32_1 = arith.constant 0 : i32
    return %c0_i32, %c0_i32_0 : i32, i32
  }
  func.func @transform_10(%arg0: i32) -> (i32, i32) {
    %c0_i32 = arith.constant 0 : i32
    %c0_i32_0 = arith.constant 0 : i32
    %c0_i32_1 = arith.constant 0 : i32
    return %c0_i32, %c0_i32_0 : i32, i32
  }
  func.func @transform_11(%arg0: i32) -> (i32, i32) {
    %c0_i32 = arith.constant 0 : i32
    %c0_i32_0 = arith.constant 0 : i32
    %c0_i32_1 = arith.constant 0 : i32
    return %c0_i32, %c0_i32_0 : i32, i32
  }
  func.func @transform_12(%arg0: i32) -> (i32, i32) {
    %c0_i32 = arith.constant 0 : i32
    %c0_i32_0 = arith.constant 0 : i32
    %c0_i32_1 = arith.constant 0 : i32
    return %c0_i32, %c0_i32_0 : i32, i32
  }
  func.func @transform_13(%arg0: i32) -> (i32, i32) {
    %c0_i32 = arith.constant 0 : i32
    %c0_i32_0 = arith.constant 0 : i32
    %c0_i32_1 = arith.constant 0 : i32
    return %c0_i32, %c0_i32_0 : i32, i32
  }
  func.func @transform_14(%arg0: i32) -> (i32, i32) {
    %c0_i32 = arith.constant 0 : i32
    %c0_i32_0 = arith.constant 0 : i32
    %c0_i32_1 = arith.constant 0 : i32
    return %c0_i32, %c0_i32_0 : i32, i32
  }
  func.func @transform_15(%arg0: i32) -> (i32, i32) {
    %c0_i32 = arith.constant 0 : i32
    %c0_i32_0 = arith.constant 0 : i32
    return %arg0, %c0_i32 : i32, i32
  }
  func.func @transform_16(%arg0: i32) -> (i32, i32) {
    %c0_i32 = arith.constant 0 : i32
    %c0_i32_0 = arith.constant 0 : i32
    return %arg0, %c0_i32 : i32, i32
  }
}

</mosaic_0001>

<sc_bundles>
// kernel: kernel.12.cloned.1.call-start
scs
__scs_entry_jumppad:
0x0: {  	(pc) =	sbr.rel $0x88, $3  }
0x1: {  	(tag) =	ssettag $0x0;
	lr =	simm.s32 $0x1  }
0x2: {  	[smem:$0x3F91] =	sst lr;
	_ =	strace $0xD0000000  }
0x3: {  	_ = 	snop  }
0x4: {  	_ = 	snop  }
0x5: {  	_ = 	snop  }
0x6: {  	_ = 	snop  }
0x7: {  	_ = 	snop  }
__scs_overlays_trampoline_lowered:
0x8: {  	[smem:$0x3FA0] =	sst s0  }
0x9: {  	[smem:$0x3FA1] =	sst s1  }
0xa: {  	[smem:$0x3FA2] =	sst s2  }
0xb: {  	[smem:$0x3FA3] =	sst s3  }
0xc: {  	[smem:$0x3FA4] =	sst s4  }
0xd: {  	[smem:$0x3FA5] =	sst s5  }
0xe: {  	[smem:$0x3FA6] =	sst s6  }
0xf: {  	[smem:$0x3FA7] =	sst s7  }
0x10: {  	[smem:$0x3FA8] =	sst s8  }
0x11: {  	[smem:$0x3FA9] =	sst s9;
	s0 =	simm.s32 @!p0 $0x0  }
0x12: {  	s1 =	sld [smem:$0x3F8F];
	s0 =	simm.s32 @p0 $0x1  }
0x13: {  	[smem:$0x3FAA] =	sst s0;
	s0 =	simm.s32 @!p1 $0x0  }
0x14: {  	s2 =	sld [smem:$0x3F8E];
	s0 =	simm.s32 @p1 $0x1  }
0x15: {  	[smem:$0x3FAB] =	sst s0;
	s0 =	simm.s32 @!p2 $0x0  }
0x16: {  	s3 =	sld [smem:$0x3FDB];
	s0 =	simm.s32 @p2 $0x1  }
0x17: {  	s4 =	simm.s32 $0x1BF5;
	[smem:$0x3FAD] =	sst s0  }
0x18: {  	s0 =	sld [smem:$0x3F90];
	_ =	swait.ge [sflag:s4], $0x0  }
0x19: {  	s7 =	sld [smem:$0x3F91]  }
0x1a: {  	s8 =	sadd.s32 $0xFFFFE003, lr  }
0x1b: {  	s9 =	sadd.s32 $0xFFFFFEF7, lr;
	s5 =	simm.s32 $0xFFFFFFFF;
	p2 =	slt.u32 s8, $0xFFFFF086  }
0x1c: {  	p1 =	slt.u32 s9, $0xF7A;
	s5 =	simm.s32 @!p2 $0x0  }
0x1d: {  	s5 =	simm.s32 @p1 $0x1;
	p0 =	seq.s32 s7, s2  }
0x1e: {  	s7 =	smul.u32 @!p0 $0xF7A, s2;
	p2 =	seq.s32 @!p0 s5, $0x0  }
0x1f: {  	s9 =	smul.u32 $0xF7A, s1;
	s8 =	simm.s32 @!p0 $0x1BF5;
	p2 =	por !p2, p0  }
0x20: {  	[sflag:s8] =	ssyncset.s32 @!p0 $0xFFFFF086;
	s6 =	sadd.s32 @!p0 s3, s7;
	s7 =	simm.s32 @!p0 $0x108  }
0x21: {  	s3 =	sadd.s32 s3, s9;
	s6 =	sadd.s32 @!p0 $0x88, s6;
	s7 =	simm.s32 @p2 $0x1082  }
0x22: {  	[simem:s7], [sflag:s8] =	dma.local @!p0 [hbm:s6], $0xF7A  }
0x23: {  	s9 =	sor.u32 $0xD0000000, s2;
	s6 =	simm.s32 $0x108;
	_ =	swait.ge @!p0 [sflag:s8], $0x0  }
0x24: {  	s3 =	sadd.s32 $0x88, s3;
	s6 =	simm.s32 @!p1 $0x1082;
	[sflag:s4] =	ssyncset.s32 $0xFFFFF086  }
0x25: {  	[simem:s6], [sflag:s4] =	dma.local [hbm:s3], $0xF7A  }
0x26: {  	[smem:$0x3F91] =	sst s1;
	(tag) =	ssettag s2;
	_ =	strace s9  }
0x27: {  	s1 =	sld [smem:$0x3FA1]  }
0x28: {  	s2 =	sld [smem:$0x3FA2]  }
0x29: {  	s4 =	sld [smem:$0x3FA4]  }
0x2a: {  	p0 =	seq.s32 s5, $0x0;
	s5 =	sld [smem:$0x3FA5]  }
0x2b: {  	s6 =	sld [smem:$0x3FA6]  }
0x2c: {  	s7 =	sld [smem:$0x3FA7]  }
0x2d: {  	s3 =	simm.s32 $0x108;
	s8 =	sld [smem:$0x3FA8]  }
0x2e: {  	s3 =	simm.s32 @!p0 $0x1082;
	s9 =	sld [smem:$0x3FA9]  }
0x2f: {  	lr =	sadd.s32 s0, s3;
	s0 =	sld [smem:$0x3FA0]  }
0x30: {  	s3 =	sld [smem:$0x3FA3]  }
0x31: {  	[smem:$0x3FAC] =	sst s10  }
0x32: {  	s10 =	sld [smem:$0x3FAA];
	_ =	sdelay $0x3  }
0x33: {  	p0 =	seq.s32 s10, $0x1;
	s10 =	sld [smem:$0x3FAC];
	_ =	sdelay $0x3  }
0x34: {  	[smem:$0x3FAC] =	sst s10  }
0x35: {  	s10 =	sld [smem:$0x3FAB];
	_ =	sdelay $0x3  }
0x36: {  	p1 =	seq.s32 s10, $0x1;
	s10 =	sld [smem:$0x3FAC];
	_ =	sdelay $0x3  }
0x37: {  	[smem:$0x3FAC] =	sst s10  }
0x38: {  	s10 =	sld [smem:$0x3FAD]  }
0x39: {  	_ = 	snop;
	(pc) =	sbr.ind lr, $3  }
0x3a: {  	_ = 	snop  }
0x3b: {  	_ = 	snop  }
0x3c: {  	p2 =	seq.s32 s10, $0x1;
	s10 =	sld [smem:$0x3FAC]  }
0x3d: {  	_ =	shalt  }
0x3e: {  	_ =	shalt  }
0x3f: {  	_ =	shalt  }
0x40: {  	_ =	shalt  }
0x41: {  	_ =	shalt  }
0x42: {  	_ =	shalt  }
0x43: {  	_ =	shalt  }
0x44: {  	_ =	shalt  }
0x45: {  	_ =	shalt  }
0x46: {  	_ =	shalt  }
0x47: {  	_ =	shalt  }
0x48: {  	_ =	shalt  }
0x49: {  	_ =	shalt  }
0x4a: {  	_ =	shalt  }
0x4b: {  	_ =	shalt  }
0x4c: {  	_ =	shalt  }
0x4d: {  	_ =	shalt  }
0x4e: {  	_ =	shalt  }
0x4f: {  	_ =	shalt  }
0x50: {  	_ =	shalt  }
0x51: {  	_ =	shalt  }
0x52: {  	_ =	shalt  }
0x53: {  	_ =	shalt  }
0x54: {  	_ =	shalt  }
0x55: {  	_ =	shalt  }
0x56: {  	_ =	shalt  }
0x57: {  	_ =	shalt  }
0x58: {  	_ =	shalt  }
0x59: {  	_ =	shalt  }
0x5a: {  	_ =	shalt  }
0x5b: {  	_ =	shalt  }
0x5c: {  	_ =	shalt  }
0x5d: {  	_ =	shalt  }
0x5e: {  	_ =	shalt  }
0x5f: {  	_ =	shalt  }
0x60: {  	_ =	shalt  }
0x61: {  	_ =	shalt  }
0x62: {  	_ =	shalt  }
0x63: {  	_ =	shalt  }
0x64: {  	_ =	shalt  }
0x65: {  	_ =	shalt  }
0x66: {  	_ =	shalt  }
0x67: {  	_ =	shalt  }
0x68: {  	_ =	shalt  }
0x69: {  	_ =	shalt  }
0x6a: {  	_ =	shalt  }
0x6b: {  	_ =	shalt  }
0x6c: {  	_ =	shalt  }
0x6d: {  	_ =	shalt  }
0x6e: {  	_ =	shalt  }
0x6f: {  	_ =	shalt  }
0x70: {  	_ =	shalt  }
0x71: {  	_ =	shalt  }
0x72: {  	_ =	shalt  }
0x73: {  	_ =	shalt  }
0x74: {  	_ =	shalt  }
0x75: {  	_ =	shalt  }
0x76: {  	_ =	shalt  }
0x77: {  	_ =	shalt  }
0x78: {  	_ =	shalt  }
0x79: {  	_ =	shalt  }
0x7a: {  	_ =	shalt  }
0x7b: {  	_ =	shalt  }
0x7c: {  	_ =	shalt  }
0x7d: {  	_ =	shalt  }
0x7e: {  	_ =	shalt  }
0x7f: {  	_ =	shalt  }
0x80: {  	_ =	shalt  }
0x81: {  	_ =	shalt  }
0x82: {  	_ =	shalt  }
0x83: {  	_ =	shalt  }
0x84: {  	_ =	shalt  }
0x85: {  	_ =	shalt  }
0x86: {  	_ =	shalt  }
0x87: {  	_ =	shalt  }
.Lfunc_end0:
.L_simem_size_0:
called_computation.1_lowered:
.L_overlay_start_0:
0x88: {  	s2 =	sld [smem:$0x3FD9]  }
0x89: {  	s3 =	sld [smem:$0x3FFE];
	_ =	sdelay $0x1  }
0x8a: {  	s1 =	srdreg.scid  }
0x8b: {  	s0 =	sand.u32 $0x1, s1  }
0x8c: {  	s17 =	sshll.u32 s0, $0xA;
	s2 =	sadd.s32 s3, s2  }
0x8d: {  	s2 =	sadd.s32 s2, s17  }
0x8e: {  	[smem:$0x3FB8] =	sst s2  }
0x8f: {  	_ = 	snop  }
0x90: {  	(tm) =	ssettm $0x1  }
0x91: {  	s18 =	sld [smem:$0x3FFB];
	_ =	sdelay $0x3  }
0x92: {  	_ =	strace s18  }
0x93: {  	s2 =	sld [smem:$0x3FFC];
	_ =	sdelay $0x3  }
0x94: {  	_ =	strace s2  }
0x95: {  	s2 =	sld [smem:$0x3FFD];
	_ =	sdelay $0x3  }
0x96: {  	_ =	strace s2  }
0x97: {  	_ =	strace $0x8FFFFFFF  }
0x98: {  	s19 =	sld [smem:$0x3FDB];
	_ =	sdelay $0x1  }
0x99: {  	s20 =	simm.s32 $_scs_section_size  }
0x9a: {  	s4 =	simm.s32 $_size__tile_overlayer_lowered;
	s5 =	simm.s32 $_tile_overlayer_lowered  }
0x9b: {  	s6 =	simm.s32 $0x1BFF;
	s21 =	sshll.u32 s5, $0x1;
	s3 =	sadd.s32 s20, s19  }
0x9c: {  	s22 =	simm.s32 $0x0;
	s4 =	sshll.u32 s4, $0x1;
	s5 =	sadd.s32 s21, s3  }
0x9d: {  	[timem:s22], [sflag:s6] =	dma.local [hbm:s5], s4  }
0x9e: {  	_ =	swait.ge [sflag:s6], s4  }
0x9f: {  	s4 =	ssub.s32 $0x0, s4;
	[sflag:s6] =	ssyncset.done $0x0  }
0xa0: {  	[sflag:s6] =	ssyncadd.s32 s4;
	_ =	sdelay $0x1  }
0xa1: {  	s23 =	simm.s32 $0x1B8B  }
0xa2: {  	_ =	swait.ge [sflag:s23], $0x1  }
0xa3: {  	[sflag:s23] =	ssyncset.done $0x0  }
0xa4: {  	[sflag:s23] =	ssyncadd.s32 $0xFFFFFFFF  }
0xa5: {  	s4 =	sld [smem:$0x0]  }
0xa6: {  	s5 =	sand.u32 $0xFFFFFFFE, s1  }
0xa7: {  	p0 =	sne.s32 s1, s5  }
0xa8: {  	s5 =	sshll.u32 @p0 s5, $0xE  }
0xa9: {  	s5 =	sadd.s32 @p0 $0x11B8D, s5;
	s6 =	sshll.u32 @p0 s4, $0x11  }
0xaa: {  	s5 =	sor.u32 @p0 s6, s5  }
0xab: {  	[sflag:s5] =	ssyncadd.remote.s32 @p0 $0x1;
	_ =	sdelay $0x1  }
0xac: {  	s5 =	simm.s32 @p0 $0x1B8D  }
0xad: {  	_ =	swait.eq @p0 [sflag:s5], $0x1  }
0xae: {  	[sflag:s5] =	ssyncadd.s32 @p0 $0xFFFFFFFF  }
0xaf: {  	s6 =	sshll.u32 @!p0 s1, $0xE  }
0xb0: {  	s6 =	sor.u32 @!p0 $0x4000, s6;
	s5 =	simm.s32 @!p0 $0x1B8D  }
0xb1: {  	s4 =	sshll.u32 @!p0 s4, $0x11;
	s6 =	sadd.s32 @!p0 $0x11B8D, s6;
	_ =	swait.eq @!p0 [sflag:s5], $0x1  }
0xb2: {  	s4 =	sor.u32 @!p0 s4, s6;
	[sflag:s5] =	ssyncadd.s32 @!p0 $0xFFFFFFFF  }
0xb3: {  	s25 =	simm.s32 $0x1B8E;
	s24 =	sld [smem:$0x3FFE];
	[sflag:s4] =	ssyncadd.remote.s32 @!p0 $0x1  }
0xb4: {  	s26 =	simm.s32 $execute0_lowered;
	[smem:$0x3FD2] =	sst s25  }
0xb5: {  	s5 =	sshll.u32 s26, $0x1;
	_ =	strace $0x80000049;
	[dreg:$0x1] =	wrdreg $0xFFFFFFFF  }
0xb6: {  	s28 =	simm.s32 $_size_execute0_lowered;
	s3 =	sadd.s32 s3, s5;
	[dreg:$0x0] =	wrdreg $0x0  }
0xb7: {  	s5 =	sshll.u32 s28, $0x1;
	[dreg:$0x2] =	wrdreg s3  }
0xb8: {  	[dreg:$0x3] =	wrdreg s5  }
0xb9: {  	[dreg:$0x4] =	wrdreg $0xC0  }
0xba: {  	_ =	task [dreg:s22], $0x5FFFF  }
0xbb: {  	[dreg:$0x1] =	wrdreg $0xFFFFFFFF  }
0xbc: {  	[dreg:$0x0] =	wrdreg $0x60  }
0xbd: {  	[dreg:$0x2] =	wrdreg s24  }
0xbe: {  	[dreg:$0x3] =	wrdreg $0x0  }
0xbf: {  	[dreg:$0x4] =	wrdreg $0xA  }
0xc0: {  	_ =	task.clear_ibuf [dreg:s22], $0x5FFFF;
	_ =	strace $0x90000049  }
0xc1: {  	s29 =	simm.s32 $0xA;
	_ =	strace $0x8000004B  }
0xc2: {  	_ =	swait.ge [sflag:s29], $0x1  }
0xc3: {  	[sflag:s29] =	ssyncadd.s32 $0xFFFFFFFF  }
0xc4: {  	_ =	strace $0x9000004B  }
0xc5: {  	_ =	sfence  }
0xc6: {  	s30 =	sld [smem:$0x0];
	_ =	sdelay $0x2  }
0xc7: {  	s31 =	sshll.u32 s1, $0xD;
	s1 =	sshrl.u32 s1, $0x2  }
0xc8: {  	s4 =	sand.u32 $0x4000, s31;
	s1 =	sadd.s32 s1, s30  }
0xc9: {  	s0 =	sor.u32 s4, s0;
	s1 =	sshll.u32 s1, $0x11  }
0xca: {  	s0 =	sor.u32 s1, s0  }
0xcb: {  	s0 =	sadd.s32 $0x8F2B, s0  }
0xcc: {  	[sflag:s0] =	ssyncadd.remote.s32 $0x1  }
0xcd: {  	_ =	sfence.sel $0xFFFF  }
0xce: {  	[dreg:$0x0] =	wrdreg $0xFFFFFFFF;
	(pc) =	sbr.abs _section_cstart, $3  }
0xcf: {  	[dreg:$0x1] =	wrdreg $0xFFFFFFFF  }
0xd0: {  	_ =	task.clear_ibuf [dreg:s22], $0x2FFFF;
	_ =	strace $0x9FFFFFFF  }
0xd1: {  	(tm) =	ssettm $0x7FFFFFFF  }
tec
execute0_lowered:
.L_overlay_start_1:
0x0: {  	(tag) =	ssettag $0x1  }
0x1: {  	s0 =	rddreg [dreg:$0x0]  }
0x2: {  	s1 =	rddreg [dreg:$0x1]  }
0x3: {  	s2 =	simm.s32 $0x0;
	s3 =	srdreg.scid;
	s12 =	stileid.u32  }
0x4: {  	s29 =	simm.s32 $0x18800;
	s31 =	simm.s32 $0x1;
	s30 =	simm.s32 $0x2  }
0x5: {  	s28 =	simm.s32 $0x0;
	[smem:$0x7FF] =	sst s2;
	s4 =	sadd.s32 $0x3000, s0  }
0x6: {  	s7 =	sadd.s32 $0x65000, s0;
	s3 =	sand.u32 $0x1, s3;
	s8 =	smul.u32 $0x62000, s12  }
0x7: {  	s5 =	sadd.s32 $0x96000, s0;
	s9 =	sadd.s32 $0xC7000, s0;
	s11 =	smul.u32 $0x3100, s12  }
0x8: {  	s0 =	sadd.s32 $0xF8000, s0;
	_ =	strace $0x8000004A;
	s6 =	ssub.s32 $0x2, s3  }
0x9: {  	p0 =	seq.s32 s3, $0x0;
	s3 =	simm.s32 $0x3;
	s10 =	sshrl.u32 s6, $0x1  }
0xa: {  	s8 =	sshrl.u32 s8, $0x2;
	s11 =	sadd.s32 s4, s11;
	s5 =	smov.u32 @p0 s7  }
0xb: {  	s0 =	smov.u32 @p0 s9;
	s10 =	ssub.s32 s6, s10;
	s6 =	sadd.s32 s8, s1  }
0xc: {  	s8 =	smul.u32 $0x18800, s12;
	[dreg:$0x3] =	wrdreg s11;
	s11 =	sadd.s32 $0x40, s11  }
0xd: {  	s13 =	sadd.s32 $0x18000, s6;
	[dreg:$0x5] =	wrdreg s11;
	s10 =	smax.u32 s10, $0x1  }
0xe: {  	s23 =	sadd.s32 $0x2000, s6;
	s24 =	sadd.s32 $0x4000, s6;
	s26 =	sadd.s32 $0x6000, s6  }
0xf: {  	s15 =	sadd.s32 $0x8000, s6;
	s16 =	sadd.s32 $0xA000, s6;
	s17 =	sadd.s32 $0xC000, s6  }
0x10: {  	s18 =	sadd.s32 $0xE000, s6;
	s19 =	sadd.s32 $0x10000, s6;
	[dreg:$0x4] =	wrdreg s13  }
.Ltmp0:
0x11: {  	s20 =	sadd.s32 $0x12000, s6;
	[dreg:$0x6] =	wrdreg s10;
	(pc) =	sbr.rel .LBB2_1-.Ltmp0, $4  }
0x12: {  	s21 =	sadd.s32 $0x14000, s6;
	s22 =	sadd.s32 $0x16000, s6;
	[dreg:$0x7] =	wrdreg s23  }
0x13: {  	s14 =	sshrl.u32 s8, $0x3;
	s25 =	sadd.s32 s8, s1;
	[dreg:$0x8] =	wrdreg s24  }
0x14: {  	[dreg:$0x9] =	wrdreg s26;
	s24 =	simm.s32 $0x19000;
	s26 =	simm.s32 $0x4  }
0x15: {  	v0 =	vimm.f32 $0.0e+00;
	s23 =	sadd.s32 s0, s14;
	s25 =	sshrl.u32 s25, $0x3;
	s0 =	simm.s32 $0x80  }
.LBB2_9:
0x16: {  	_ =	swait.ge [sflag:s3], $0x2000  }
0x17: {  	s7 =	stileid.u32;
	[sflag:s3] =	ssyncset.done $0x0  }
0x18: {  	s7 =	sshll.u32 s7, $0x6;
	[sflag:s3] =	ssyncadd.s32 $0xFFFFE000  }
0x19: {  	s7 =	sor.u32 $0x1C04, s7;
	[bflag:$0x0] =	sbarrier.arrive $0xFFFF  }
0x1a: {  	[hbm:s23], [sflag:s7] =	dma.local [spmem:s25], $0x3100  }
0x1b: {  	_ =	swait.ge [sflag:s26], $0x3100  }
0x1c: {  	s28 =	sadd.s32 $0x1, s28;
	s14 =	rddreg [dreg:$0x6]  }
0x1d: {  	p0 =	sne.s32 s28, s14  }
.Ltmp1:
0x1e: {  	_ = 	snop;
	(pc) =	sbr.rel @!p0 .LBB2_10-.Ltmp1, $3  }
0x1f: {  	_ =	sdelay $0x1  }
0x20: {  	[sflag:s26] =	ssyncset.done $0x0  }
0x21: {  	[sflag:s26] =	ssyncadd.s32 $0xFFFFCF00  }
.LBB2_1:
0x22: {  	s9 =	simm.s32 $0x80;
	s7 =	simm.s32 $0x0  }
.LBB2_2:
0x23: {  	p0 =	sne.s32 s9, $0x7F80;
	[tilespmem:s7+$0x1B010] =	vst v0;
	s10 =	smov.u32 s9;
	s9 =	sadd.s32 $0x80, s9  }
.Ltmp2:
0x24: {  	[tilespmem:s7+$0x1B000] =	vst v0;
	(pc) =	sbr.rel @p0 .LBB2_2-.Ltmp2, $3  }
0x25: {  	[tilespmem:s7+$0x19000] =	vst v0  }
0x26: {  	[tilespmem:s7+$0x19010] =	vst v0;
	_ =	sdelay $0x1  }
0x27: {  	s7 =	sshra.s32 s10, $0x2  }
0x28: {  	[tilespmem:s7+$0x1B010] =	vst v0  }
0x29: {  	[tilespmem:s7+$0x1B000] =	vst v0  }
0x2a: {  	[tilespmem:s7+$0x19000] =	vst v0  }
0x2b: {  	[tilespmem:s7+$0x19010] =	vst v0  }
0x2c: {  	[spmem:s6] =	stream.linear.scatter [tilespmem:s24], [sflag:$0x4], $0x2000, $0x38;
	[tilespmem:$0x1D000] =	vst v63  }
0x2d: {  	_ =	swait.ge [sflag:s26], $0x2000  }
0x2e: {  	[sflag:s26] =	ssyncset.done $0x0  }
0x2f: {  	s13 =	rddreg [dreg:$0x7];
	[sflag:s26] =	ssyncadd.s32 $0xFFFFE000  }
0x30: {  	[spmem:s13] =	stream.linear.scatter [tilespmem:s24], [sflag:$0x4], $0x2000, $0x38;
	[tilespmem:$0x1D000] =	vst v63  }
0x31: {  	_ =	swait.ge [sflag:s26], $0x2000  }
0x32: {  	[sflag:s26] =	ssyncset.done $0x0  }
0x33: {  	s14 =	rddreg [dreg:$0x8];
	[sflag:s26] =	ssyncadd.s32 $0xFFFFE000  }
0x34: {  	[spmem:s14] =	stream.linear.scatter [tilespmem:s24], [sflag:$0x4], $0x2000, $0x38;
	[tilespmem:$0x1D000] =	vst v63  }
0x35: {  	_ =	swait.ge [sflag:s26], $0x2000  }
0x36: {  	[sflag:s26] =	ssyncset.done $0x0  }
0x37: {  	s9 =	rddreg [dreg:$0x9];
	[sflag:s26] =	ssyncadd.s32 $0xFFFFE000  }
0x38: {  	[spmem:s9] =	stream.linear.scatter [tilespmem:s24], [sflag:$0x4], $0x2000, $0x38;
	[tilespmem:$0x1D000] =	vst v63  }
0x39: {  	_ =	swait.ge [sflag:s26], $0x2000  }
0x3a: {  	[sflag:s26] =	ssyncset.done $0x0  }
0x3b: {  	[sflag:s26] =	ssyncadd.s32 $0xFFFFE000  }
0x3c: {  	[spmem:s15] =	stream.linear.scatter [tilespmem:s24], [sflag:$0x4], $0x2000, $0x38;
	[tilespmem:$0x1D000] =	vst v63  }
0x3d: {  	_ =	swait.ge [sflag:s26], $0x2000  }
0x3e: {  	[sflag:s26] =	ssyncset.done $0x0  }
0x3f: {  	[sflag:s26] =	ssyncadd.s32 $0xFFFFE000  }
0x40: {  	[spmem:s16] =	stream.linear.scatter [tilespmem:s24], [sflag:$0x4], $0x2000, $0x38;
	[tilespmem:$0x1D000] =	vst v63  }
0x41: {  	_ =	swait.ge [sflag:s26], $0x2000  }
0x42: {  	[sflag:s26] =	ssyncset.done $0x0  }
0x43: {  	[sflag:s26] =	ssyncadd.s32 $0xFFFFE000  }
0x44: {  	[spmem:s17] =	stream.linear.scatter [tilespmem:s24], [sflag:$0x4], $0x2000, $0x38;
	[tilespmem:$0x1D000] =	vst v63  }
0x45: {  	_ =	swait.ge [sflag:s26], $0x2000  }
0x46: {  	[sflag:s26] =	ssyncset.done $0x0  }
0x47: {  	[sflag:s26] =	ssyncadd.s32 $0xFFFFE000  }
0x48: {  	[spmem:s18] =	stream.linear.scatter [tilespmem:s24], [sflag:$0x4], $0x2000, $0x38;
	[tilespmem:$0x1D000] =	vst v63  }
0x49: {  	_ =	swait.ge [sflag:s26], $0x2000  }
0x4a: {  	[sflag:s26] =	ssyncset.done $0x0  }
0x4b: {  	[sflag:s26] =	ssyncadd.s32 $0xFFFFE000  }
0x4c: {  	[spmem:s19] =	stream.linear.scatter [tilespmem:s24], [sflag:$0x4], $0x2000, $0x38;
	[tilespmem:$0x1D000] =	vst v63  }
0x4d: {  	_ =	swait.ge [sflag:s26], $0x2000  }
0x4e: {  	[sflag:s26] =	ssyncset.done $0x0  }
0x4f: {  	[sflag:s26] =	ssyncadd.s32 $0xFFFFE000  }
0x50: {  	[spmem:s20] =	stream.linear.scatter [tilespmem:s24], [sflag:$0x4], $0x2000, $0x38;
	[tilespmem:$0x1D000] =	vst v63  }
0x51: {  	_ =	swait.ge [sflag:s26], $0x2000  }
0x52: {  	[sflag:s26] =	ssyncset.done $0x0  }
0x53: {  	[sflag:s26] =	ssyncadd.s32 $0xFFFFE000  }
0x54: {  	[spmem:s21] =	stream.linear.scatter [tilespmem:s24], [sflag:$0x4], $0x2000, $0x38;
	[tilespmem:$0x1D000] =	vst v63  }
0x55: {  	_ =	swait.ge [sflag:s26], $0x2000  }
0x56: {  	[sflag:s26] =	ssyncset.done $0x0  }
0x57: {  	[sflag:s26] =	ssyncadd.s32 $0xFFFFE000  }
0x58: {  	[spmem:s22] =	stream.linear.scatter [tilespmem:s24], [sflag:$0x4], $0x2000, $0x38;
	[tilespmem:$0x1D000] =	vst v63  }
0x59: {  	_ =	swait.ge [sflag:s26], $0x2000  }
0x5a: {  	[sflag:s26] =	ssyncset.done $0x0  }
0x5b: {  	s9 =	simm.s32 $0x1B000;
	s10 =	rddreg [dreg:$0x4];
	[sflag:s26] =	ssyncadd.s32 $0xFFFFE000  }
0x5c: {  	[spmem:s10] =	stream.linear.scatter [tilespmem:s9], [sflag:$0x4], $0x800, $0x38;
	[tilespmem:$0x1D000] =	vst v63  }
0x5d: {  	_ =	swait.ge [sflag:s26], $0x800  }
0x5e: {  	[sflag:s26] =	ssyncset.done $0x0  }
0x5f: {  	[sflag:s26] =	ssyncadd.s32 $0xFFFFF800  }
0x60: {  	[bflag:$0x0] =	sbarrier.arrive $0xFFFF  }
0x61: {  	s9 =	simm.s32 $0x0;
	s11 =	rddreg [dreg:$0x3]  }
0x62: {  	[tilespmem:s29], [sflag:$0x1] =	stream.linear.gather [hbm4b:s11+s9], $0x200, $0x38;
	[tilespmem:$0x1D000] =	vst v63  }
0x63: {  	s10 =	simm.s32 $0x18A00;
	s12 =	rddreg [dreg:$0x5]  }
0x64: {  	[tilespmem:s10], [sflag:$0x1] =	stream.linear.gather [hbm4b:s12+s9], $0x200, $0x38;
	[tilespmem:$0x1D000] =	vst v63  }
0x65: {  	_ =	swait.ge [sflag:s31], $0x200  }
.Ltmp3:
0x66: {  	[sflag:s31] =	ssyncset.done $0x0;
	(pc) =	sbr.rel .LBB2_4-.Ltmp3, $4  }
0x67: {  	[sflag:s31] =	ssyncadd.s32 $0xFFFFFE00  }
0x68: {  	[tilespmem:s24], [sflag:$0x2] =	stream.indirect.gather [hbm4b:s5+s0], $0x20, s29, s0, $0xb8;
	[tilespmem:$0x1D000] =	vst v63  }
0x69: {  	s13 =	simm.s32 $0x18900;
	s14 =	simm.s32 $0x1A000  }
0x6a: {  	[tilespmem:s14], [sflag:$0x2] =	stream.indirect.gather [hbm4b:s5+s0], $0x20, s13, s0, $0xb8;
	[tilespmem:$0x1D000] =	vst v63  }
.LBB2_5:
0x6b: {  	s7 =	sadd.s32 $0x400, s10  }
0x6c: {  	s11 =	sadd.s32 s8, s7  }
0x6d: {  	s7 =	sand.u32 $0x600, s7;
	s11 =	sshrl.u32 s11, $0x3  }
0x6e: {  	s7 =	sor.u32 $0x18800, s7;
	s11 =	sadd.s32 s4, s11  }
0x6f: {  	[tilespmem:s7], [sflag:$0x1] =	stream.linear.gather [hbm4b:s11+s2], $0x200, $0x38;
	[tilespmem:$0x1D000] =	vst v63  }
.LBB2_7:
0x70: {  	s7 =	sadd.s32 $0x1, s9  }
0x71: {  	_ =	swait.ge [sflag:s31], $0x200;
	s11 =	sshll.u32 s7, $0xD;
	s12 =	sshll.u32 s7, $0x9  }
0x72: {  	[sflag:s31] =	ssyncset.done $0x0;
	s11 =	sand.u32 $0x2000, s11;
	s12 =	sand.u32 $0x600, s12  }
0x73: {  	[sflag:s31] =	ssyncadd.s32 $0xFFFFFE00;
	s13 =	sor.u32 $0x19000, s11;
	s14 =	sor.u32 $0x18800, s12  }
0x74: {  	[tilespmem:s13], [sflag:$0x2] =	stream.indirect.gather [hbm4b:s5+s0], $0x20, s14, s0, $0xb8;
	[tilespmem:$0x1D000] =	vst v63  }
0x75: {  	s11 =	sadd.s32 $0x1A000, s11;
	s12 =	sor.u32 $0x18900, s12  }
0x76: {  	[tilespmem:s11], [sflag:$0x2] =	stream.indirect.gather [hbm4b:s5+s0], $0x20, s12, s0, $0xb8;
	[tilespmem:$0x1D000] =	vst v63  }
.LBB2_8:
0x77: {  	s9 =	sshll.u32 s9, $0xD  }
0x78: {  	s10 =	sand.u32 $0x600, s10;
	p0 =	slt.u32 s7, $0xC4;
	s9 =	sand.u32 $0x2000, s9  }
.Ltmp4:
0x79: {  	s12 =	sor.u32 $0x18880, s10;
	s11 =	sor.u32 $0x19000, s9;
	(pc) =	sbr.rel @!p0 .LBB2_9-.Ltmp4, $4  }
0x7a: {  	[spmem:s1] =	stream.indirect.scatter.add.f32 [tilespmem:s11], [sflag:$0x3], $0x20, s12, s0, $0xb8;
	[tilespmem:$0x1D000] =	vst v63  }
0x7b: {  	s10 =	sor.u32 $0x18980, s10;
	s9 =	sadd.s32 $0x1A000, s9  }
0x7c: {  	[spmem:s1] =	stream.indirect.scatter.add.f32 [tilespmem:s9], [sflag:$0x3], $0x20, s10, s0, $0xb8;
	[tilespmem:$0x1D000] =	vst v63  }
0x7d: {  	s9 =	smov.u32 s7  }
.LBB2_4:
0x7e: {  	p0 =	seq.s32 s9, $0x0  }
0x7f: {  	p1 =	sgt.u32 @!p0 s9, $0xC1  }
0x80: {  	_ =	swait.ge [sflag:s30], $0x2000;
	p1 =	por p0, !p1  }
.Ltmp5:
0x81: {  	[sflag:s30] =	ssyncset.done $0x0;
	(pc) =	sbr.rel @p1 .LBB2_5-.Ltmp5, $4  }
0x82: {  	s7 =	simm.s32 @!p0 $0x3;
	[sflag:s30] =	ssyncadd.s32 $0xFFFFE000  }
0x83: {  	_ =	swait.ge @!p0 [sflag:s7], $0x2000  }
0x84: {  	[sflag:s7] =	ssyncset.done @!p0 $0x0  }
0x85: {  	s10 =	sshll.u32 s9, $0x9;
	[sflag:s7] =	ssyncadd.s32 @!p0 $0xFFFFE000  }
0x86: {  	p0 =	seq.s32 s9, $0xC3  }
.Ltmp6:
0x87: {  	_ = 	snop;
	(pc) =	sbr.rel @p0 .LBB2_8-.Ltmp6, $4  }
.Ltmp7:
0x88: {  	_ = 	snop;
	(pc) =	sbr.rel @!p0 .LBB2_7-.Ltmp7, $4  }
0x89: {  	_ = 	snop  }
0x8a: {  	_ = 	snop  }
0x8b: {  	s7 =	simm.s32 $0xC4  }
0x8c: {  	_ = 	snop  }
.LBB2_10:
0x8d: {  	_ =	sfence.sel $0x180000  }
0x8e: {  	[bflag:$0x0] =	sbarrier.arrive $0xFFFF  }
0x8f: {  	_ =	strace $0x9000004A  }
0x90: {  	s0 =	stileid.u32;
	[bflag:$0x2] =	sbarrier.arrive $0xFFFF  }
0x91: {  	p0 =	sne.s32 s0, $0x0;
	s0 =	rddreg [dreg:$0x2]  }
0x92: {  	s0 =	sadd.s32 @!p0 $0x100000, s0  }
0x93: {  	[sflag:s0] =	ssyncadd.tile.s32 @!p0 $0x1;
	_ =	shalt  }
.Lfunc_end2:
_tile_overlayer_lowered:
.L_overlay_start_2:
0x94: {  	(tag) =	ssettag $0x2  }
0x95: {  	s0 =	rddreg [dreg:$0x0];
	s2 =	stileid.u32  }
0x96: {  	s1 =	rddreg [dreg:$0x1];
	p0 =	sne.s32 s2, $0x0  }
0x97: {  	s3 =	rddreg [dreg:$0x2];
	[bflag:$0x3] =	sbarrier.arrive $0xFFFF;
	s2 =	simm.s32 @!p0 $0x1C04  }
0x98: {  	[timem:s3], [sflag:s2] =	dma.local @!p0 [hbm:s0], s1  }
0x99: {  	s0 =	simm.s32 @!p0 $0x4  }
0x9a: {  	_ =	swait.ge @!p0 [sflag:s0], s1  }
0x9b: {  	s1 =	ssub.s32 @!p0 $0x0, s1;
	[sflag:s0] =	ssyncset.done @!p0 $0x0  }
0x9c: {  	[sflag:s0] =	ssyncadd.s32 @!p0 s1  }
0x9d: {  	[bflag:$0x3] =	sbarrier.arrive $0xFFFF  }
0x9e: {  	_ =	shalt  }

// kernel: kernel.15.cloned.1.call-start
scs
__scs_entry_jumppad:
0x0: {  	(pc) =	sbr.rel $0x88, $3  }
0x1: {  	(tag) =	ssettag $0x0;
	lr =	simm.s32 $0x1  }
0x2: {  	[smem:$0x3F91] =	sst lr;
	_ =	strace $0xD0000000  }
0x3: {  	_ = 	snop  }
0x4: {  	_ = 	snop  }
0x5: {  	_ = 	snop  }
0x6: {  	_ = 	snop  }
0x7: {  	_ = 	snop  }
__scs_overlays_trampoline_lowered:
0x8: {  	[smem:$0x3FA0] =	sst s0  }
0x9: {  	[smem:$0x3FA1] =	sst s1  }
0xa: {  	[smem:$0x3FA2] =	sst s2  }
0xb: {  	[smem:$0x3FA3] =	sst s3  }
0xc: {  	[smem:$0x3FA4] =	sst s4  }
0xd: {  	[smem:$0x3FA5] =	sst s5  }
0xe: {  	[smem:$0x3FA6] =	sst s6  }
0xf: {  	[smem:$0x3FA7] =	sst s7  }
0x10: {  	[smem:$0x3FA8] =	sst s8  }
0x11: {  	[smem:$0x3FA9] =	sst s9;
	s0 =	simm.s32 @!p0 $0x0  }
0x12: {  	s1 =	sld [smem:$0x3F8F];
	s0 =	simm.s32 @p0 $0x1  }
0x13: {  	[smem:$0x3FAA] =	sst s0;
	s0 =	simm.s32 @!p1 $0x0  }
0x14: {  	s2 =	sld [smem:$0x3F8E];
	s0 =	simm.s32 @p1 $0x1  }
0x15: {  	[smem:$0x3FAB] =	sst s0;
	s0 =	simm.s32 @!p2 $0x0  }
0x16: {  	s3 =	sld [smem:$0x3FDB];
	s0 =	simm.s32 @p2 $0x1  }
0x17: {  	s4 =	simm.s32 $0x1BF5;
	[smem:$0x3FAD] =	sst s0  }
0x18: {  	s0 =	sld [smem:$0x3F90];
	_ =	swait.ge [sflag:s4], $0x0  }
0x19: {  	s7 =	sld [smem:$0x3F91]  }
0x1a: {  	s8 =	sadd.s32 $0xFFFFE003, lr  }
0x1b: {  	s9 =	sadd.s32 $0xFFFFFEF7, lr;
	s5 =	simm.s32 $0xFFFFFFFF;
	p2 =	slt.u32 s8, $0xFFFFF086  }
0x1c: {  	p1 =	slt.u32 s9, $0xF7A;
	s5 =	simm.s32 @!p2 $0x0  }
0x1d: {  	s5 =	simm.s32 @p1 $0x1;
	p0 =	seq.s32 s7, s2  }
0x1e: {  	s7 =	smul.u32 @!p0 $0xF7A, s2;
	p2 =	seq.s32 @!p0 s5, $0x0  }
0x1f: {  	s9 =	smul.u32 $0xF7A, s1;
	s8 =	simm.s32 @!p0 $0x1BF5;
	p2 =	por !p2, p0  }
0x20: {  	[sflag:s8] =	ssyncset.s32 @!p0 $0xFFFFF086;
	s6 =	sadd.s32 @!p0 s3, s7;
	s7 =	simm.s32 @!p0 $0x108  }
0x21: {  	s3 =	sadd.s32 s3, s9;
	s6 =	sadd.s32 @!p0 $0x88, s6;
	s7 =	simm.s32 @p2 $0x1082  }
0x22: {  	[simem:s7], [sflag:s8] =	dma.local @!p0 [hbm:s6], $0xF7A  }
0x23: {  	s9 =	sor.u32 $0xD0000000, s2;
	s6 =	simm.s32 $0x108;
	_ =	swait.ge @!p0 [sflag:s8], $0x0  }
0x24: {  	s3 =	sadd.s32 $0x88, s3;
	s6 =	simm.s32 @!p1 $0x1082;
	[sflag:s4] =	ssyncset.s32 $0xFFFFF086  }
0x25: {  	[simem:s6], [sflag:s4] =	dma.local [hbm:s3], $0xF7A  }
0x26: {  	[smem:$0x3F91] =	sst s1;
	(tag) =	ssettag s2;
	_ =	strace s9  }
0x27: {  	s1 =	sld [smem:$0x3FA1]  }
0x28: {  	s2 =	sld [smem:$0x3FA2]  }
0x29: {  	s4 =	sld [smem:$0x3FA4]  }
0x2a: {  	p0 =	seq.s32 s5, $0x0;
	s5 =	sld [smem:$0x3FA5]  }
0x2b: {  	s6 =	sld [smem:$0x3FA6]  }
0x2c: {  	s7 =	sld [smem:$0x3FA7]  }
0x2d: {  	s3 =	simm.s32 $0x108;
	s8 =	sld [smem:$0x3FA8]  }
0x2e: {  	s3 =	simm.s32 @!p0 $0x1082;
	s9 =	sld [smem:$0x3FA9]  }
0x2f: {  	lr =	sadd.s32 s0, s3;
	s0 =	sld [smem:$0x3FA0]  }
0x30: {  	s3 =	sld [smem:$0x3FA3]  }
0x31: {  	[smem:$0x3FAC] =	sst s10  }
0x32: {  	s10 =	sld [smem:$0x3FAA];
	_ =	sdelay $0x3  }
0x33: {  	p0 =	seq.s32 s10, $0x1;
	s10 =	sld [smem:$0x3FAC];
	_ =	sdelay $0x3  }
0x34: {  	[smem:$0x3FAC] =	sst s10  }
0x35: {  	s10 =	sld [smem:$0x3FAB];
	_ =	sdelay $0x3  }
0x36: {  	p1 =	seq.s32 s10, $0x1;
	s10 =	sld [smem:$0x3FAC];
	_ =	sdelay $0x3  }
0x37: {  	[smem:$0x3FAC] =	sst s10  }
0x38: {  	s10 =	sld [smem:$0x3FAD]  }
0x39: {  	_ = 	snop;
	(pc) =	sbr.ind lr, $3  }
0x3a: {  	_ = 	snop  }
0x3b: {  	_ = 	snop  }
0x3c: {  	p2 =	seq.s32 s10, $0x1;
	s10 =	sld [smem:$0x3FAC]  }
0x3d: {  	_ =	shalt  }
0x3e: {  	_ =	shalt  }
0x3f: {  	_ =	shalt  }
0x40: {  	_ =	shalt  }
0x41: {  	_ =	shalt  }
0x42: {  	_ =	shalt  }
0x43: {  	_ =	shalt  }
0x44: {  	_ =	shalt  }
0x45: {  	_ =	shalt  }
0x46: {  	_ =	shalt  }
0x47: {  	_ =	shalt  }
0x48: {  	_ =	shalt  }
0x49: {  	_ =	shalt  }
0x4a: {  	_ =	shalt  }
0x4b: {  	_ =	shalt  }
0x4c: {  	_ =	shalt  }
0x4d: {  	_ =	shalt  }
0x4e: {  	_ =	shalt  }
0x4f: {  	_ =	shalt  }
0x50: {  	_ =	shalt  }
0x51: {  	_ =	shalt  }
0x52: {  	_ =	shalt  }
0x53: {  	_ =	shalt  }
0x54: {  	_ =	shalt  }
0x55: {  	_ =	shalt  }
0x56: {  	_ =	shalt  }
0x57: {  	_ =	shalt  }
0x58: {  	_ =	shalt  }
0x59: {  	_ =	shalt  }
0x5a: {  	_ =	shalt  }
0x5b: {  	_ =	shalt  }
0x5c: {  	_ =	shalt  }
0x5d: {  	_ =	shalt  }
0x5e: {  	_ =	shalt  }
0x5f: {  	_ =	shalt  }
0x60: {  	_ =	shalt  }
0x61: {  	_ =	shalt  }
0x62: {  	_ =	shalt  }
0x63: {  	_ =	shalt  }
0x64: {  	_ =	shalt  }
0x65: {  	_ =	shalt  }
0x66: {  	_ =	shalt  }
0x67: {  	_ =	shalt  }
0x68: {  	_ =	shalt  }
0x69: {  	_ =	shalt  }
0x6a: {  	_ =	shalt  }
0x6b: {  	_ =	shalt  }
0x6c: {  	_ =	shalt  }
0x6d: {  	_ =	shalt  }
0x6e: {  	_ =	shalt  }
0x6f: {  	_ =	shalt  }
0x70: {  	_ =	shalt  }
0x71: {  	_ =	shalt  }
0x72: {  	_ =	shalt  }
0x73: {  	_ =	shalt  }
0x74: {  	_ =	shalt  }
0x75: {  	_ =	shalt  }
0x76: {  	_ =	shalt  }
0x77: {  	_ =	shalt  }
0x78: {  	_ =	shalt  }
0x79: {  	_ =	shalt  }
0x7a: {  	_ =	shalt  }
0x7b: {  	_ =	shalt  }
0x7c: {  	_ =	shalt  }
0x7d: {  	_ =	shalt  }
0x7e: {  	_ =	shalt  }
0x7f: {  	_ =	shalt  }
0x80: {  	_ =	shalt  }
0x81: {  	_ =	shalt  }
0x82: {  	_ =	shalt  }
0x83: {  	_ =	shalt  }
0x84: {  	_ =	shalt  }
0x85: {  	_ =	shalt  }
0x86: {  	_ =	shalt  }
0x87: {  	_ =	shalt  }
.Lfunc_end0:
.L_simem_size_0:
called_computation.2_lowered:
.L_overlay_start_0:
0x88: {  	s2 =	sld [smem:$0x3FD9]  }
0x89: {  	s3 =	sld [smem:$0x3FFE];
	_ =	sdelay $0x1  }
0x8a: {  	s1 =	srdreg.scid  }
0x8b: {  	s0 =	sand.u32 $0x1, s1  }
0x8c: {  	s16 =	sshll.u32 s0, $0xA;
	s2 =	sadd.s32 s3, s2  }
0x8d: {  	s2 =	sadd.s32 s2, s16  }
0x8e: {  	[smem:$0x3FB8] =	sst s2  }
0x8f: {  	_ = 	snop  }
0x90: {  	(tm) =	ssettm $0x1  }
0x91: {  	s17 =	sld [smem:$0x3FFB];
	_ =	sdelay $0x3  }
0x92: {  	_ =	strace s17  }
0x93: {  	s2 =	sld [smem:$0x3FFC];
	_ =	sdelay $0x3  }
0x94: {  	_ =	strace s2  }
0x95: {  	s2 =	sld [smem:$0x3FFD];
	_ =	sdelay $0x3  }
0x96: {  	_ =	strace s2  }
0x97: {  	_ =	strace $0x8FFFFFFF  }
0x98: {  	s18 =	sld [smem:$0x3FDB];
	_ =	sdelay $0x1  }
0x99: {  	s19 =	simm.s32 $_scs_section_size  }
0x9a: {  	s4 =	simm.s32 $_size__tile_overlayer_lowered;
	s5 =	simm.s32 $_tile_overlayer_lowered  }
0x9b: {  	s22 =	simm.s32 $0x1BFF;
	s21 =	sshll.u32 s5, $0x1;
	s2 =	sadd.s32 s19, s18  }
0x9c: {  	s6 =	simm.s32 $0x0;
	s20 =	sshll.u32 s4, $0x1;
	s4 =	sadd.s32 s21, s2  }
0x9d: {  	[timem:s6], [sflag:s22] =	dma.local [hbm:s4], s20  }
0x9e: {  	_ =	swait.ge [sflag:s22], s20  }
0x9f: {  	s3 =	ssub.s32 $0x0, s20;
	[sflag:s22] =	ssyncset.done $0x0  }
0xa0: {  	[sflag:s22] =	ssyncadd.s32 s3;
	_ =	sdelay $0x1  }
0xa1: {  	s23 =	simm.s32 $0x1B8B  }
0xa2: {  	_ =	swait.ge [sflag:s23], $0x1  }
0xa3: {  	[sflag:s23] =	ssyncset.done $0x0  }
0xa4: {  	s25 =	simm.s32 $0x1B8E;
	s24 =	sld [smem:$0x3FFE];
	[sflag:s23] =	ssyncadd.s32 $0xFFFFFFFF  }
0xa5: {  	s26 =	simm.s32 $execute0_lowered;
	[smem:$0x3FD2] =	sst s25  }
0xa6: {  	s4 =	sshll.u32 s26, $0x1;
	_ =	strace $0x8000004C;
	[dreg:$0x1] =	wrdreg $0xFFFFFFFF  }
0xa7: {  	s28 =	simm.s32 $_size_execute0_lowered;
	s2 =	sadd.s32 s2, s4;
	[dreg:$0x0] =	wrdreg $0x0  }
0xa8: {  	s4 =	sshll.u32 s28, $0x1;
	[dreg:$0x2] =	wrdreg s2  }
0xa9: {  	[dreg:$0x3] =	wrdreg s4  }
0xaa: {  	[dreg:$0x4] =	wrdreg $0xC0  }
0xab: {  	_ =	task [dreg:s6], $0x5FFFF  }
0xac: {  	[dreg:$0x1] =	wrdreg $0xFFFFFFFF  }
0xad: {  	[dreg:$0x0] =	wrdreg $0x60  }
0xae: {  	[dreg:$0x2] =	wrdreg s24  }
0xaf: {  	[dreg:$0x3] =	wrdreg $0x0  }
0xb0: {  	[dreg:$0x4] =	wrdreg $0x9  }
0xb1: {  	_ =	task.clear_ibuf [dreg:s6], $0x5FFFF;
	_ =	strace $0x9000004C  }
0xb2: {  	s29 =	simm.s32 $0x9;
	_ =	strace $0x8000004E  }
0xb3: {  	_ =	swait.ge [sflag:s29], $0x1  }
0xb4: {  	[sflag:s29] =	ssyncadd.s32 $0xFFFFFFFF  }
0xb5: {  	_ =	strace $0x9000004E  }
0xb6: {  	_ =	sfence  }
0xb7: {  	s30 =	sld [smem:$0x0];
	_ =	sdelay $0x2  }
0xb8: {  	s31 =	sshll.u32 s1, $0xD;
	s1 =	sshrl.u32 s1, $0x2  }
0xb9: {  	s3 =	sand.u32 $0x4000, s31;
	s1 =	sadd.s32 s1, s30  }
0xba: {  	s0 =	sor.u32 s3, s0;
	s1 =	sshll.u32 s1, $0x11  }
0xbb: {  	s0 =	sor.u32 s1, s0  }
0xbc: {  	s0 =	sadd.s32 $0x8F2B, s0  }
0xbd: {  	[sflag:s0] =	ssyncadd.remote.s32 $0x1  }
0xbe: {  	_ =	sfence.sel $0xFFFF  }
0xbf: {  	[dreg:$0x0] =	wrdreg $0xFFFFFFFF;
	(pc) =	sbr.abs _section_cstart, $3  }
0xc0: {  	[dreg:$0x1] =	wrdreg $0xFFFFFFFF  }
0xc1: {  	_ =	task.clear_ibuf [dreg:s6], $0x2FFFF;
	_ =	strace $0x9FFFFFFF  }
0xc2: {  	(tm) =	ssettm $0x7FFFFFFF  }
0xc3: {  	_ =	shalt  }
tec
execute0_lowered:
.L_overlay_start_1:
0x0: {  	(tag) =	ssettag $0x1  }
0x1: {  	s0 =	rddreg [dreg:$0x0]  }
0x2: {  	s1 =	rddreg [dreg:$0x1]  }
0x3: {  	s2 =	simm.s32 $0x0;
	s3 =	srdreg.scid;
	s12 =	stileid.u32  }
0x4: {  	s29 =	simm.s32 $0x18800;
	s31 =	simm.s32 $0x1;
	s30 =	simm.s32 $0x2  }
0x5: {  	s28 =	simm.s32 $0x0;
	[smem:$0x7FF] =	sst s2;
	s4 =	sadd.s32 $0x3000, s0  }
0x6: {  	s7 =	sadd.s32 $0x65000, s0;
	s3 =	sand.u32 $0x1, s3;
	s8 =	smul.u32 $0x62000, s12  }
0x7: {  	s5 =	sadd.s32 $0x96000, s0;
	s9 =	sadd.s32 $0xC7000, s0;
	s11 =	smul.u32 $0x3100, s12  }
0x8: {  	s0 =	sadd.s32 $0xF8000, s0;
	_ =	strace $0x8000004D;
	s6 =	ssub.s32 $0x2, s3  }
0x9: {  	p0 =	seq.s32 s3, $0x0;
	s3 =	simm.s32 $0x3;
	s10 =	sshrl.u32 s6, $0x1  }
0xa: {  	s8 =	sshrl.u32 s8, $0x2;
	s11 =	sadd.s32 s4, s11;
	s5 =	smov.u32 @p0 s7  }
0xb: {  	s0 =	smov.u32 @p0 s9;
	s10 =	ssub.s32 s6, s10;
	s6 =	sadd.s32 s8, s1  }
0xc: {  	s8 =	smul.u32 $0x18800, s12;
	[dreg:$0x3] =	wrdreg s11;
	s11 =	sadd.s32 $0x40, s11  }
0xd: {  	s13 =	sadd.s32 $0x18000, s6;
	[dreg:$0x5] =	wrdreg s11;
	s10 =	smax.u32 s10, $0x1  }
0xe: {  	s23 =	sadd.s32 $0x2000, s6;
	s24 =	sadd.s32 $0x4000, s6;
	s26 =	sadd.s32 $0x6000, s6  }
0xf: {  	s15 =	sadd.s32 $0x8000, s6;
	s16 =	sadd.s32 $0xA000, s6;
	s17 =	sadd.s32 $0xC000, s6  }
0x10: {  	s18 =	sadd.s32 $0xE000, s6;
	s19 =	sadd.s32 $0x10000, s6;
	[dreg:$0x4] =	wrdreg s13  }
.Ltmp0:
0x11: {  	s20 =	sadd.s32 $0x12000, s6;
	[dreg:$0x6] =	wrdreg s10;
	(pc) =	sbr.rel .LBB2_1-.Ltmp0, $4  }
0x12: {  	s21 =	sadd.s32 $0x14000, s6;
	s22 =	sadd.s32 $0x16000, s6;
	[dreg:$0x7] =	wrdreg s23  }
0x13: {  	s14 =	sshrl.u32 s8, $0x3;
	s25 =	sadd.s32 s8, s1;
	[dreg:$0x8] =	wrdreg s24  }
0x14: {  	[dreg:$0x9] =	wrdreg s26;
	s24 =	simm.s32 $0x19000;
	s26 =	simm.s32 $0x4  }
0x15: {  	v0 =	vimm.f32 $0.0e+00;
	s23 =	sadd.s32 s0, s14;
	s25 =	sshrl.u32 s25, $0x3;
	s0 =	simm.s32 $0x80  }
.LBB2_9:
0x16: {  	_ =	swait.ge [sflag:s3], $0x2000  }
0x17: {  	s7 =	stileid.u32;
	[sflag:s3] =	ssyncset.done $0x0  }
0x18: {  	s7 =	sshll.u32 s7, $0x6;
	[sflag:s3] =	ssyncadd.s32 $0xFFFFE000  }
0x19: {  	s7 =	sor.u32 $0x1C04, s7;
	[bflag:$0x0] =	sbarrier.arrive $0xFFFF  }
0x1a: {  	[hbm:s23], [sflag:s7] =	dma.local [spmem:s25], $0x3100  }
0x1b: {  	_ =	swait.ge [sflag:s26], $0x3100  }
0x1c: {  	s28 =	sadd.s32 $0x1, s28;
	s14 =	rddreg [dreg:$0x6]  }
0x1d: {  	p0 =	sne.s32 s28, s14  }
.Ltmp1:
0x1e: {  	_ = 	snop;
	(pc) =	sbr.rel @!p0 .LBB2_10-.Ltmp1, $3  }
0x1f: {  	_ =	sdelay $0x1  }
0x20: {  	[sflag:s26] =	ssyncset.done $0x0  }
0x21: {  	[sflag:s26] =	ssyncadd.s32 $0xFFFFCF00  }
.LBB2_1:
0x22: {  	s9 =	simm.s32 $0x80;
	s7 =	simm.s32 $0x0  }
.LBB2_2:
0x23: {  	p0 =	sne.s32 s9, $0x7F80;
	[tilespmem:s7+$0x1B010] =	vst v0;
	s10 =	smov.u32 s9;
	s9 =	sadd.s32 $0x80, s9  }
.Ltmp2:
0x24: {  	[tilespmem:s7+$0x1B000] =	vst v0;
	(pc) =	sbr.rel @p0 .LBB2_2-.Ltmp2, $3  }
0x25: {  	[tilespmem:s7+$0x19000] =	vst v0  }
0x26: {  	[tilespmem:s7+$0x19010] =	vst v0;
	_ =	sdelay $0x1  }
0x27: {  	s7 =	sshra.s32 s10, $0x2  }
0x28: {  	[tilespmem:s7+$0x1B010] =	vst v0  }
0x29: {  	[tilespmem:s7+$0x1B000] =	vst v0  }
0x2a: {  	[tilespmem:s7+$0x19000] =	vst v0  }
0x2b: {  	[tilespmem:s7+$0x19010] =	vst v0  }
0x2c: {  	[spmem:s6] =	stream.linear.scatter [tilespmem:s24], [sflag:$0x4], $0x2000, $0x38;
	[tilespmem:$0x1D000] =	vst v63  }
0x2d: {  	_ =	swait.ge [sflag:s26], $0x2000  }
0x2e: {  	[sflag:s26] =	ssyncset.done $0x0  }
0x2f: {  	s13 =	rddreg [dreg:$0x7];
	[sflag:s26] =	ssyncadd.s32 $0xFFFFE000  }
0x30: {  	[spmem:s13] =	stream.linear.scatter [tilespmem:s24], [sflag:$0x4], $0x2000, $0x38;
	[tilespmem:$0x1D000] =	vst v63  }
0x31: {  	_ =	swait.ge [sflag:s26], $0x2000  }
0x32: {  	[sflag:s26] =	ssyncset.done $0x0  }
0x33: {  	s14 =	rddreg [dreg:$0x8];
	[sflag:s26] =	ssyncadd.s32 $0xFFFFE000  }
0x34: {  	[spmem:s14] =	stream.linear.scatter [tilespmem:s24], [sflag:$0x4], $0x2000, $0x38;
	[tilespmem:$0x1D000] =	vst v63  }
0x35: {  	_ =	swait.ge [sflag:s26], $0x2000  }
0x36: {  	[sflag:s26] =	ssyncset.done $0x0  }
0x37: {  	s9 =	rddreg [dreg:$0x9];
	[sflag:s26] =	ssyncadd.s32 $0xFFFFE000  }
0x38: {  	[spmem:s9] =	stream.linear.scatter [tilespmem:s24], [sflag:$0x4], $0x2000, $0x38;
	[tilespmem:$0x1D000] =	vst v63  }
0x39: {  	_ =	swait.ge [sflag:s26], $0x2000  }
0x3a: {  	[sflag:s26] =	ssyncset.done $0x0  }
0x3b: {  	[sflag:s26] =	ssyncadd.s32 $0xFFFFE000  }
0x3c: {  	[spmem:s15] =	stream.linear.scatter [tilespmem:s24], [sflag:$0x4], $0x2000, $0x38;
	[tilespmem:$0x1D000] =	vst v63  }
0x3d: {  	_ =	swait.ge [sflag:s26], $0x2000  }
0x3e: {  	[sflag:s26] =	ssyncset.done $0x0  }
0x3f: {  	[sflag:s26] =	ssyncadd.s32 $0xFFFFE000  }
0x40: {  	[spmem:s16] =	stream.linear.scatter [tilespmem:s24], [sflag:$0x4], $0x2000, $0x38;
	[tilespmem:$0x1D000] =	vst v63  }
0x41: {  	_ =	swait.ge [sflag:s26], $0x2000  }
0x42: {  	[sflag:s26] =	ssyncset.done $0x0  }
0x43: {  	[sflag:s26] =	ssyncadd.s32 $0xFFFFE000  }
0x44: {  	[spmem:s17] =	stream.linear.scatter [tilespmem:s24], [sflag:$0x4], $0x2000, $0x38;
	[tilespmem:$0x1D000] =	vst v63  }
0x45: {  	_ =	swait.ge [sflag:s26], $0x2000  }
0x46: {  	[sflag:s26] =	ssyncset.done $0x0  }
0x47: {  	[sflag:s26] =	ssyncadd.s32 $0xFFFFE000  }
0x48: {  	[spmem:s18] =	stream.linear.scatter [tilespmem:s24], [sflag:$0x4], $0x2000, $0x38;
	[tilespmem:$0x1D000] =	vst v63  }
0x49: {  	_ =	swait.ge [sflag:s26], $0x2000  }
0x4a: {  	[sflag:s26] =	ssyncset.done $0x0  }
0x4b: {  	[sflag:s26] =	ssyncadd.s32 $0xFFFFE000  }
0x4c: {  	[spmem:s19] =	stream.linear.scatter [tilespmem:s24], [sflag:$0x4], $0x2000, $0x38;
	[tilespmem:$0x1D000] =	vst v63  }
0x4d: {  	_ =	swait.ge [sflag:s26], $0x2000  }
0x4e: {  	[sflag:s26] =	ssyncset.done $0x0  }
0x4f: {  	[sflag:s26] =	ssyncadd.s32 $0xFFFFE000  }
0x50: {  	[spmem:s20] =	stream.linear.scatter [tilespmem:s24], [sflag:$0x4], $0x2000, $0x38;
	[tilespmem:$0x1D000] =	vst v63  }
0x51: {  	_ =	swait.ge [sflag:s26], $0x2000  }
0x52: {  	[sflag:s26] =	ssyncset.done $0x0  }
0x53: {  	[sflag:s26] =	ssyncadd.s32 $0xFFFFE000  }
0x54: {  	[spmem:s21] =	stream.linear.scatter [tilespmem:s24], [sflag:$0x4], $0x2000, $0x38;
	[tilespmem:$0x1D000] =	vst v63  }
0x55: {  	_ =	swait.ge [sflag:s26], $0x2000  }
0x56: {  	[sflag:s26] =	ssyncset.done $0x0  }
0x57: {  	[sflag:s26] =	ssyncadd.s32 $0xFFFFE000  }
0x58: {  	[spmem:s22] =	stream.linear.scatter [tilespmem:s24], [sflag:$0x4], $0x2000, $0x38;
	[tilespmem:$0x1D000] =	vst v63  }
0x59: {  	_ =	swait.ge [sflag:s26], $0x2000  }
0x5a: {  	[sflag:s26] =	ssyncset.done $0x0  }
0x5b: {  	s9 =	simm.s32 $0x1B000;
	s10 =	rddreg [dreg:$0x4];
	[sflag:s26] =	ssyncadd.s32 $0xFFFFE000  }
0x5c: {  	[spmem:s10] =	stream.linear.scatter [tilespmem:s9], [sflag:$0x4], $0x800, $0x38;
	[tilespmem:$0x1D000] =	vst v63  }
0x5d: {  	_ =	swait.ge [sflag:s26], $0x800  }
0x5e: {  	[sflag:s26] =	ssyncset.done $0x0  }
0x5f: {  	[sflag:s26] =	ssyncadd.s32 $0xFFFFF800  }
0x60: {  	[bflag:$0x0] =	sbarrier.arrive $0xFFFF  }
0x61: {  	s9 =	simm.s32 $0x0;
	s11 =	rddreg [dreg:$0x3]  }
0x62: {  	[tilespmem:s29], [sflag:$0x1] =	stream.linear.gather [hbm4b:s11+s9], $0x200, $0x38;
	[tilespmem:$0x1D000] =	vst v63  }
0x63: {  	s10 =	simm.s32 $0x18A00;
	s12 =	rddreg [dreg:$0x5]  }
0x64: {  	[tilespmem:s10], [sflag:$0x1] =	stream.linear.gather [hbm4b:s12+s9], $0x200, $0x38;
	[tilespmem:$0x1D000] =	vst v63  }
0x65: {  	_ =	swait.ge [sflag:s31], $0x200  }
.Ltmp3:
0x66: {  	[sflag:s31] =	ssyncset.done $0x0;
	(pc) =	sbr.rel .LBB2_4-.Ltmp3, $4  }
0x67: {  	[sflag:s31] =	ssyncadd.s32 $0xFFFFFE00  }
0x68: {  	[tilespmem:s24], [sflag:$0x2] =	stream.indirect.gather [hbm4b:s5+s0], $0x20, s29, s0, $0xb8;
	[tilespmem:$0x1D000] =	vst v63  }
0x69: {  	s13 =	simm.s32 $0x18900;
	s14 =	simm.s32 $0x1A000  }
0x6a: {  	[tilespmem:s14], [sflag:$0x2] =	stream.indirect.gather [hbm4b:s5+s0], $0x20, s13, s0, $0xb8;
	[tilespmem:$0x1D000] =	vst v63  }
.LBB2_5:
0x6b: {  	s7 =	sadd.s32 $0x400, s10  }
0x6c: {  	s11 =	sadd.s32 s8, s7  }
0x6d: {  	s7 =	sand.u32 $0x600, s7;
	s11 =	sshrl.u32 s11, $0x3  }
0x6e: {  	s7 =	sor.u32 $0x18800, s7;
	s11 =	sadd.s32 s4, s11  }
0x6f: {  	[tilespmem:s7], [sflag:$0x1] =	stream.linear.gather [hbm4b:s11+s2], $0x200, $0x38;
	[tilespmem:$0x1D000] =	vst v63  }
.LBB2_7:
0x70: {  	s7 =	sadd.s32 $0x1, s9  }
0x71: {  	_ =	swait.ge [sflag:s31], $0x200;
	s11 =	sshll.u32 s7, $0xD;
	s12 =	sshll.u32 s7, $0x9  }
0x72: {  	[sflag:s31] =	ssyncset.done $0x0;
	s11 =	sand.u32 $0x2000, s11;
	s12 =	sand.u32 $0x600, s12  }
0x73: {  	[sflag:s31] =	ssyncadd.s32 $0xFFFFFE00;
	s13 =	sor.u32 $0x19000, s11;
	s14 =	sor.u32 $0x18800, s12  }
0x74: {  	[tilespmem:s13], [sflag:$0x2] =	stream.indirect.gather [hbm4b:s5+s0], $0x20, s14, s0, $0xb8;
	[tilespmem:$0x1D000] =	vst v63  }
0x75: {  	s11 =	sadd.s32 $0x1A000, s11;
	s12 =	sor.u32 $0x18900, s12  }
0x76: {  	[tilespmem:s11], [sflag:$0x2] =	stream.indirect.gather [hbm4b:s5+s0], $0x20, s12, s0, $0xb8;
	[tilespmem:$0x1D000] =	vst v63  }
.LBB2_8:
0x77: {  	s9 =	sshll.u32 s9, $0xD  }
0x78: {  	s10 =	sand.u32 $0x600, s10;
	p0 =	slt.u32 s7, $0xC4;
	s9 =	sand.u32 $0x2000, s9  }
.Ltmp4:
0x79: {  	s12 =	sor.u32 $0x18880, s10;
	s11 =	sor.u32 $0x19000, s9;
	(pc) =	sbr.rel @!p0 .LBB2_9-.Ltmp4, $4  }
0x7a: {  	[spmem:s1] =	stream.indirect.scatter.add.f32 [tilespmem:s11], [sflag:$0x3], $0x20, s12, s0, $0xb8;
	[tilespmem:$0x1D000] =	vst v63  }
0x7b: {  	s10 =	sor.u32 $0x18980, s10;
	s9 =	sadd.s32 $0x1A000, s9  }
0x7c: {  	[spmem:s1] =	stream.indirect.scatter.add.f32 [tilespmem:s9], [sflag:$0x3], $0x20, s10, s0, $0xb8;
	[tilespmem:$0x1D000] =	vst v63  }
0x7d: {  	s9 =	smov.u32 s7  }
.LBB2_4:
0x7e: {  	p0 =	seq.s32 s9, $0x0  }
0x7f: {  	p1 =	sgt.u32 @!p0 s9, $0xC1  }
0x80: {  	_ =	swait.ge [sflag:s30], $0x2000;
	p1 =	por p0, !p1  }
.Ltmp5:
0x81: {  	[sflag:s30] =	ssyncset.done $0x0;
	(pc) =	sbr.rel @p1 .LBB2_5-.Ltmp5, $4  }
0x82: {  	s7 =	simm.s32 @!p0 $0x3;
	[sflag:s30] =	ssyncadd.s32 $0xFFFFE000  }
0x83: {  	_ =	swait.ge @!p0 [sflag:s7], $0x2000  }
0x84: {  	[sflag:s7] =	ssyncset.done @!p0 $0x0  }
0x85: {  	s10 =	sshll.u32 s9, $0x9;
	[sflag:s7] =	ssyncadd.s32 @!p0 $0xFFFFE000  }
0x86: {  	p0 =	seq.s32 s9, $0xC3  }
.Ltmp6:
0x87: {  	_ = 	snop;
	(pc) =	sbr.rel @p0 .LBB2_8-.Ltmp6, $4  }
.Ltmp7:
0x88: {  	_ = 	snop;
	(pc) =	sbr.rel @!p0 .LBB2_7-.Ltmp7, $4  }
0x89: {  	_ = 	snop  }
0x8a: {  	_ = 	snop  }
0x8b: {  	s7 =	simm.s32 $0xC4  }
0x8c: {  	_ = 	snop  }
.LBB2_10:
0x8d: {  	_ =	sfence.sel $0x180000  }
0x8e: {  	[bflag:$0x0] =	sbarrier.arrive $0xFFFF  }
0x8f: {  	_ =	strace $0x9000004D  }
0x90: {  	s0 =	stileid.u32;
	[bflag:$0x2] =	sbarrier.arrive $0xFFFF  }
0x91: {  	p0 =	sne.s32 s0, $0x0;
	s0 =	rddreg [dreg:$0x2]  }
0x92: {  	s0 =	sadd.s32 @!p0 $0x100000, s0  }
0x93: {  	[sflag:s0] =	ssyncadd.tile.s32 @!p0 $0x1;
	_ =	shalt  }
.Lfunc_end2:
_tile_overlayer_lowered:
.L_overlay_start_2:
0x94: {  	(tag) =	ssettag $0x2  }
0x95: {  	s0 =	rddreg [dreg:$0x0];
	s2 =	stileid.u32  }
0x96: {  	s1 =	rddreg [dreg:$0x1];
	p0 =	sne.s32 s2, $0x0  }
0x97: {  	s3 =	rddreg [dreg:$0x2];
	[bflag:$0x3] =	sbarrier.arrive $0xFFFF;
	s2 =	simm.s32 @!p0 $0x1C04  }
0x98: {  	[timem:s3], [sflag:s2] =	dma.local @!p0 [hbm:s0], s1  }
0x99: {  	s0 =	simm.s32 @!p0 $0x4  }
0x9a: {  	_ =	swait.ge @!p0 [sflag:s0], s1  }
0x9b: {  	s1 =	ssub.s32 @!p0 $0x0, s1;
	[sflag:s0] =	ssyncset.done @!p0 $0x0  }
0x9c: {  	[sflag:s0] =	ssyncadd.s32 @!p0 s1  }
0x9d: {  	[bflag:$0x3] =	sbarrier.arrive $0xFFFF  }
0x9e: {  	_ =	shalt  }

// kernel: kernel.18.cloned.1.call-start
scs
__scs_entry_jumppad:
0x0: {  	(pc) =	sbr.rel $0x88, $3  }
0x1: {  	(tag) =	ssettag $0x0;
	lr =	simm.s32 $0x1  }
0x2: {  	[smem:$0x3F91] =	sst lr;
	_ =	strace $0xD0000000  }
0x3: {  	_ = 	snop  }
0x4: {  	_ = 	snop  }
0x5: {  	_ = 	snop  }
0x6: {  	_ = 	snop  }
0x7: {  	_ = 	snop  }
__scs_overlays_trampoline_lowered:
0x8: {  	[smem:$0x3FA0] =	sst s0  }
0x9: {  	[smem:$0x3FA1] =	sst s1  }
0xa: {  	[smem:$0x3FA2] =	sst s2  }
0xb: {  	[smem:$0x3FA3] =	sst s3  }
0xc: {  	[smem:$0x3FA4] =	sst s4  }
0xd: {  	[smem:$0x3FA5] =	sst s5  }
0xe: {  	[smem:$0x3FA6] =	sst s6  }
0xf: {  	[smem:$0x3FA7] =	sst s7  }
0x10: {  	[smem:$0x3FA8] =	sst s8  }
0x11: {  	[smem:$0x3FA9] =	sst s9;
	s0 =	simm.s32 @!p0 $0x0  }
0x12: {  	s1 =	sld [smem:$0x3F8F];
	s0 =	simm.s32 @p0 $0x1  }
0x13: {  	[smem:$0x3FAA] =	sst s0;
	s0 =	simm.s32 @!p1 $0x0  }
0x14: {  	s2 =	sld [smem:$0x3F8E];
	s0 =	simm.s32 @p1 $0x1  }
0x15: {  	[smem:$0x3FAB] =	sst s0;
	s0 =	simm.s32 @!p2 $0x0  }
0x16: {  	s3 =	sld [smem:$0x3FDB];
	s0 =	simm.s32 @p2 $0x1  }
0x17: {  	s4 =	simm.s32 $0x1BF5;
	[smem:$0x3FAD] =	sst s0  }
0x18: {  	s0 =	sld [smem:$0x3F90];
	_ =	swait.ge [sflag:s4], $0x0  }
0x19: {  	s7 =	sld [smem:$0x3F91]  }
0x1a: {  	s8 =	sadd.s32 $0xFFFFE003, lr  }
0x1b: {  	s9 =	sadd.s32 $0xFFFFFEF7, lr;
	s5 =	simm.s32 $0xFFFFFFFF;
	p2 =	slt.u32 s8, $0xFFFFF086  }
0x1c: {  	p1 =	slt.u32 s9, $0xF7A;
	s5 =	simm.s32 @!p2 $0x0  }
0x1d: {  	s5 =	simm.s32 @p1 $0x1;
	p0 =	seq.s32 s7, s2  }
0x1e: {  	s7 =	smul.u32 @!p0 $0xF7A, s2;
	p2 =	seq.s32 @!p0 s5, $0x0  }
0x1f: {  	s9 =	smul.u32 $0xF7A, s1;
	s8 =	simm.s32 @!p0 $0x1BF5;
	p2 =	por !p2, p0  }
0x20: {  	[sflag:s8] =	ssyncset.s32 @!p0 $0xFFFFF086;
	s6 =	sadd.s32 @!p0 s3, s7;
	s7 =	simm.s32 @!p0 $0x108  }
0x21: {  	s3 =	sadd.s32 s3, s9;
	s6 =	sadd.s32 @!p0 $0x88, s6;
	s7 =	simm.s32 @p2 $0x1082  }
0x22: {  	[simem:s7], [sflag:s8] =	dma.local @!p0 [hbm:s6], $0xF7A  }
0x23: {  	s9 =	sor.u32 $0xD0000000, s2;
	s6 =	simm.s32 $0x108;
	_ =	swait.ge @!p0 [sflag:s8], $0x0  }
0x24: {  	s3 =	sadd.s32 $0x88, s3;
	s6 =	simm.s32 @!p1 $0x1082;
	[sflag:s4] =	ssyncset.s32 $0xFFFFF086  }
0x25: {  	[simem:s6], [sflag:s4] =	dma.local [hbm:s3], $0xF7A  }
0x26: {  	[smem:$0x3F91] =	sst s1;
	(tag) =	ssettag s2;
	_ =	strace s9  }
0x27: {  	s1 =	sld [smem:$0x3FA1]  }
0x28: {  	s2 =	sld [smem:$0x3FA2]  }
0x29: {  	s4 =	sld [smem:$0x3FA4]  }
0x2a: {  	p0 =	seq.s32 s5, $0x0;
	s5 =	sld [smem:$0x3FA5]  }
0x2b: {  	s6 =	sld [smem:$0x3FA6]  }
0x2c: {  	s7 =	sld [smem:$0x3FA7]  }
0x2d: {  	s3 =	simm.s32 $0x108;
	s8 =	sld [smem:$0x3FA8]  }
0x2e: {  	s3 =	simm.s32 @!p0 $0x1082;
	s9 =	sld [smem:$0x3FA9]  }
0x2f: {  	lr =	sadd.s32 s0, s3;
	s0 =	sld [smem:$0x3FA0]  }
0x30: {  	s3 =	sld [smem:$0x3FA3]  }
0x31: {  	[smem:$0x3FAC] =	sst s10  }
0x32: {  	s10 =	sld [smem:$0x3FAA];
	_ =	sdelay $0x3  }
0x33: {  	p0 =	seq.s32 s10, $0x1;
	s10 =	sld [smem:$0x3FAC];
	_ =	sdelay $0x3  }
0x34: {  	[smem:$0x3FAC] =	sst s10  }
0x35: {  	s10 =	sld [smem:$0x3FAB];
	_ =	sdelay $0x3  }
0x36: {  	p1 =	seq.s32 s10, $0x1;
	s10 =	sld [smem:$0x3FAC];
	_ =	sdelay $0x3  }
0x37: {  	[smem:$0x3FAC] =	sst s10  }
0x38: {  	s10 =	sld [smem:$0x3FAD]  }
0x39: {  	_ = 	snop;
	(pc) =	sbr.ind lr, $3  }
0x3a: {  	_ = 	snop  }
0x3b: {  	_ = 	snop  }
0x3c: {  	p2 =	seq.s32 s10, $0x1;
	s10 =	sld [smem:$0x3FAC]  }
0x3d: {  	_ =	shalt  }
0x3e: {  	_ =	shalt  }
0x3f: {  	_ =	shalt  }
0x40: {  	_ =	shalt  }
0x41: {  	_ =	shalt  }
0x42: {  	_ =	shalt  }
0x43: {  	_ =	shalt  }
0x44: {  	_ =	shalt  }
0x45: {  	_ =	shalt  }
0x46: {  	_ =	shalt  }
0x47: {  	_ =	shalt  }
0x48: {  	_ =	shalt  }
0x49: {  	_ =	shalt  }
0x4a: {  	_ =	shalt  }
0x4b: {  	_ =	shalt  }
0x4c: {  	_ =	shalt  }
0x4d: {  	_ =	shalt  }
0x4e: {  	_ =	shalt  }
0x4f: {  	_ =	shalt  }
0x50: {  	_ =	shalt  }
0x51: {  	_ =	shalt  }
0x52: {  	_ =	shalt  }
0x53: {  	_ =	shalt  }
0x54: {  	_ =	shalt  }
0x55: {  	_ =	shalt  }
0x56: {  	_ =	shalt  }
0x57: {  	_ =	shalt  }
0x58: {  	_ =	shalt  }
0x59: {  	_ =	shalt  }
0x5a: {  	_ =	shalt  }
0x5b: {  	_ =	shalt  }
0x5c: {  	_ =	shalt  }
0x5d: {  	_ =	shalt  }
0x5e: {  	_ =	shalt  }
0x5f: {  	_ =	shalt  }
0x60: {  	_ =	shalt  }
0x61: {  	_ =	shalt  }
0x62: {  	_ =	shalt  }
0x63: {  	_ =	shalt  }
0x64: {  	_ =	shalt  }
0x65: {  	_ =	shalt  }
0x66: {  	_ =	shalt  }
0x67: {  	_ =	shalt  }
0x68: {  	_ =	shalt  }
0x69: {  	_ =	shalt  }
0x6a: {  	_ =	shalt  }
0x6b: {  	_ =	shalt  }
0x6c: {  	_ =	shalt  }
0x6d: {  	_ =	shalt  }
0x6e: {  	_ =	shalt  }
0x6f: {  	_ =	shalt  }
0x70: {  	_ =	shalt  }
0x71: {  	_ =	shalt  }
0x72: {  	_ =	shalt  }
0x73: {  	_ =	shalt  }
0x74: {  	_ =	shalt  }
0x75: {  	_ =	shalt  }
0x76: {  	_ =	shalt  }
0x77: {  	_ =	shalt  }
0x78: {  	_ =	shalt  }
0x79: {  	_ =	shalt  }
0x7a: {  	_ =	shalt  }
0x7b: {  	_ =	shalt  }
0x7c: {  	_ =	shalt  }
0x7d: {  	_ =	shalt  }
0x7e: {  	_ =	shalt  }
0x7f: {  	_ =	shalt  }
0x80: {  	_ =	shalt  }
0x81: {  	_ =	shalt  }
0x82: {  	_ =	shalt  }
0x83: {  	_ =	shalt  }
0x84: {  	_ =	shalt  }
0x85: {  	_ =	shalt  }
0x86: {  	_ =	shalt  }
0x87: {  	_ =	shalt  }
.Lfunc_end0:
.L_simem_size_0:
called_computation.3_lowered:
.L_overlay_start_0:
0x88: {  	s2 =	sld [smem:$0x3FD9]  }
0x89: {  	s3 =	sld [smem:$0x3FFE];
	_ =	sdelay $0x1  }
0x8a: {  	s1 =	srdreg.scid  }
0x8b: {  	s0 =	sand.u32 $0x1, s1  }
0x8c: {  	s16 =	sshll.u32 s0, $0xA;
	s2 =	sadd.s32 s3, s2  }
0x8d: {  	s2 =	sadd.s32 s2, s16  }
0x8e: {  	[smem:$0x3FB8] =	sst s2  }
0x8f: {  	_ = 	snop  }
0x90: {  	(tm) =	ssettm $0x1  }
0x91: {  	s17 =	sld [smem:$0x3FFB];
	_ =	sdelay $0x3  }
0x92: {  	_ =	strace s17  }
0x93: {  	s2 =	sld [smem:$0x3FFC];
	_ =	sdelay $0x3  }
0x94: {  	_ =	strace s2  }
0x95: {  	s2 =	sld [smem:$0x3FFD];
	_ =	sdelay $0x3  }
0x96: {  	_ =	strace s2  }
0x97: {  	_ =	strace $0x8FFFFFFF  }
0x98: {  	s18 =	sld [smem:$0x3FDB];
	_ =	sdelay $0x1  }
0x99: {  	s19 =	simm.s32 $_scs_section_size  }
0x9a: {  	s4 =	simm.s32 $_size__tile_overlayer_lowered;
	s5 =	simm.s32 $_tile_overlayer_lowered  }
0x9b: {  	s22 =	simm.s32 $0x1BFF;
	s21 =	sshll.u32 s5, $0x1;
	s2 =	sadd.s32 s19, s18  }
0x9c: {  	s6 =	simm.s32 $0x0;
	s20 =	sshll.u32 s4, $0x1;
	s4 =	sadd.s32 s21, s2  }
0x9d: {  	[timem:s6], [sflag:s22] =	dma.local [hbm:s4], s20  }
0x9e: {  	_ =	swait.ge [sflag:s22], s20  }
0x9f: {  	s3 =	ssub.s32 $0x0, s20;
	[sflag:s22] =	ssyncset.done $0x0  }
0xa0: {  	[sflag:s22] =	ssyncadd.s32 s3;
	_ =	sdelay $0x1  }
0xa1: {  	s23 =	simm.s32 $0x1B8B  }
0xa2: {  	_ =	swait.ge [sflag:s23], $0x1  }
0xa3: {  	[sflag:s23] =	ssyncset.done $0x0  }
0xa4: {  	s25 =	simm.s32 $0x1B8E;
	s24 =	sld [smem:$0x3FFE];
	[sflag:s23] =	ssyncadd.s32 $0xFFFFFFFF  }
0xa5: {  	s26 =	simm.s32 $execute0_lowered;
	[smem:$0x3FD2] =	sst s25  }
0xa6: {  	s4 =	sshll.u32 s26, $0x1;
	_ =	strace $0x8000004F;
	[dreg:$0x1] =	wrdreg $0xFFFFFFFF  }
0xa7: {  	s28 =	simm.s32 $_size_execute0_lowered;
	s2 =	sadd.s32 s2, s4;
	[dreg:$0x0] =	wrdreg $0x0  }
0xa8: {  	s4 =	sshll.u32 s28, $0x1;
	[dreg:$0x2] =	wrdreg s2  }
0xa9: {  	[dreg:$0x3] =	wrdreg s4  }
0xaa: {  	[dreg:$0x4] =	wrdreg $0xC0  }
0xab: {  	_ =	task [dreg:s6], $0x5FFFF  }
0xac: {  	[dreg:$0x1] =	wrdreg $0xFFFFFFFF  }
0xad: {  	[dreg:$0x0] =	wrdreg $0x60  }
0xae: {  	[dreg:$0x2] =	wrdreg s24  }
0xaf: {  	[dreg:$0x3] =	wrdreg $0x9  }
0xb0: {  	_ =	task.clear_ibuf [dreg:s6], $0x4FFFF;
	_ =	strace $0x9000004F  }
0xb1: {  	s29 =	simm.s32 $0x9;
	_ =	strace $0x80000051  }
0xb2: {  	_ =	swait.ge [sflag:s29], $0x1  }
0xb3: {  	[sflag:s29] =	ssyncadd.s32 $0xFFFFFFFF  }
0xb4: {  	_ =	strace $0x90000051  }
0xb5: {  	_ =	sfence  }
0xb6: {  	s30 =	sld [smem:$0x0];
	_ =	sdelay $0x2  }
0xb7: {  	s31 =	sshll.u32 s1, $0xD;
	s1 =	sshrl.u32 s1, $0x2  }
0xb8: {  	s3 =	sand.u32 $0x4000, s31;
	s1 =	sadd.s32 s1, s30  }
0xb9: {  	s0 =	sor.u32 s3, s0;
	s1 =	sshll.u32 s1, $0x11  }
0xba: {  	s0 =	sor.u32 s1, s0  }
0xbb: {  	s0 =	sadd.s32 $0x8F2B, s0  }
0xbc: {  	[sflag:s0] =	ssyncadd.remote.s32 $0x1  }
0xbd: {  	_ =	sfence.sel $0xFFFF  }
0xbe: {  	[dreg:$0x0] =	wrdreg $0xFFFFFFFF;
	(pc) =	sbr.abs _section_cstart, $3  }
0xbf: {  	[dreg:$0x1] =	wrdreg $0xFFFFFFFF  }
0xc0: {  	_ =	task.clear_ibuf [dreg:s6], $0x2FFFF;
	_ =	strace $0x9FFFFFFF  }
0xc1: {  	(tm) =	ssettm $0x7FFFFFFF  }
tec
execute0_lowered:
.L_overlay_start_1:
0x0: {  	(tag) =	ssettag $0x1  }
0x1: {  	s1 =	srdreg.scid  }
0x2: {  	s0 =	stileid.u32;
	s4 =	rddreg [dreg:$0x0];
	s2 =	simm.s32 $0x0  }
0x3: {  	s9 =	simm.s32 $0xC40;
	s10 =	simm.s32 $0x70;
	s11 =	simm.s32 $0x24C0  }
0x4: {  	s12 =	simm.s32 $0x40C0;
	s3 =	sand.u32 $0x1, s1;
	s5 =	sshll.u32 s0, $0x1  }
0x5: {  	s13 =	simm.s32 $0x1;
	s14 =	simm.s32 $0x1880;
	s5 =	sor.u32 s3, s5  }
0x6: {  	s1 =	rddreg [dreg:$0x1];
	s6 =	ssub.s32 $0x2, s3;
	s5 =	smul.u32 $0x188, s5  }
0x7: {  	s15 =	simm.s32 $0x0;
	[smem:$0x7FF] =	sst s2;
	s7 =	sshrl.u32 s6, $0x1  }
0x8: {  	_ =	strace $0x80000050;
	s7 =	ssub.s32 s6, s7;
	s8 =	sadd.s32 s5, s4  }
0x9: {  	v0 =	vlaneseq.u32;
	s3 =	sadd.s32 $0x3000, s4;
	s7 =	smax.u32 s7, $0x1;
	s4 =	sadd.s32 $0x12C200, s8  }
0xa: {  	v0 =	vmul.u32 $0x20, v0;
	s5 =	sadd.s32 $0x129000, s8;
	s6 =	sadd.s32 $0x34000, s8;
	s8 =	simm.s32 $0x2  }
.LBB2_1:
0xb: {  	[tilespmem:s2], [sflag:$0x2] =	stream.linear.gather [hbm4b:s4+s2], $0xC40, $0x38;
	[tilespmem:$0x5CC0] =	vst v63  }
0xc: {  	_ =	swait.ge [sflag:s8], $0xC40  }
0xd: {  	[sflag:s8] =	ssyncset.done $0x0  }
0xe: {  	[sflag:s8] =	ssyncadd.s32 $0xFFFFF3C0  }
0xf: {  	[tilespmem:s9], [sflag:$0x2] =	stream.linear.gather [hbm4b:s5+s2], $0xC40, $0x38;
	[tilespmem:$0x5CC0] =	vst v63  }
0x10: {  	_ =	swait.ge [sflag:s8], $0xC40  }
0x11: {  	[sflag:s8] =	ssyncset.done $0x0  }
0x12: {  	s16 =	sand.u32 $0x1, s13;
	[sflag:s8] =	ssyncadd.s32 $0xFFFFF3C0  }
0x13: {  	[tilespmem:s11], [sflag:$0x1] =	stream.indirect.gather [hbm4b:s3+s10], $0x20, s2, s10, $0xb8;
	[tilespmem:$0x5CC0] =	vst v63  }
0x14: {  	p0 =	seq.s32 s16, $0x1;
	s16 =	simm.s32 $0x0  }
0x15: {  	[tilespmem:s12], [sflag:$0x1] =	stream.indirect.gather [hbm4b:s3+s10], $0x20, s9, s10, $0xb8;
	[tilespmem:$0x5CC0] =	vst v63  }
0x16: {  	s16 =	simm.s32 @!p0 $0x70;
	p0 =	por $0x0, $0x0;
	_ =	swait.ge [sflag:s13], $0xE00  }
0x17: {  	s17 =	sand.u32 @!p0 $0x1, s13;
	v1 =	vmov s16;
	[sflag:s13] =	ssyncset.done $0x0  }
0x18: {  	p1 =	seq.s32 @!p0 s17, $0x1;
	v1 =	vshll.u32 v1, $0x5;
	[sflag:s13] =	ssyncadd.s32 $0xFFFFF200  }
0x19: {  	s17 =	simm.s32 @!p0 $0xE00;
	p1 =	por !p1, p0;
	v1 =	vor.u32 v0, v1;
	_ =	swait.ge [sflag:s13], $0xE00  }
0x1a: {  	s18 =	simm.s32 @!p0 $0x70;
	s17 =	simm.s32 @p1 $0x0;
	v2 =	vor.u32 $0x10, v1;
	[sflag:s13] =	ssyncset.done $0x0  }
0x1b: {  	s19 =	simm.s32 @!p0 $0x70;
	s20 =	sadd.s32 @!p0 $0x24C0, s17;
	[sflag:s13] =	ssyncadd.s32 $0xFFFFF200  }
0x1c: {  	[tilespmem:s20], [sflag:$0x1] =	stream.indirect.gather @!p0 [hbm4b:s3+s19], $0x20, s18, s19, $0xb8;
	[tilespmem:$0x5CC0] =	vst v63  }
0x1d: {  	s17 =	sor.u32 @!p0 $0x40C0, s17;
	s18 =	simm.s32 @!p0 $0xCB0  }
0x1e: {  	[tilespmem:s17], [sflag:$0x1] =	stream.indirect.gather @!p0 [hbm4b:s3+s19], $0x20, s18, s19, $0xb8;
	[tilespmem:$0x5CC0] =	vst v63  }
0x1f: {  	v2 =	vld.idx.msk [tilespmem:v2+s12+$0x0], $0xffff  }
0x20: {  	s26 =	sadd.s32 $0x10, s16;
	v1 =	vld.idx.msk [tilespmem:v1+s11+$0x0], $0xffff  }
0x21: {  	v3 =	vmov s26  }
0x22: {  	v3 =	vshll.u32 v3, $0x5  }
0x23: {  	v3 =	vor.u32 v0, v3  }
0x24: {  	v4 =	vor.u32 $0x10, v3  }
0x25: {  	v1 =	vadd.f32 v2, v1  }
0x26: {  	s18 =	simm.s32 $0x0  }
0x27: {  	[tilespmem:s18+$0x1880] =	vst v1  }
0x28: {  	v1 =	vld.idx.msk [tilespmem:v3+s11+$0x0], $0xffff  }
0x29: {  	s28 =	sadd.s32 $0x20, s16;
	v2 =	vld.idx.msk [tilespmem:v4+s12+$0x0], $0xffff  }
0x2a: {  	v3 =	vmov s28  }
0x2b: {  	v3 =	vshll.u32 v3, $0x5  }
0x2c: {  	v3 =	vor.u32 v0, v3  }
0x2d: {  	v59 =	vor.u32 $0x10, v3  }
0x2e: {  	v1 =	vadd.f32 v2, v1;
	_ =	sdelay $0x1  }
0x2f: {  	[tilespmem:s18+$0x1890] =	vst v1  }
0x30: {  	v1 =	vld.idx.msk [tilespmem:v3+s11+$0x0], $0xffff  }
0x31: {  	s29 =	sadd.s32 $0x30, s16;
	v2 =	vld.idx.msk [tilespmem:v59+s12+$0x0], $0xffff  }
0x32: {  	v3 =	vmov s29  }
0x33: {  	v3 =	vshll.u32 v3, $0x5  }
0x34: {  	v3 =	vor.u32 v0, v3  }
0x35: {  	v60 =	vor.u32 $0x10, v3  }
0x36: {  	v1 =	vadd.f32 v2, v1;
	_ =	sdelay $0x1  }
0x37: {  	[tilespmem:s18+$0x18A0] =	vst v1  }
0x38: {  	v1 =	vld.idx.msk [tilespmem:v3+s11+$0x0], $0xffff  }
0x39: {  	s30 =	sadd.s32 $0x40, s16;
	v2 =	vld.idx.msk [tilespmem:v60+s12+$0x0], $0xffff  }
0x3a: {  	v3 =	vmov s30  }
0x3b: {  	v3 =	vshll.u32 v3, $0x5  }
0x3c: {  	v3 =	vor.u32 v0, v3  }
0x3d: {  	v61 =	vor.u32 $0x10, v3  }
0x3e: {  	v1 =	vadd.f32 v2, v1;
	_ =	sdelay $0x1  }
0x3f: {  	[tilespmem:s18+$0x18B0] =	vst v1  }
0x40: {  	v1 =	vld.idx.msk [tilespmem:v3+s11+$0x0], $0xffff  }
0x41: {  	s31 =	sadd.s32 $0x50, s16;
	v2 =	vld.idx.msk [tilespmem:v61+s12+$0x0], $0xffff  }
0x42: {  	v3 =	vmov s31  }
0x43: {  	v3 =	vshll.u32 v3, $0x5  }
0x44: {  	v3 =	vor.u32 v0, v3  }
0x45: {  	v62 =	vor.u32 $0x10, v3  }
0x46: {  	v1 =	vadd.f32 v2, v1;
	_ =	sdelay $0x1  }
0x47: {  	[tilespmem:s18+$0x18C0] =	vst v1  }
0x48: {  	v1 =	vld.idx.msk [tilespmem:v3+s11+$0x0], $0xffff  }
0x49: {  	s16 =	sadd.s32 $0x60, s16;
	v2 =	vld.idx.msk [tilespmem:v62+s12+$0x0], $0xffff  }
0x4a: {  	v3 =	vmov s16  }
0x4b: {  	v3 =	vshll.u32 v3, $0x5  }
0x4c: {  	v3 =	vor.u32 v0, v3  }
0x4d: {  	v63 =	vor.u32 $0x10, v3  }
0x4e: {  	v1 =	vadd.f32 v2, v1;
	_ =	sdelay $0x1  }
0x4f: {  	[tilespmem:s18+$0x18D0] =	vst v1  }
0x50: {  	v1 =	vld.idx.msk [tilespmem:v3+s11+$0x0], $0xffff  }
0x51: {  	s17 =	simm.s32 $0x1;
	s16 =	simm.s32 $0x1C0;
	v2 =	vld.idx.msk [tilespmem:v63+s12+$0x0], $0xffff  }
.LBB2_2:
0x52: {  	s17 =	sadd.s32 $0x1, s17;
	s19 =	smov.u32 s16;
	s16 =	sadd.s32 $0x1C0, s16  }
0x53: {  	p0 =	sne.s32 s16, $0x3100;
	_ =	sdelay $0x3  }
0x54: {  	v1 =	vadd.f32 v2, v1  }
0x55: {  	s20 =	sand.u32 $0x1, s17  }
0x56: {  	p1 =	seq.s32 s20, $0x1;
	[tilespmem:s18+$0x18E0] =	vst v1;
	s18 =	simm.s32 $0x0  }
0x57: {  	s18 =	simm.s32 @!p1 $0x70;
	_ =	swait.ge [sflag:s13], $0xE00;
	p1 =	seq.s32 s19, $0x2F40  }
0x58: {  	[sflag:s13] =	ssyncset.done $0x0;
	s20 =	sand.u32 @!p1 $0x1, s17;
	s21 =	sshra.s32 @!p1 s19, $0x2;
	v1 =	vmov s18  }
0x59: {  	[sflag:s13] =	ssyncadd.s32 $0xFFFFF200;
	p2 =	seq.s32 @!p1 s20, $0x1;
	s20 =	sadd.s32 @!p1 $0x70, s21;
	v1 =	vshll.u32 v1, $0x5  }
0x5a: {  	s22 =	simm.s32 @!p1 $0xE00;
	_ =	swait.ge [sflag:s13], $0xE00;
	p2 =	por !p2, p1;
	v1 =	vor.u32 v0, v1  }
0x5b: {  	s23 =	simm.s32 @!p1 $0x70;
	[sflag:s13] =	ssyncset.done $0x0;
	s22 =	simm.s32 @p2 $0x0;
	v2 =	vor.u32 $0x10, v1  }
0x5c: {  	[sflag:s13] =	ssyncadd.s32 $0xFFFFF200;
	s24 =	sadd.s32 @!p1 $0x24C0, s22;
	s22 =	sor.u32 @!p1 $0x40C0, s22  }
0x5d: {  	[tilespmem:s24], [sflag:$0x1] =	stream.indirect.gather @!p1 [hbm4b:s3+s23], $0x20, s20, s23, $0xb8;
	[tilespmem:$0x5CC0] =	vst v63  }
0x5e: {  	s20 =	sadd.s32 @!p1 $0xCB0, s21;
	s21 =	sadd.s32 $0x10, s18;
	s24 =	sadd.s32 $0x20, s18  }
0x5f: {  	v3 =	vmov s21;
	v4 =	vmov s24;
	[tilespmem:s22], [sflag:$0x1] =	stream.indirect.gather @!p1 [hbm4b:s3+s23], $0x20, s20, s23, $0xb8;
	[tilespmem:$0x5CC0] =	vst v63  }
0x60: {  	s21 =	sadd.s32 $0x40, s18;
	v3 =	vshll.u32 v3, $0x5;
	v4 =	vshll.u32 v4, $0x5;
	s20 =	sadd.s32 $0x30, s18;
	s22 =	sadd.s32 $0x50, s18;
	v2 =	vld.idx.msk [tilespmem:v2+s12+$0x0], $0xffff  }
0x61: {  	v6 =	vmov s21;
	s18 =	sadd.s32 $0x60, s18;
	v5 =	vmov s20;
	v7 =	vmov s22;
	v1 =	vld.idx.msk [tilespmem:v1+s11+$0x0], $0xffff  }
0x62: {  	v6 =	vshll.u32 v6, $0x5;
	v5 =	vshll.u32 v5, $0x5;
	v7 =	vshll.u32 v7, $0x5  }
0x63: {  	v8 =	vmov s18  }
0x64: {  	v8 =	vshll.u32 v8, $0x5  }
0x65: {  	v3 =	vor.u32 v0, v3  }
0x66: {  	v9 =	vor.u32 $0x10, v3  }
0x67: {  	v1 =	vadd.f32 v2, v1  }
0x68: {  	s18 =	sshra.s32 s19, $0x2  }
0x69: {  	[tilespmem:s18+$0x1880] =	vst v1  }
0x6a: {  	v1 =	vld.idx.msk [tilespmem:v3+s11+$0x0], $0xffff  }
0x6b: {  	v2 =	vld.idx.msk [tilespmem:v9+s12+$0x0], $0xffff;
	_ =	sdelay $0x3  }
0x6c: {  	v3 =	vor.u32 v0, v4  }
0x6d: {  	v4 =	vor.u32 $0x10, v3  }
0x6e: {  	v1 =	vadd.f32 v2, v1;
	_ =	sdelay $0x1  }
0x6f: {  	[tilespmem:s18+$0x1890] =	vst v1  }
0x70: {  	v1 =	vld.idx.msk [tilespmem:v3+s11+$0x0], $0xffff  }
0x71: {  	v2 =	vld.idx.msk [tilespmem:v4+s12+$0x0], $0xffff;
	_ =	sdelay $0x3  }
0x72: {  	v3 =	vor.u32 v0, v5  }
0x73: {  	v4 =	vor.u32 $0x10, v3  }
0x74: {  	v1 =	vadd.f32 v2, v1;
	_ =	sdelay $0x1  }
0x75: {  	[tilespmem:s18+$0x18A0] =	vst v1  }
0x76: {  	v1 =	vld.idx.msk [tilespmem:v3+s11+$0x0], $0xffff  }
0x77: {  	v2 =	vld.idx.msk [tilespmem:v4+s12+$0x0], $0xffff;
	_ =	sdelay $0x3  }
0x78: {  	v3 =	vor.u32 v0, v6  }
0x79: {  	v4 =	vor.u32 $0x10, v3  }
0x7a: {  	v1 =	vadd.f32 v2, v1;
	_ =	sdelay $0x1  }
0x7b: {  	[tilespmem:s18+$0x18B0] =	vst v1  }
0x7c: {  	v1 =	vld.idx.msk [tilespmem:v3+s11+$0x0], $0xffff  }
0x7d: {  	v2 =	vld.idx.msk [tilespmem:v4+s12+$0x0], $0xffff;
	_ =	sdelay $0x3  }
0x7e: {  	v3 =	vor.u32 v0, v7  }
0x7f: {  	v4 =	vor.u32 $0x10, v3  }
0x80: {  	v1 =	vadd.f32 v2, v1;
	_ =	sdelay $0x1  }
0x81: {  	[tilespmem:s18+$0x18C0] =	vst v1  }
0x82: {  	v1 =	vld.idx.msk [tilespmem:v3+s11+$0x0], $0xffff  }
0x83: {  	v2 =	vld.idx.msk [tilespmem:v4+s12+$0x0], $0xffff;
	_ =	sdelay $0x2  }
0x84: {  	v3 =	vor.u32 v0, v8  }
0x85: {  	v4 =	vor.u32 $0x10, v3;
	_ =	sdelay $0x1  }
.Ltmp0:
0x86: {  	v1 =	vadd.f32 v2, v1;
	(pc) =	sbr.rel @p0 .LBB2_2-.Ltmp0, $4  }
0x87: {  	_ = 	snop  }
0x88: {  	[tilespmem:s18+$0x18D0] =	vst v1  }
0x89: {  	v1 =	vld.idx.msk [tilespmem:v3+s11+$0x0], $0xffff  }
0x8a: {  	v2 =	vld.idx.msk [tilespmem:v4+s12+$0x0], $0xffff  }
0x8b: {  	_ =	sdelay $0x3  }
0x8c: {  	s15 =	sadd.s32 $0x1, s15;
	v1 =	vadd.f32 v2, v1  }
0x8d: {  	p0 =	sne.s32 s15, s7  }
.Ltmp1:
0x8e: {  	[tilespmem:s18+$0x18E0] =	vst v1;
	(pc) =	sbr.rel @p0 .LBB2_1-.Ltmp1, $4  }
0x8f: {  	[hbm4b:s6+s2] =	stream.linear.scatter [tilespmem:s14], [sflag:$0x2], $0xC40, $0x38;
	[tilespmem:$0x5CC0] =	vst v63  }
0x90: {  	_ =	swait.ge [sflag:s8], $0xC40  }
0x91: {  	[sflag:s8] =	ssyncset.done $0x0  }
0x92: {  	[sflag:s8] =	ssyncadd.s32 $0xFFFFF3C0  }
0x93: {  	_ =	sfence.sel $0x180000  }
0x94: {  	[bflag:$0x0] =	sbarrier.arrive $0xFFFF  }
0x95: {  	p0 =	sne.s32 s0, $0x0;
	_ =	strace $0x90000050  }
0x96: {  	s0 =	sadd.s32 @!p0 $0x100000, s1;
	[bflag:$0x2] =	sbarrier.arrive $0xFFFF  }
0x97: {  	[sflag:s0] =	ssyncadd.tile.s32 @!p0 $0x1;
	_ =	shalt  }
.Lfunc_end2:
_tile_overlayer_lowered:
.L_overlay_start_2:
0x98: {  	(tag) =	ssettag $0x2  }
0x99: {  	s0 =	rddreg [dreg:$0x0];
	s2 =	stileid.u32  }
0x9a: {  	s1 =	rddreg [dreg:$0x1];
	p0 =	sne.s32 s2, $0x0  }
0x9b: {  	s3 =	rddreg [dreg:$0x2];
	[bflag:$0x3] =	sbarrier.arrive $0xFFFF;
	s2 =	simm.s32 @!p0 $0x1C02  }
0x9c: {  	[timem:s3], [sflag:s2] =	dma.local @!p0 [hbm:s0], s1  }
0x9d: {  	s0 =	simm.s32 @!p0 $0x2  }
0x9e: {  	_ =	swait.ge @!p0 [sflag:s0], s1  }
0x9f: {  	s1 =	ssub.s32 @!p0 $0x0, s1;
	[sflag:s0] =	ssyncset.done @!p0 $0x0  }
0xa0: {  	[sflag:s0] =	ssyncadd.s32 @!p0 s1  }
0xa1: {  	[bflag:$0x3] =	sbarrier.arrive $0xFFFF  }
0xa2: {  	_ =	shalt  }

// kernel: kernel.9.cloned.1.call-start
scs
__scs_entry_jumppad:
0x0: {  	(pc) =	sbr.rel $0x88, $3  }
0x1: {  	(tag) =	ssettag $0x0;
	lr =	simm.s32 $0x1  }
0x2: {  	[smem:$0x3F91] =	sst lr;
	_ =	strace $0xD0000000  }
0x3: {  	_ = 	snop  }
0x4: {  	_ = 	snop  }
0x5: {  	_ = 	snop  }
0x6: {  	_ = 	snop  }
0x7: {  	_ = 	snop  }
__scs_overlays_trampoline_lowered:
0x8: {  	[smem:$0x3FA0] =	sst s0  }
0x9: {  	[smem:$0x3FA1] =	sst s1  }
0xa: {  	[smem:$0x3FA2] =	sst s2  }
0xb: {  	[smem:$0x3FA3] =	sst s3  }
0xc: {  	[smem:$0x3FA4] =	sst s4  }
0xd: {  	[smem:$0x3FA5] =	sst s5  }
0xe: {  	[smem:$0x3FA6] =	sst s6  }
0xf: {  	[smem:$0x3FA7] =	sst s7  }
0x10: {  	[smem:$0x3FA8] =	sst s8  }
0x11: {  	[smem:$0x3FA9] =	sst s9;
	s0 =	simm.s32 @!p0 $0x0  }
0x12: {  	s1 =	sld [smem:$0x3F8F];
	s0 =	simm.s32 @p0 $0x1  }
0x13: {  	[smem:$0x3FAA] =	sst s0;
	s0 =	simm.s32 @!p1 $0x0  }
0x14: {  	s2 =	sld [smem:$0x3F8E];
	s0 =	simm.s32 @p1 $0x1  }
0x15: {  	[smem:$0x3FAB] =	sst s0;
	s0 =	simm.s32 @!p2 $0x0  }
0x16: {  	s3 =	sld [smem:$0x3FDB];
	s0 =	simm.s32 @p2 $0x1  }
0x17: {  	s4 =	simm.s32 $0x1BF5;
	[smem:$0x3FAD] =	sst s0  }
0x18: {  	s0 =	sld [smem:$0x3F90];
	_ =	swait.ge [sflag:s4], $0x0  }
0x19: {  	s7 =	sld [smem:$0x3F91]  }
0x1a: {  	s8 =	sadd.s32 $0xFFFFE003, lr  }
0x1b: {  	s9 =	sadd.s32 $0xFFFFFEF7, lr;
	s5 =	simm.s32 $0xFFFFFFFF;
	p2 =	slt.u32 s8, $0xFFFFF086  }
0x1c: {  	p1 =	slt.u32 s9, $0xF7A;
	s5 =	simm.s32 @!p2 $0x0  }
0x1d: {  	s5 =	simm.s32 @p1 $0x1;
	p0 =	seq.s32 s7, s2  }
0x1e: {  	s7 =	smul.u32 @!p0 $0xF7A, s2;
	p2 =	seq.s32 @!p0 s5, $0x0  }
0x1f: {  	s9 =	smul.u32 $0xF7A, s1;
	s8 =	simm.s32 @!p0 $0x1BF5;
	p2 =	por !p2, p0  }
0x20: {  	[sflag:s8] =	ssyncset.s32 @!p0 $0xFFFFF086;
	s6 =	sadd.s32 @!p0 s3, s7;
	s7 =	simm.s32 @!p0 $0x108  }
0x21: {  	s3 =	sadd.s32 s3, s9;
	s6 =	sadd.s32 @!p0 $0x88, s6;
	s7 =	simm.s32 @p2 $0x1082  }
0x22: {  	[simem:s7], [sflag:s8] =	dma.local @!p0 [hbm:s6], $0xF7A  }
0x23: {  	s9 =	sor.u32 $0xD0000000, s2;
	s6 =	simm.s32 $0x108;
	_ =	swait.ge @!p0 [sflag:s8], $0x0  }
0x24: {  	s3 =	sadd.s32 $0x88, s3;
	s6 =	simm.s32 @!p1 $0x1082;
	[sflag:s4] =	ssyncset.s32 $0xFFFFF086  }
0x25: {  	[simem:s6], [sflag:s4] =	dma.local [hbm:s3], $0xF7A  }
0x26: {  	[smem:$0x3F91] =	sst s1;
	(tag) =	ssettag s2;
	_ =	strace s9  }
0x27: {  	s1 =	sld [smem:$0x3FA1]  }
0x28: {  	s2 =	sld [smem:$0x3FA2]  }
0x29: {  	s4 =	sld [smem:$0x3FA4]  }
0x2a: {  	p0 =	seq.s32 s5, $0x0;
	s5 =	sld [smem:$0x3FA5]  }
0x2b: {  	s6 =	sld [smem:$0x3FA6]  }
0x2c: {  	s7 =	sld [smem:$0x3FA7]  }
0x2d: {  	s3 =	simm.s32 $0x108;
	s8 =	sld [smem:$0x3FA8]  }
0x2e: {  	s3 =	simm.s32 @!p0 $0x1082;
	s9 =	sld [smem:$0x3FA9]  }
0x2f: {  	lr =	sadd.s32 s0, s3;
	s0 =	sld [smem:$0x3FA0]  }
0x30: {  	s3 =	sld [smem:$0x3FA3]  }
0x31: {  	[smem:$0x3FAC] =	sst s10  }
0x32: {  	s10 =	sld [smem:$0x3FAA];
	_ =	sdelay $0x3  }
0x33: {  	p0 =	seq.s32 s10, $0x1;
	s10 =	sld [smem:$0x3FAC];
	_ =	sdelay $0x3  }
0x34: {  	[smem:$0x3FAC] =	sst s10  }
0x35: {  	s10 =	sld [smem:$0x3FAB];
	_ =	sdelay $0x3  }
0x36: {  	p1 =	seq.s32 s10, $0x1;
	s10 =	sld [smem:$0x3FAC];
	_ =	sdelay $0x3  }
0x37: {  	[smem:$0x3FAC] =	sst s10  }
0x38: {  	s10 =	sld [smem:$0x3FAD]  }
0x39: {  	_ = 	snop;
	(pc) =	sbr.ind lr, $3  }
0x3a: {  	_ = 	snop  }
0x3b: {  	_ = 	snop  }
0x3c: {  	p2 =	seq.s32 s10, $0x1;
	s10 =	sld [smem:$0x3FAC]  }
0x3d: {  	_ =	shalt  }
0x3e: {  	_ =	shalt  }
0x3f: {  	_ =	shalt  }
0x40: {  	_ =	shalt  }
0x41: {  	_ =	shalt  }
0x42: {  	_ =	shalt  }
0x43: {  	_ =	shalt  }
0x44: {  	_ =	shalt  }
0x45: {  	_ =	shalt  }
0x46: {  	_ =	shalt  }
0x47: {  	_ =	shalt  }
0x48: {  	_ =	shalt  }
0x49: {  	_ =	shalt  }
0x4a: {  	_ =	shalt  }
0x4b: {  	_ =	shalt  }
0x4c: {  	_ =	shalt  }
0x4d: {  	_ =	shalt  }
0x4e: {  	_ =	shalt  }
0x4f: {  	_ =	shalt  }
0x50: {  	_ =	shalt  }
0x51: {  	_ =	shalt  }
0x52: {  	_ =	shalt  }
0x53: {  	_ =	shalt  }
0x54: {  	_ =	shalt  }
0x55: {  	_ =	shalt  }
0x56: {  	_ =	shalt  }
0x57: {  	_ =	shalt  }
0x58: {  	_ =	shalt  }
0x59: {  	_ =	shalt  }
0x5a: {  	_ =	shalt  }
0x5b: {  	_ =	shalt  }
0x5c: {  	_ =	shalt  }
0x5d: {  	_ =	shalt  }
0x5e: {  	_ =	shalt  }
0x5f: {  	_ =	shalt  }
0x60: {  	_ =	shalt  }
0x61: {  	_ =	shalt  }
0x62: {  	_ =	shalt  }
0x63: {  	_ =	shalt  }
0x64: {  	_ =	shalt  }
0x65: {  	_ =	shalt  }
0x66: {  	_ =	shalt  }
0x67: {  	_ =	shalt  }
0x68: {  	_ =	shalt  }
0x69: {  	_ =	shalt  }
0x6a: {  	_ =	shalt  }
0x6b: {  	_ =	shalt  }
0x6c: {  	_ =	shalt  }
0x6d: {  	_ =	shalt  }
0x6e: {  	_ =	shalt  }
0x6f: {  	_ =	shalt  }
0x70: {  	_ =	shalt  }
0x71: {  	_ =	shalt  }
0x72: {  	_ =	shalt  }
0x73: {  	_ =	shalt  }
0x74: {  	_ =	shalt  }
0x75: {  	_ =	shalt  }
0x76: {  	_ =	shalt  }
0x77: {  	_ =	shalt  }
0x78: {  	_ =	shalt  }
0x79: {  	_ =	shalt  }
0x7a: {  	_ =	shalt  }
0x7b: {  	_ =	shalt  }
0x7c: {  	_ =	shalt  }
0x7d: {  	_ =	shalt  }
0x7e: {  	_ =	shalt  }
0x7f: {  	_ =	shalt  }
0x80: {  	_ =	shalt  }
0x81: {  	_ =	shalt  }
0x82: {  	_ =	shalt  }
0x83: {  	_ =	shalt  }
0x84: {  	_ =	shalt  }
0x85: {  	_ =	shalt  }
0x86: {  	_ =	shalt  }
0x87: {  	_ =	shalt  }
.Lfunc_end0:
.L_simem_size_0:
called_computation_lowered:
.L_overlay_start_0:
0x88: {  	s2 =	sld [smem:$0x3FD9]  }
0x89: {  	s3 =	sld [smem:$0x3FFE];
	_ =	sdelay $0x1  }
0x8a: {  	s1 =	srdreg.scid  }
0x8b: {  	s0 =	sand.u32 $0x1, s1  }
0x8c: {  	s16 =	sshll.u32 s0, $0xA;
	s2 =	sadd.s32 s3, s2  }
0x8d: {  	s2 =	sadd.s32 s2, s16  }
0x8e: {  	[smem:$0x3FB8] =	sst s2  }
0x8f: {  	_ = 	snop  }
0x90: {  	(tm) =	ssettm $0x1  }
0x91: {  	s17 =	sld [smem:$0x3FFB];
	_ =	sdelay $0x3  }
0x92: {  	_ =	strace s17  }
0x93: {  	s2 =	sld [smem:$0x3FFC];
	_ =	sdelay $0x3  }
0x94: {  	_ =	strace s2  }
0x95: {  	s2 =	sld [smem:$0x3FFD];
	_ =	sdelay $0x3  }
0x96: {  	_ =	strace s2  }
0x97: {  	_ =	strace $0x8FFFFFFF  }
0x98: {  	s18 =	sld [smem:$0x3FDB];
	_ =	sdelay $0x1  }
0x99: {  	s19 =	simm.s32 $_scs_section_size  }
0x9a: {  	s4 =	simm.s32 $_size__tile_overlayer_lowered;
	s5 =	simm.s32 $_tile_overlayer_lowered  }
0x9b: {  	s22 =	simm.s32 $0x1BFF;
	s21 =	sshll.u32 s5, $0x1;
	s2 =	sadd.s32 s19, s18  }
0x9c: {  	s6 =	simm.s32 $0x0;
	s20 =	sshll.u32 s4, $0x1;
	s4 =	sadd.s32 s21, s2  }
0x9d: {  	[timem:s6], [sflag:s22] =	dma.local [hbm:s4], s20  }
0x9e: {  	_ =	swait.ge [sflag:s22], s20  }
0x9f: {  	s3 =	ssub.s32 $0x0, s20;
	[sflag:s22] =	ssyncset.done $0x0  }
0xa0: {  	[sflag:s22] =	ssyncadd.s32 s3;
	_ =	sdelay $0x1  }
0xa1: {  	s23 =	simm.s32 $0x1B8B  }
0xa2: {  	_ =	swait.ge [sflag:s23], $0x1  }
0xa3: {  	[sflag:s23] =	ssyncset.done $0x0  }
0xa4: {  	s25 =	simm.s32 $0x1B8E;
	s24 =	sld [smem:$0x3FFE];
	[sflag:s23] =	ssyncadd.s32 $0xFFFFFFFF  }
0xa5: {  	s26 =	simm.s32 $execute0_lowered;
	[smem:$0x3FD2] =	sst s25  }
0xa6: {  	s4 =	sshll.u32 s26, $0x1;
	_ =	strace $0x80000046;
	[dreg:$0x1] =	wrdreg $0xFFFFFFFF  }
0xa7: {  	s28 =	simm.s32 $_size_execute0_lowered;
	s2 =	sadd.s32 s2, s4;
	[dreg:$0x0] =	wrdreg $0x0  }
0xa8: {  	s4 =	sshll.u32 s28, $0x1;
	[dreg:$0x2] =	wrdreg s2  }
0xa9: {  	[dreg:$0x3] =	wrdreg s4  }
0xaa: {  	[dreg:$0x4] =	wrdreg $0xC0  }
0xab: {  	_ =	task [dreg:s6], $0x5FFFF  }
0xac: {  	[dreg:$0x1] =	wrdreg $0xFFFFFFFF  }
0xad: {  	[dreg:$0x0] =	wrdreg $0x60  }
0xae: {  	[dreg:$0x2] =	wrdreg s24  }
0xaf: {  	[dreg:$0x3] =	wrdreg $0x0  }
0xb0: {  	[dreg:$0x4] =	wrdreg $0x9  }
0xb1: {  	_ =	task.clear_ibuf [dreg:s6], $0x5FFFF;
	_ =	strace $0x90000046  }
0xb2: {  	s29 =	simm.s32 $0x9;
	_ =	strace $0x80000048  }
0xb3: {  	_ =	swait.ge [sflag:s29], $0x1  }
0xb4: {  	[sflag:s29] =	ssyncadd.s32 $0xFFFFFFFF  }
0xb5: {  	_ =	strace $0x90000048  }
0xb6: {  	_ =	sfence  }
0xb7: {  	s30 =	sld [smem:$0x0];
	_ =	sdelay $0x2  }
0xb8: {  	s31 =	sshll.u32 s1, $0xD;
	s1 =	sshrl.u32 s1, $0x2  }
0xb9: {  	s3 =	sand.u32 $0x4000, s31;
	s1 =	sadd.s32 s1, s30  }
0xba: {  	s0 =	sor.u32 s3, s0;
	s1 =	sshll.u32 s1, $0x11  }
0xbb: {  	s0 =	sor.u32 s1, s0  }
0xbc: {  	s0 =	sadd.s32 $0x8F2B, s0  }
0xbd: {  	[sflag:s0] =	ssyncadd.remote.s32 $0x1  }
0xbe: {  	_ =	sfence.sel $0xFFFF  }
0xbf: {  	[dreg:$0x0] =	wrdreg $0xFFFFFFFF;
	(pc) =	sbr.abs _section_cstart, $3  }
0xc0: {  	[dreg:$0x1] =	wrdreg $0xFFFFFFFF  }
0xc1: {  	_ =	task.clear_ibuf [dreg:s6], $0x2FFFF;
	_ =	strace $0x9FFFFFFF  }
0xc2: {  	(tm) =	ssettm $0x7FFFFFFF  }
0xc3: {  	_ =	shalt  }
tec
execute0_lowered:
.L_overlay_start_1:
0x0: {  	(tag) =	ssettag $0x1  }
0x1: {  	s0 =	rddreg [dreg:$0x0]  }
0x2: {  	s1 =	rddreg [dreg:$0x1];
	s2 =	srdreg.scid  }
0x3: {  	s3 =	simm.s32 $0x0;
	s10 =	stileid.u32;
	s28 =	simm.s32 $0xDC00  }
0x4: {  	s29 =	simm.s32 $0x3;
	s31 =	simm.s32 $0xC400;
	s2 =	sand.u32 $0x1, s2  }
0x5: {  	s30 =	simm.s32 $0x1;
	s9 =	smul.u32 $0x31000, s10;
	s4 =	sshll.u32 s2, $0x4  }
0x6: {  	s6 =	ssub.s32 $0x2, s2;
	p0 =	seq.s32 s2, $0x1;
	s2 =	smul.u32 $0xC4000, s2  }
0x7: {  	[smem:$0x7FF] =	sst s3;
	s4 =	sor.u32 s10, s4;
	s10 =	smul.u32 $0xC400, s10  }
0x8: {  	s7 =	sadd.s32 $0x3000, s0;
	_ =	strace $0x80000047;
	s5 =	smul.u32 $0xC400, s4  }
0x9: {  	s8 =	sshrl.u32 s6, $0x1;
	s9 =	sshrl.u32 s9, $0x2;
	s4 =	smul.u32 $0x1880, s4  }
0xa: {  	s8 =	ssub.s32 s6, s8;
	s11 =	sshrl.u32 s10, $0x3;
	s12 =	sadd.s32 s10, s1  }
0xb: {  	s8 =	smax.u32 s8, $0x1;
	s2 =	sadd.s32 s10, s2;
	s5 =	sshrl.u32 s5, $0x3  }
0xc: {  	s4 =	sadd.s32 s7, s4;
	[dreg:$0x5] =	wrdreg s8;
	s8 =	simm.s32 $0x34000  }
0xd: {  	s2 =	sadd.s32 $0xC00, s2;
	s5 =	sadd.s32 s7, s5;
	[dreg:$0x3] =	wrdreg s4  }
0xe: {  	s8 =	simm.s32 @!p0 $0x4C800;
	s2 =	sshrl.u32 s2, $0x3;
	s6 =	sadd.s32 $0x80, s5  }
0xf: {  	s4 =	simm.s32 $0x0;
	s0 =	sadd.s32 s8, s0;
	[dreg:$0x4] =	wrdreg s6  }
0x10: {  	s6 =	sadd.s32 s9, s1;
	s20 =	sadd.s32 s0, s11;
	s0 =	simm.s32 $0x2  }
0x11: {  	s22 =	sadd.s32 $0xC40, s6;
	s23 =	sadd.s32 $0x1880, s6;
	s24 =	sadd.s32 $0x24C0, s6  }
0x12: {  	s25 =	sadd.s32 $0x3100, s6;
	s26 =	sadd.s32 $0x3D40, s6;
	[dreg:$0x6] =	wrdreg s22  }
0x13: {  	s13 =	sadd.s32 $0x4980, s6;
	s14 =	sadd.s32 $0x55C0, s6;
	[dreg:$0x7] =	wrdreg s23  }
0x14: {  	s15 =	sadd.s32 $0x6200, s6;
	s16 =	sadd.s32 $0x6E40, s6;
	[dreg:$0x8] =	wrdreg s24  }
0x15: {  	s17 =	sadd.s32 $0x7A80, s6;
	s18 =	sadd.s32 $0x86C0, s6;
	[dreg:$0x9] =	wrdreg s25  }
0x16: {  	s19 =	sadd.s32 $0x9300, s6;
	s21 =	sadd.s32 $0x9F40, s6;
	[dreg:$0xa] =	wrdreg s26  }
0x17: {  	s22 =	sadd.s32 s2, s7;
	s23 =	sadd.s32 $0xAB80, s6;
	s24 =	sadd.s32 $0x100, s5  }
0x18: {  	v0 =	vimm.f32 $1.000000000e+00;
	v1 =	vimm.f32 $0.0e+00;
	s25 =	sshrl.u32 s12, $0x3;
	s26 =	sadd.s32 $0xB7C0, s6;
	s2 =	simm.s32 $0x80  }
.LBB2_1:
0x19: {  	s5 =	simm.s32 $0x0  }
.LBB2_2:
0x1a: {  	p0 =	sne.s32 s5, $0x1FC0  }
.Ltmp0:
0x1b: {  	_ = 	snop;
	(pc) =	sbr.rel @p0 .LBB2_2-.Ltmp0, $3  }
0x1c: {  	_ =	sdelay $0x1  }
0x1d: {  	s7 =	sshra.s32 s5, $0x2  }
0x1e: {  	s5 =	sadd.s32 $0x40, s5;
	[tilespmem:s7+$0xC400] =	vst v0  }
0x1f: {  	s5 =	simm.s32 $0x40;
	s7 =	simm.s32 $0x0  }
.LBB2_4:
0x20: {  	p0 =	sne.s32 s5, $0x30C0;
	[tilespmem:s7+$0xDC00] =	vst v1;
	s7 =	smov.u32 s5;
	s5 =	sadd.s32 $0x40, s5  }
.Ltmp1:
0x21: {  	(pc) =	sbr.rel @p0 .LBB2_4-.Ltmp1, $2  }
0x22: {  	_ =	sdelay $0x2  }
0x23: {  	s7 =	sshra.s32 s7, $0x2  }
0x24: {  	[tilespmem:s7+$0xDC00] =	vst v1  }
0x25: {  	[spmem:s6] =	stream.linear.scatter [tilespmem:s28], [sflag:$0x3], $0xC40, $0x38;
	[tilespmem:$0xE840] =	vst v63  }
0x26: {  	_ =	swait.ge [sflag:s29], $0xC40  }
0x27: {  	[sflag:s29] =	ssyncset.done $0x0  }
0x28: {  	s5 =	rddreg [dreg:$0x6];
	[sflag:s29] =	ssyncadd.s32 $0xFFFFF3C0  }
0x29: {  	[spmem:s5] =	stream.linear.scatter [tilespmem:s28], [sflag:$0x3], $0xC40, $0x38;
	[tilespmem:$0xE840] =	vst v63  }
0x2a: {  	_ =	swait.ge [sflag:s29], $0xC40  }
0x2b: {  	[sflag:s29] =	ssyncset.done $0x0  }
0x2c: {  	s7 =	rddreg [dreg:$0x7];
	[sflag:s29] =	ssyncadd.s32 $0xFFFFF3C0  }
0x2d: {  	[spmem:s7] =	stream.linear.scatter [tilespmem:s28], [sflag:$0x3], $0xC40, $0x38;
	[tilespmem:$0xE840] =	vst v63  }
0x2e: {  	_ =	swait.ge [sflag:s29], $0xC40  }
0x2f: {  	[sflag:s29] =	ssyncset.done $0x0  }
0x30: {  	s8 =	rddreg [dreg:$0x8];
	[sflag:s29] =	ssyncadd.s32 $0xFFFFF3C0  }
0x31: {  	[spmem:s8] =	stream.linear.scatter [tilespmem:s28], [sflag:$0x3], $0xC40, $0x38;
	[tilespmem:$0xE840] =	vst v63  }
0x32: {  	_ =	swait.ge [sflag:s29], $0xC40  }
0x33: {  	[sflag:s29] =	ssyncset.done $0x0  }
0x34: {  	s9 =	rddreg [dreg:$0x9];
	[sflag:s29] =	ssyncadd.s32 $0xFFFFF3C0  }
0x35: {  	[spmem:s9] =	stream.linear.scatter [tilespmem:s28], [sflag:$0x3], $0xC40, $0x38;
	[tilespmem:$0xE840] =	vst v63  }
0x36: {  	_ =	swait.ge [sflag:s29], $0xC40  }
0x37: {  	[sflag:s29] =	ssyncset.done $0x0  }
0x38: {  	s10 =	rddreg [dreg:$0xa];
	[sflag:s29] =	ssyncadd.s32 $0xFFFFF3C0  }
0x39: {  	[spmem:s10] =	stream.linear.scatter [tilespmem:s28], [sflag:$0x3], $0xC40, $0x38;
	[tilespmem:$0xE840] =	vst v63  }
0x3a: {  	_ =	swait.ge [sflag:s29], $0xC40  }
0x3b: {  	[sflag:s29] =	ssyncset.done $0x0  }
0x3c: {  	[sflag:s29] =	ssyncadd.s32 $0xFFFFF3C0  }
0x3d: {  	[spmem:s13] =	stream.linear.scatter [tilespmem:s28], [sflag:$0x3], $0xC40, $0x38;
	[tilespmem:$0xE840] =	vst v63  }
0x3e: {  	_ =	swait.ge [sflag:s29], $0xC40  }
0x3f: {  	[sflag:s29] =	ssyncset.done $0x0  }
0x40: {  	[sflag:s29] =	ssyncadd.s32 $0xFFFFF3C0  }
0x41: {  	[spmem:s14] =	stream.linear.scatter [tilespmem:s28], [sflag:$0x3], $0xC40, $0x38;
	[tilespmem:$0xE840] =	vst v63  }
0x42: {  	_ =	swait.ge [sflag:s29], $0xC40  }
0x43: {  	[sflag:s29] =	ssyncset.done $0x0  }
0x44: {  	[sflag:s29] =	ssyncadd.s32 $0xFFFFF3C0  }
0x45: {  	[spmem:s15] =	stream.linear.scatter [tilespmem:s28], [sflag:$0x3], $0xC40, $0x38;
	[tilespmem:$0xE840] =	vst v63  }
0x46: {  	_ =	swait.ge [sflag:s29], $0xC40  }
0x47: {  	[sflag:s29] =	ssyncset.done $0x0  }
0x48: {  	[sflag:s29] =	ssyncadd.s32 $0xFFFFF3C0  }
0x49: {  	[spmem:s16] =	stream.linear.scatter [tilespmem:s28], [sflag:$0x3], $0xC40, $0x38;
	[tilespmem:$0xE840] =	vst v63  }
0x4a: {  	_ =	swait.ge [sflag:s29], $0xC40  }
0x4b: {  	[sflag:s29] =	ssyncset.done $0x0  }
0x4c: {  	[sflag:s29] =	ssyncadd.s32 $0xFFFFF3C0  }
0x4d: {  	[spmem:s17] =	stream.linear.scatter [tilespmem:s28], [sflag:$0x3], $0xC40, $0x38;
	[tilespmem:$0xE840] =	vst v63  }
0x4e: {  	_ =	swait.ge [sflag:s29], $0xC40  }
0x4f: {  	[sflag:s29] =	ssyncset.done $0x0  }
0x50: {  	[sflag:s29] =	ssyncadd.s32 $0xFFFFF3C0  }
0x51: {  	[spmem:s18] =	stream.linear.scatter [tilespmem:s28], [sflag:$0x3], $0xC40, $0x38;
	[tilespmem:$0xE840] =	vst v63  }
0x52: {  	_ =	swait.ge [sflag:s29], $0xC40  }
0x53: {  	[sflag:s29] =	ssyncset.done $0x0  }
0x54: {  	[sflag:s29] =	ssyncadd.s32 $0xFFFFF3C0  }
0x55: {  	[spmem:s19] =	stream.linear.scatter [tilespmem:s28], [sflag:$0x3], $0xC40, $0x38;
	[tilespmem:$0xE840] =	vst v63  }
0x56: {  	_ =	swait.ge [sflag:s29], $0xC40  }
0x57: {  	[sflag:s29] =	ssyncset.done $0x0  }
0x58: {  	[sflag:s29] =	ssyncadd.s32 $0xFFFFF3C0  }
0x59: {  	[spmem:s21] =	stream.linear.scatter [tilespmem:s28], [sflag:$0x3], $0xC40, $0x38;
	[tilespmem:$0xE840] =	vst v63  }
0x5a: {  	_ =	swait.ge [sflag:s29], $0xC40  }
0x5b: {  	[sflag:s29] =	ssyncset.done $0x0  }
0x5c: {  	[sflag:s29] =	ssyncadd.s32 $0xFFFFF3C0  }
0x5d: {  	[spmem:s23] =	stream.linear.scatter [tilespmem:s28], [sflag:$0x3], $0xC40, $0x38;
	[tilespmem:$0xE840] =	vst v63  }
0x5e: {  	_ =	swait.ge [sflag:s29], $0xC40  }
0x5f: {  	[sflag:s29] =	ssyncset.done $0x0  }
0x60: {  	[sflag:s29] =	ssyncadd.s32 $0xFFFFF3C0  }
0x61: {  	[spmem:s26] =	stream.linear.scatter [tilespmem:s28], [sflag:$0x3], $0xC40, $0x38;
	[tilespmem:$0xE840] =	vst v63  }
0x62: {  	_ =	swait.ge [sflag:s29], $0xC40  }
0x63: {  	[sflag:s29] =	ssyncset.done $0x0  }
0x64: {  	[sflag:s29] =	ssyncadd.s32 $0xFFFFF3C0  }
0x65: {  	[bflag:$0x0] =	sbarrier.arrive $0xFFFF  }
0x66: {  	s12 =	simm.s32 $0xCC00;
	s11 =	rddreg [dreg:$0x3]  }
0x67: {  	[tilespmem:s12], [sflag:$0x1] =	stream.linear.gather [hbm4b:s11+s3], $0x400, $0x38;
	[tilespmem:$0xE840] =	vst v63  }
0x68: {  	s8 =	simm.s32 $0xD000;
	s9 =	simm.s32 $0x1;
	s7 =	rddreg [dreg:$0x4]  }
0x69: {  	[tilespmem:s8], [sflag:$0x1] =	stream.linear.gather [hbm4b:s7+s3], $0x400, $0x38;
	[tilespmem:$0xE840] =	vst v63  }
0x6a: {  	_ =	swait.ge [sflag:s9], $0x400  }
0x6b: {  	[sflag:s9] =	ssyncset.done $0x0  }
0x6c: {  	s10 =	simm.s32 $0xD400;
	[sflag:s9] =	ssyncadd.s32 $0xFFFFFC00  }
0x6d: {  	[tilespmem:s10], [sflag:$0x1] =	stream.linear.gather [hbm4b:s24+s3], $0x400, $0x38;
	[tilespmem:$0xE840] =	vst v63  }
0x6e: {  	s11 =	simm.s32 $0xCC80  }
0x6f: {  	[spmem:s1] =	stream.indirect.scatter.add.f32 [tilespmem:s31], [sflag:$0x2], $0x10, s11, s2, $0xb8;
	[tilespmem:$0xE840] =	vst v63  }
0x70: {  	s12 =	simm.s32 $0xCD80  }
0x71: {  	[spmem:s1] =	stream.indirect.scatter.add.f32 [tilespmem:s31], [sflag:$0x2], $0x10, s12, s2, $0xb8;
	[tilespmem:$0xE840] =	vst v63  }
0x72: {  	s7 =	simm.s32 $0xCE80  }
0x73: {  	[spmem:s1] =	stream.indirect.scatter.add.f32 [tilespmem:s31], [sflag:$0x2], $0x10, s7, s2, $0xb8;
	[tilespmem:$0xE840] =	vst v63  }
0x74: {  	s8 =	simm.s32 $0xCF80  }
0x75: {  	[spmem:s1] =	stream.indirect.scatter.add.f32 [tilespmem:s31], [sflag:$0x2], $0x10, s8, s2, $0xb8;
	[tilespmem:$0xE840] =	vst v63  }
0x76: {  	_ =	swait.ge [sflag:s30], $0x400  }
0x77: {  	[sflag:s30] =	ssyncset.done $0x0  }
0x78: {  	[sflag:s30] =	ssyncadd.s32 $0xFFFFFC00  }
0x79: {  	_ =	swait.ge [sflag:s0], $0x800  }
0x7a: {  	[sflag:s0] =	ssyncset.done $0x0  }
0x7b: {  	[sflag:s0] =	ssyncadd.s32 $0xFFFFF800  }
0x7c: {  	_ =	swait.ge [sflag:s0], $0x800  }
0x7d: {  	[sflag:s0] =	ssyncset.done $0x0  }
0x7e: {  	[sflag:s0] =	ssyncadd.s32 $0xFFFFF800  }
0x7f: {  	_ =	swait.ge [sflag:s0], $0x800  }
0x80: {  	p0 =	por $0x0, $0x0;
	s5 =	simm.s32 $0x3000;
	[sflag:s0] =	ssyncset.done $0x0  }
0x81: {  	s5 =	sand.u32 @!p0 $0x3000, s5;
	[sflag:s0] =	ssyncadd.s32 $0xFFFFF800  }
0x82: {  	s5 =	sshrl.u32 @!p0 s5, $0x2;
	_ =	swait.ge [sflag:s0], $0x800  }
0x83: {  	s5 =	sadd.s32 @!p0 $0xCC00, s5;
	s9 =	simm.s32 $0x400;
	[sflag:s0] =	ssyncset.done $0x0  }
0x84: {  	s7 =	simm.s32 @!p0 $0x0;
	s8 =	sand.u32 $0xC00, s9;
	[sflag:s0] =	ssyncadd.s32 $0xFFFFF800  }
0x85: {  	[tilespmem:s5], [sflag:$0x1] =	stream.linear.gather @!p0 [hbm4b:s22+s7], $0x400, $0x38;
	[tilespmem:$0xE840] =	vst v63  }
0x86: {  	s9 =	sadd.s32 $0x80, s22;
	s10 =	sadd.s32 $0xCC80, s8  }
0x87: {  	[spmem:s1] =	stream.indirect.scatter.add.f32 [tilespmem:s31], [sflag:$0x2], $0x10, s10, s2, $0xb8;
	[tilespmem:$0xE840] =	vst v63  }
0x88: {  	s11 =	sadd.s32 $0xCD80, s8;
	s12 =	sadd.s32 $0xCE80, s8;
	s5 =	simm.s32 $0x800  }
0x89: {  	[spmem:s1] =	stream.indirect.scatter.add.f32 [tilespmem:s31], [sflag:$0x2], $0x10, s11, s2, $0xb8;
	[tilespmem:$0xE840] =	vst v63  }
0x8a: {  	s7 =	simm.s32 $0x4000;
	s10 =	sadd.s32 $0xCF80, s8;
	s8 =	simm.s32 $0x2  }
0x8b: {  	[spmem:s1] =	stream.indirect.scatter.add.f32 [tilespmem:s31], [sflag:$0x2], $0x10, s12, s2, $0xb8;
	[tilespmem:$0xE840] =	vst v63  }
.LBB2_6:
0x8c: {  	[spmem:s1] =	stream.indirect.scatter.add.f32 [tilespmem:s31], [sflag:$0x2], $0x10, s10, s2, $0xb8;
	[tilespmem:$0xE840] =	vst v63  }
0x8d: {  	s10 =	smov.u32 s5;
	s5 =	sadd.s32 $0x400, s5;
	_ =	swait.ge [sflag:s30], $0x400  }
0x8e: {  	p0 =	sne.s32 s5, $0xC400;
	[sflag:s30] =	ssyncset.done $0x0  }
0x8f: {  	[sflag:s30] =	ssyncadd.s32 $0xFFFFFC00  }
0x90: {  	_ =	swait.ge [sflag:s0], $0x800  }
0x91: {  	[sflag:s0] =	ssyncset.done $0x0  }
0x92: {  	[sflag:s0] =	ssyncadd.s32 $0xFFFFF800  }
0x93: {  	_ =	swait.ge [sflag:s0], $0x800  }
0x94: {  	[sflag:s0] =	ssyncset.done $0x0  }
0x95: {  	[sflag:s0] =	ssyncadd.s32 $0xFFFFF800  }
0x96: {  	_ =	swait.ge [sflag:s0], $0x800  }
0x97: {  	[sflag:s0] =	ssyncset.done $0x0  }
0x98: {  	p1 =	sgt.u32 s8, $0x2E;
	[sflag:s0] =	ssyncadd.s32 $0xFFFFF800  }
0x99: {  	s11 =	sand.u32 @!p1 $0x3000, s7;
	_ =	swait.ge [sflag:s0], $0x800  }
0x9a: {  	s10 =	sand.u32 $0xC00, s10;
	s11 =	sshrl.u32 @!p1 s11, $0x2;
	[sflag:s0] =	ssyncset.done $0x0  }
0x9b: {  	s12 =	simm.s32 @!p1 $0x0;
	s11 =	sadd.s32 @!p1 $0xCC00, s11;
	[sflag:s0] =	ssyncadd.s32 $0xFFFFF800  }
0x9c: {  	[tilespmem:s11], [sflag:$0x1] =	stream.linear.gather @!p1 [hbm4b:s9+s12], $0x400, $0x38;
	[tilespmem:$0xE840] =	vst v63  }
0x9d: {  	s11 =	sadd.s32 $0xCC80, s10  }
0x9e: {  	[spmem:s1] =	stream.indirect.scatter.add.f32 [tilespmem:s31], [sflag:$0x2], $0x10, s11, s2, $0xb8;
	[tilespmem:$0xE840] =	vst v63  }
.Ltmp2:
0x9f: {  	s11 =	sadd.s32 $0xCD80, s10;
	(pc) =	sbr.rel @p0 .LBB2_6-.Ltmp2, $4  }
0xa0: {  	[spmem:s1] =	stream.indirect.scatter.add.f32 [tilespmem:s31], [sflag:$0x2], $0x10, s11, s2, $0xb8;
	[tilespmem:$0xE840] =	vst v63  }
0xa1: {  	s7 =	sadd.s32 $0x1000, s7;
	s11 =	sadd.s32 $0xCE80, s10  }
0xa2: {  	[spmem:s1] =	stream.indirect.scatter.add.f32 [tilespmem:s31], [sflag:$0x2], $0x10, s11, s2, $0xb8;
	[tilespmem:$0xE840] =	vst v63  }
0xa3: {  	s8 =	sadd.s32 $0x1, s8;
	s9 =	sadd.s32 $0x80, s9;
	s10 =	sadd.s32 $0xCF80, s10  }
0xa4: {  	[spmem:s1] =	stream.indirect.scatter.add.f32 [tilespmem:s31], [sflag:$0x2], $0x10, s10, s2, $0xb8;
	[tilespmem:$0xE840] =	vst v63  }
0xa5: {  	_ =	swait.ge [sflag:s0], $0x800  }
0xa6: {  	[sflag:s0] =	ssyncset.done $0x0  }
0xa7: {  	[sflag:s0] =	ssyncadd.s32 $0xFFFFF800  }
0xa8: {  	_ =	swait.ge [sflag:s0], $0x800  }
0xa9: {  	[sflag:s0] =	ssyncset.done $0x0  }
0xaa: {  	[sflag:s0] =	ssyncadd.s32 $0xFFFFF800  }
0xab: {  	_ =	swait.ge [sflag:s0], $0x800  }
0xac: {  	[sflag:s0] =	ssyncset.done $0x0  }
0xad: {  	[sflag:s0] =	ssyncadd.s32 $0xFFFFF800  }
0xae: {  	_ =	swait.ge [sflag:s0], $0x800  }
0xaf: {  	s5 =	stileid.u32;
	[sflag:s0] =	ssyncset.done $0x0  }
0xb0: {  	s5 =	sshll.u32 s5, $0x6;
	[sflag:s0] =	ssyncadd.s32 $0xFFFFF800  }
0xb1: {  	s5 =	sor.u32 $0x1C03, s5;
	[bflag:$0x0] =	sbarrier.arrive $0xFFFF  }
0xb2: {  	[hbm:s20], [sflag:s5] =	dma.local [spmem:s25], $0x1880  }
0xb3: {  	_ =	swait.ge [sflag:s29], $0x1880  }
0xb4: {  	s4 =	sadd.s32 $0x1, s4;
	s12 =	rddreg [dreg:$0x5]  }
0xb5: {  	p0 =	sne.s32 s4, s12  }
.Ltmp3:
0xb6: {  	_ = 	snop;
	(pc) =	sbr.rel @p0 .LBB2_1-.Ltmp3, $3  }
0xb7: {  	_ =	sdelay $0x1  }
0xb8: {  	[sflag:s29] =	ssyncset.done $0x0  }
0xb9: {  	[sflag:s29] =	ssyncadd.s32 $0xFFFFE780  }
0xba: {  	_ =	sfence.sel $0x180000  }
0xbb: {  	[bflag:$0x0] =	sbarrier.arrive $0xFFFF  }
0xbc: {  	_ =	strace $0x90000047  }
0xbd: {  	s0 =	stileid.u32;
	[bflag:$0x2] =	sbarrier.arrive $0xFFFF  }
0xbe: {  	p0 =	sne.s32 s0, $0x0;
	s0 =	rddreg [dreg:$0x2]  }
0xbf: {  	s0 =	sadd.s32 @!p0 $0x100000, s0  }
0xc0: {  	[sflag:s0] =	ssyncadd.tile.s32 @!p0 $0x1;
	_ =	shalt  }
.Lfunc_end2:
_tile_overlayer_lowered:
.L_overlay_start_2:
0xc1: {  	(tag) =	ssettag $0x2  }
0xc2: {  	s0 =	rddreg [dreg:$0x0];
	s2 =	stileid.u32  }
0xc3: {  	s1 =	rddreg [dreg:$0x1];
	p0 =	sne.s32 s2, $0x0  }
0xc4: {  	s3 =	rddreg [dreg:$0x2];
	[bflag:$0x3] =	sbarrier.arrive $0xFFFF;
	s2 =	simm.s32 @!p0 $0x1C03  }
0xc5: {  	[timem:s3], [sflag:s2] =	dma.local @!p0 [hbm:s0], s1  }
0xc6: {  	s0 =	simm.s32 @!p0 $0x3  }
0xc7: {  	_ =	swait.ge @!p0 [sflag:s0], s1  }
0xc8: {  	s1 =	ssub.s32 @!p0 $0x0, s1;
	[sflag:s0] =	ssyncset.done @!p0 $0x0  }
0xc9: {  	[sflag:s0] =	ssyncadd.s32 @!p0 s1  }
0xca: {  	[bflag:$0x3] =	sbarrier.arrive $0xFFFF  }
0xcb: {  	_ =	shalt  }

</sc_bundles>
